<compile_context>
chip_gen: v7x
topology: tpu7x:2x2x1
jax: 0.10.2.dev20260603
libtpu: 0.0.44.dev20260713+nightly
codegen_flags: <defaults>
</compile_context>

<pallas_src>
import functools

import numpy as np
import jax
import jax.numpy as jnp
from jax import lax
from jax.experimental import pallas as pl
from jax.experimental.pallas import tpu as pltpu
from jax.experimental.pallas import tpu_sc as plsc

_K = 5
_N_LIB = 64
_D = 1024
_OUT = 224


def _resize_mat(n_in, n_out=_OUT):
    scale = n_out / n_in
    sample_f = (np.arange(n_out) + 0.5) / scale - 0.5
    x = np.abs(sample_f[:, None] - np.arange(n_in)[None, :])
    w = np.clip(1.0 - x, 0.0, 1.0)
    tot = w.sum(axis=1, keepdims=True)
    w = np.where(np.abs(tot) > 1e-7, w / tot, 0.0)
    w = np.where(((sample_f >= -0.5) & (sample_f <= n_in - 0.5))[:, None], w, 0.0)
    return w


def _blur_mat(n=_OUT, ksize=5, sigma=1.0):
    ax = np.arange(ksize, dtype=np.float64) - (ksize - 1) / 2.0
    k1 = np.exp(-0.5 * (ax / sigma) ** 2)
    k1 = k1 / k1.sum()
    g = np.zeros((n, n))
    for dpos in range(ksize):
        off = dpos - (ksize - 1) // 2
        for i in range(n):
            j = i + off
            if 0 <= j < n:
                g[i, j] = k1[dpos]
    return g


_G = _blur_mat()
_M1 = (_G @ _resize_mat(56)).astype(np.float32)
_M2 = (_G @ _resize_mat(28)).astype(np.float32)
_M3 = (_G @ _resize_mat(14)).astype(np.float32)


_GATHER_DNUMS = lax.GatherDimensionNumbers(
    offset_dims=(), collapsed_slice_dims=(0,), start_index_map=(0,))


def _lane_shuffle(vec, p):
    return lax.gather(vec, p.reshape(16, 1), _GATHER_DNUMS, slice_sizes=(1,),
                      mode=lax.GatherScatterMode.PROMISE_IN_BOUNDS)


def _all_lanes(vec, lane, op):
    for sh in (1, 2, 4, 8):
        vec = op(vec, _lane_shuffle(vec, lane ^ sh))
    return vec


def _topk_sc(z, z_lib):
    mesh = plsc.VectorSubcoreMesh(core_axis_name="c", subcore_axis_name="s")
    rows_per_tile = _N_LIB // 16

    @functools.partial(
        pl.kernel,
        mesh=mesh,
        out_type=jax.ShapeDtypeStruct((16, 16), jnp.float32),
        scratch_types=[
            pltpu.VMEM((_D,), jnp.float32),
            pltpu.VMEM((rows_per_tile, _D), jnp.float32),
            pltpu.VMEM((16,), jnp.float32),
        ],
    )
    def dist_k(z_hbm, zlib_hbm, dmat_hbm, z_v, rows_v, dv_v):
        cid = lax.axis_index("c")
        sid = lax.axis_index("s")
        lane = lax.iota(jnp.int32, 16)

        base = sid * rows_per_tile
        pltpu.sync_copy(z_hbm.at[0], z_v)
        pltpu.sync_copy(zlib_hbm.at[pl.ds(base, rows_per_tile)], rows_v)
        dvec = jnp.full((16,), jnp.inf, jnp.float32)
        for r in range(rows_per_tile):
            def body(j, acc, r=r):
                a = rows_v[r, pl.ds(j * 16, 16)]
                b = z_v[pl.ds(j * 16, 16)]
                t = a - b
                return acc + t * t
            acc = lax.fori_loop(0, _D // 16, body,
                                jnp.zeros((16,), jnp.float32))
            dist2 = _all_lanes(acc, lane, jnp.add)
            dvec = jnp.where(lane == r, dist2, dvec)
        dv_v[...] = dvec

        @pl.when(cid == 0)
        def _():
            pltpu.sync_copy(dv_v, dmat_hbm.at[sid])

    @functools.partial(
        pl.kernel,
        mesh=mesh,
        out_type=[
            jax.ShapeDtypeStruct((16,), jnp.int32),
            jax.ShapeDtypeStruct((16,), jnp.float32),
        ],
        scratch_types=[
            pltpu.VMEM((16, 16), jnp.float32),
            pltpu.VMEM((16,), jnp.int32),
            pltpu.VMEM((16,), jnp.float32),
        ],
    )
    def merge_k(dmat_hbm, idx_hbm, val_hbm, all_v, idxs_v, vals_v):
        cid = lax.axis_index("c")
        sid = lax.axis_index("s")
        lane = lax.iota(jnp.int32, 16)

        @pl.when((cid == 0) & (sid == 0))
        def _():
            pltpu.sync_copy(dmat_hbm, all_v)
            dvecs = [all_v[t] for t in range(16)]
            idx_res = jnp.zeros((16,), jnp.int32)
            val_res = jnp.zeros((16,), jnp.float32)
            for rnd in range(_K):
                m = dvecs[0]
                for t in range(1, 16):
                    m = jnp.minimum(m, dvecs[t])
                mval = _all_lanes(m, lane, jnp.minimum)
                sel = jnp.full((16,), 127, jnp.int32)
                for t in range(16):
                    gidx = lane + t * rows_per_tile
                    sel = jnp.minimum(sel, jnp.where(dvecs[t] == mval, gidx, 127))
                sel_idx = _all_lanes(sel, lane, jnp.minimum)
                for t in range(16):
                    gidx = lane + t * rows_per_tile
                    dvecs[t] = jnp.where(gidx == sel_idx, jnp.inf, dvecs[t])
                idx_res = jnp.where(lane == rnd, sel_idx, idx_res)
                val_res = jnp.where(lane == rnd, mval, val_res)
            idxs_v[...] = idx_res
            vals_v[...] = val_res
            pltpu.sync_copy(idxs_v, idx_hbm)
            pltpu.sync_copy(vals_v, val_hbm)

    dmat = dist_k(z, z_lib)
    return merge_k(dmat)


def _min_maps_cm(idx5, l1v, f1v, l2v, f2v, l3v, f3v, interpret=False):
    p1, c1 = f1v.shape
    p2, c2 = f2v.shape
    p3, c3 = f3v.shape

    def body(idx_ref, l1, a1, l2h, a2, l3h, a3, o1, o2, o3,
             b2, b3, sem2, sem3):
        kstep = pl.program_id(0)

        def start(slot, kk):
            pltpu.make_async_copy(
                l2h.at[:, idx_ref[kk], :], b2.at[slot], sem2.at[slot]).start()
            pltpu.make_async_copy(
                l3h.at[:, idx_ref[kk], :], b3.at[slot], sem3.at[slot]).start()

        @pl.when(kstep == 0)
        def _():
            start(0, 0)

        slot = lax.rem(kstep, 2)

        def acc(o, ss):
            @pl.when(kstep == 0)
            def _():
                o[...] = ss

            @pl.when(kstep > 0)
            def _():
                o[...] = jnp.minimum(o[...], ss)

        d1 = l1[...] - a1[...]
        acc(o1, jnp.sum(d1 * d1, axis=1, keepdims=True))

        pltpu.make_async_copy(
            l2h.at[:, idx_ref[kstep], :], b2.at[slot], sem2.at[slot]).wait()
        pltpu.make_async_copy(
            l3h.at[:, idx_ref[kstep], :], b3.at[slot], sem3.at[slot]).wait()

        @pl.when(kstep + 1 < _K)
        def _():
            start(lax.rem(kstep + 1, 2), kstep + 1)

        d2 = b2[slot] - a2[...]
        acc(o2, jnp.sum(d2 * d2, axis=1, keepdims=True))
        d3 = b3[slot] - a3[...]
        acc(o3, jnp.sum(d3 * d3, axis=1, keepdims=True))

    grid_spec = pltpu.PrefetchScalarGridSpec(
        num_scalar_prefetch=1,
        grid=(_K,),
        in_specs=[
            pl.BlockSpec((None, p1, c1), lambda k, idx: (idx[k], 0, 0)),
            pl.BlockSpec((p1, c1), lambda k, idx: (0, 0)),
            pl.BlockSpec(memory_space=pltpu.MemorySpace.HBM),
            pl.BlockSpec((p2, c2), lambda k, idx: (0, 0)),
            pl.BlockSpec(memory_space=pltpu.MemorySpace.HBM),
            pl.BlockSpec((p3, c3), lambda k, idx: (0, 0)),
        ],
        out_specs=[
            pl.BlockSpec((p1, 1), lambda k, idx: (0, 0)),
            pl.BlockSpec((p2, 1), lambda k, idx: (0, 0)),
            pl.BlockSpec((p3, 1), lambda k, idx: (0, 0)),
        ],
        scratch_shapes=[
            pltpu.VMEM((2, p2, c2), jnp.float32),
            pltpu.VMEM((2, p3, c3), jnp.float32),
            pltpu.SemaphoreType.DMA((2,)),
            pltpu.SemaphoreType.DMA((2,)),
        ],
    )
    return pl.pallas_call(
        body,
        grid_spec=grid_spec,
        out_shape=[
            jax.ShapeDtypeStruct((p1, 1), jnp.float32),
            jax.ShapeDtypeStruct((p2, 1), jnp.float32),
            jax.ShapeDtypeStruct((p3, 1), jnp.float32),
        ],
        interpret=interpret,
    )(idx5, l1v, f1v, l2v, f2v, l3v, f3v)


def _combine(s1, s2, s3, vals, m1, m2, m3, interpret=False):
    def body(s1r, s2r, s3r, vr, m1r, m2r, m3r, outr, zr):
        acc = None
        for sr, mr in ((s1r, m1r), (s2r, m2r), (s3r, m3r)):
            s = jnp.sqrt(sr[...])
            m = mr[...]
            t = lax.dot_general(m, s, (((1,), (0,)), ((), ())),
                                precision=lax.Precision.HIGHEST,
                                preferred_element_type=jnp.float32)
            u = lax.dot_general(t, m, (((1,), (1,)), ((), ())),
                                precision=lax.Precision.HIGHEST,
                                preferred_element_type=jnp.float32)
            acc = u if acc is None else acc + u
        outr[...] = acc
        v = vr[...]
        lane = lax.broadcasted_iota(jnp.int32, (1, 16), 1)
        w = jnp.where(lane < _K, jnp.sqrt(v), 0.0)
        zr[...] = jnp.sum(w, axis=(0, 1), keepdims=True) * (1.0 / _K)

    return pl.pallas_call(
        body,
        out_shape=[
            jax.ShapeDtypeStruct((_OUT, _OUT), jnp.float32),
            jax.ShapeDtypeStruct((1, 1), jnp.float32),
        ],
        interpret=interpret,
    )(s1, s2, s3, vals, m1, m2, m3)


def kernel(z, z_lib, fmap1, fmap2, fmap3, fmap_lib1, fmap_lib2, fmap_lib3):
    idx16, val16 = _topk_sc(z, z_lib)
    idx5 = idx16

    l1v = fmap_lib1.transpose(0, 2, 3, 1).reshape(_N_LIB, 56 * 56, 256)
    f1v = fmap1.transpose(0, 2, 3, 1).reshape(56 * 56, 256)
    l2v = fmap_lib2.transpose(2, 3, 0, 1).reshape(28 * 28, _N_LIB, 512)
    f2v = fmap2.transpose(2, 3, 0, 1).reshape(28 * 28, 512)
    l3v = fmap_lib3.transpose(2, 3, 0, 1).reshape(14 * 14, _N_LIB, 1024)
    f3v = fmap3.transpose(2, 3, 0, 1).reshape(14 * 14, 1024)

    s1, s2, s3 = _min_maps_cm(idx5, l1v, f1v, l2v, f2v, l3v, f3v)

    out, zsc = _combine(
        s1.reshape(56, 56), s2.reshape(28, 28), s3.reshape(14, 14),
        val16.reshape(1, 16),
        jnp.asarray(_M1), jnp.asarray(_M2), jnp.asarray(_M3),
    )
    return zsc[0, 0], out.reshape(1, 1, _OUT, _OUT)

# --- scband reference (transcript-rebuilt; emitter-appended) ---
"""Pipeline reference for scband-spade-27204322853709 (READ-ONLY COPY).

The authoritative reference and input builder live on the scoring server;
editing this copy changes nothing except your own understanding.
"""

import jax, jax.numpy as jnp
import numpy as np

K = 5
IMAGE_SIZE = 224
N_LIB = 64


def _gaussian_blur(x, ksize=5, sigma=1.0):
    ax = jnp.arange(ksize, dtype=jnp.float32) - (ksize - 1) / 2.0
    k1 = jnp.exp(-0.5 * (ax / sigma) ** 2)
    k1 = k1 / k1.sum()
    k2 = jnp.outer(k1, k1)[None, None, :, :]
    return jax.lax.conv_general_dilated(x, k2, (1, 1), 'SAME', dimension_numbers=('NCHW', 'OIHW', 'NCHW'))


def setup_inputs(seed: int = 0):
    key = jax.random.key(seed)
    ks = jax.random.split(key, 8)
    return {
        'z': jax.random.normal(ks[0], (1, 1024), dtype=jnp.float32),
        'z_lib': jax.random.normal(ks[1], (N_LIB, 1024), dtype=jnp.float32),
        'fmap1': jax.random.normal(ks[2], (1, 256, 56, 56), dtype=jnp.float32),
        'fmap2': jax.random.normal(ks[3], (1, 512, 28, 28), dtype=jnp.float32),
        'fmap3': jax.random.normal(ks[4], (1, 1024, 14, 14), dtype=jnp.float32),
        'fmap_lib1': jax.random.normal(ks[5], (N_LIB, 256, 56, 56), dtype=jnp.float32),
        'fmap_lib2': jax.random.normal(ks[6], (N_LIB, 512, 28, 28), dtype=jnp.float32),
        'fmap_lib3': jax.random.normal(ks[7], (N_LIB, 1024, 14, 14), dtype=jnp.float32),
    }


def reference(z, z_lib, fmap1, fmap2, fmap3, fmap_lib1, fmap_lib2, fmap_lib3):
    # SPADE.predict: image-level kNN score + pixel-level anomaly map
    distances = jnp.linalg.norm(z_lib - z, axis=1)  # [N_LIB]
    neg_values, indices = jax.lax.top_k(-distances, K)  # k smallest distances
    values = -neg_values
    z_score = values.mean()
    scaled_s_map = jnp.zeros((1, 1, IMAGE_SIZE, IMAGE_SIZE), dtype=jnp.float32)
    for fmap, lib in ((fmap1, fmap_lib1), (fmap2, fmap_lib2), (fmap3, fmap_lib3)):
        nearest = jnp.take(lib, indices, axis=0)  # index_select, [K, C, H, W]
        d = jnp.linalg.norm(nearest - fmap, axis=1)  # norm over channels -> [K, H, W]
        s_map = jnp.min(d, axis=0, keepdims=True)  # [1, H, W]
        resized = jax.image.resize(s_map[None], (1, 1, IMAGE_SIZE, IMAGE_SIZE), method='bilinear')
        scaled_s_map = scaled_s_map + resized
    scaled_s_map = _gaussian_blur(scaled_s_map)
    return z_score, scaled_s_map

if __name__ == "__main__":
    import jax
    _d = setup_inputs()
    print(jax.jit(kernel)(*tuple(_d.values())))

</pallas_src>

<mosaic_0001>
#map = affine_map<(d0, d1) -> (0, 0)>
#map1 = affine_map<(d0, d1) -> (0)>
module attributes {stable_mosaic.version = 14 : i64} {
  func.func @merge_k(%arg0: i32, %arg1: i32, %arg2: memref<16x16xf32, #tpu.memory_space<hbm>>, %arg3: memref<16xi32, #tpu.memory_space<hbm>>, %arg4: memref<16xf32, #tpu.memory_space<hbm>>, %arg5: memref<16x16xf32, #tpu.memory_space<vmem>>, %arg6: memref<16xi32, #tpu.memory_space<vmem>>, %arg7: memref<16xf32, #tpu.memory_space<vmem>>) attributes {dimension_semantics = [#tpu.dimension_semantics<core_parallel>, #tpu.dimension_semantics<subcore_parallel>], iteration_bounds = array<i64: 2, 16>, scalar_prefetch = 0 : i64, scratch_operands = 3 : i64, tpu.core_type = #tpu.core_type<sc_vector_subcore>, window_params = [{transform_indices = #map}, {transform_indices = #map1}, {transform_indices = #map1}]} {
    %iota3A = tpu.iota {dimensions = array<i32: 0>} : vector<16xi32>
    %eq3A = arith.constant 0 : i32
    %eq3A_0 = arith.cmpi eq, %arg0, %eq3A : i32
    %eq3A_1 = arith.constant 0 : i32
    %eq3A_2 = arith.cmpi eq, %arg1, %eq3A_1 : i32
    %and3A = arith.andi %eq3A_0, %eq3A_2 : i1
    %convert_element_type3A = arith.extui %and3A : i1 to i32
    %cond3A = arith.constant 0 : i32
    %cond3A_3 = arith.cmpi ne, %convert_element_type3A, %cond3A : i32
    scf.if %cond3A_3 {
      "tpu.region"() ({
        %run_scoped3A = tpu.sem_alloc : memref<!tpu.dma_semaphore, #tpu.memory_space<semaphore_mem>>
        tpu.enqueue_dma source(%arg2 : memref<16x16xf32, #tpu.memory_space<hbm>>) target(%arg5 : memref<16x16xf32, #tpu.memory_space<vmem>>) target_semaphore(%run_scoped3A : memref<!tpu.dma_semaphore, #tpu.memory_space<semaphore_mem>>)
        tpu.wait_dma2 semaphore(%run_scoped3A : memref<!tpu.dma_semaphore, #tpu.memory_space<semaphore_mem>>) src(%arg2 : memref<16x16xf32, #tpu.memory_space<hbm>>) dst(%arg5 : memref<16x16xf32, #tpu.memory_space<vmem>>)
        tpu.yield
      }) : () -> ()
      %get3A = arith.constant 0 : i32
      %get3A_4 = arith.index_cast %get3A : i32 to index
      %get3A_5 = arith.constant 0 : index
      %get3A_6 = tpu.vector_load %arg5[%get3A_4, %get3A_5] {strides = array<i32>} : memref<16x16xf32, #tpu.memory_space<vmem>>, vector<1x16xf32>,
      %get3A_7 = vector.shape_cast %get3A_6 : vector<1x16xf32> to vector<16xf32>
      %get3A_8 = arith.constant 1 : i32
      %get3A_9 = arith.index_cast %get3A_8 : i32 to index
      %get3A_10 = arith.constant 0 : index
      %get3A_11 = tpu.vector_load %arg5[%get3A_9, %get3A_10] {strides = array<i32>} : memref<16x16xf32, #tpu.memory_space<vmem>>, vector<1x16xf32>,
      %get3A_12 = vector.shape_cast %get3A_11 : vector<1x16xf32> to vector<16xf32>
      %get3A_13 = arith.constant 2 : i32
      %get3A_14 = arith.index_cast %get3A_13 : i32 to index
      %get3A_15 = arith.constant 0 : index
      %get3A_16 = tpu.vector_load %arg5[%get3A_14, %get3A_15] {strides = array<i32>} : memref<16x16xf32, #tpu.memory_space<vmem>>, vector<1x16xf32>,
      %get3A_17 = vector.shape_cast %get3A_16 : vector<1x16xf32> to vector<16xf32>
      %get3A_18 = arith.constant 3 : i32
      %get3A_19 = arith.index_cast %get3A_18 : i32 to index
      %get3A_20 = arith.constant 0 : index
      %get3A_21 = tpu.vector_load %arg5[%get3A_19, %get3A_20] {strides = array<i32>} : memref<16x16xf32, #tpu.memory_space<vmem>>, vector<1x16xf32>,
      %get3A_22 = vector.shape_cast %get3A_21 : vector<1x16xf32> to vector<16xf32>
      %get3A_23 = arith.constant 4 : i32
      %get3A_24 = arith.index_cast %get3A_23 : i32 to index
      %get3A_25 = arith.constant 0 : index
      %get3A_26 = tpu.vector_load %arg5[%get3A_24, %get3A_25] {strides = array<i32>} : memref<16x16xf32, #tpu.memory_space<vmem>>, vector<1x16xf32>,
      %get3A_27 = vector.shape_cast %get3A_26 : vector<1x16xf32> to vector<16xf32>
      %get3A_28 = arith.constant 5 : i32
      %get3A_29 = arith.index_cast %get3A_28 : i32 to index
      %get3A_30 = arith.constant 0 : index
      %get3A_31 = tpu.vector_load %arg5[%get3A_29, %get3A_30] {strides = array<i32>} : memref<16x16xf32, #tpu.memory_space<vmem>>, vector<1x16xf32>,
      %get3A_32 = vector.shape_cast %get3A_31 : vector<1x16xf32> to vector<16xf32>
      %get3A_33 = arith.constant 6 : i32
      %get3A_34 = arith.index_cast %get3A_33 : i32 to index
      %get3A_35 = arith.constant 0 : index
      %get3A_36 = tpu.vector_load %arg5[%get3A_34, %get3A_35] {strides = array<i32>} : memref<16x16xf32, #tpu.memory_space<vmem>>, vector<1x16xf32>,
      %get3A_37 = vector.shape_cast %get3A_36 : vector<1x16xf32> to vector<16xf32>
      %get3A_38 = arith.constant 7 : i32
      %get3A_39 = arith.index_cast %get3A_38 : i32 to index
      %get3A_40 = arith.constant 0 : index
      %get3A_41 = tpu.vector_load %arg5[%get3A_39, %get3A_40] {strides = array<i32>} : memref<16x16xf32, #tpu.memory_space<vmem>>, vector<1x16xf32>,
      %get3A_42 = vector.shape_cast %get3A_41 : vector<1x16xf32> to vector<16xf32>
      %get3A_43 = arith.constant 8 : i32
      %get3A_44 = arith.index_cast %get3A_43 : i32 to index
      %get3A_45 = arith.constant 0 : index
      %get3A_46 = tpu.vector_load %arg5[%get3A_44, %get3A_45] {strides = array<i32>} : memref<16x16xf32, #tpu.memory_space<vmem>>, vector<1x16xf32>,
      %get3A_47 = vector.shape_cast %get3A_46 : vector<1x16xf32> to vector<16xf32>
      %get3A_48 = arith.constant 9 : i32
      %get3A_49 = arith.index_cast %get3A_48 : i32 to index
      %get3A_50 = arith.constant 0 : index
      %get3A_51 = tpu.vector_load %arg5[%get3A_49, %get3A_50] {strides = array<i32>} : memref<16x16xf32, #tpu.memory_space<vmem>>, vector<1x16xf32>,
      %get3A_52 = vector.shape_cast %get3A_51 : vector<1x16xf32> to vector<16xf32>
      %get3A_53 = arith.constant 10 : i32
      %get3A_54 = arith.index_cast %get3A_53 : i32 to index
      %get3A_55 = arith.constant 0 : index
      %get3A_56 = tpu.vector_load %arg5[%get3A_54, %get3A_55] {strides = array<i32>} : memref<16x16xf32, #tpu.memory_space<vmem>>, vector<1x16xf32>,
      %get3A_57 = vector.shape_cast %get3A_56 : vector<1x16xf32> to vector<16xf32>
      %get3A_58 = arith.constant 11 : i32
      %get3A_59 = arith.index_cast %get3A_58 : i32 to index
      %get3A_60 = arith.constant 0 : index
      %get3A_61 = tpu.vector_load %arg5[%get3A_59, %get3A_60] {strides = array<i32>} : memref<16x16xf32, #tpu.memory_space<vmem>>, vector<1x16xf32>,
      %get3A_62 = vector.shape_cast %get3A_61 : vector<1x16xf32> to vector<16xf32>
      %get3A_63 = arith.constant 12 : i32
      %get3A_64 = arith.index_cast %get3A_63 : i32 to index
      %get3A_65 = arith.constant 0 : index
      %get3A_66 = tpu.vector_load %arg5[%get3A_64, %get3A_65] {strides = array<i32>} : memref<16x16xf32, #tpu.memory_space<vmem>>, vector<1x16xf32>,
      %get3A_67 = vector.shape_cast %get3A_66 : vector<1x16xf32> to vector<16xf32>
      %get3A_68 = arith.constant 13 : i32
      %get3A_69 = arith.index_cast %get3A_68 : i32 to index
      %get3A_70 = arith.constant 0 : index
      %get3A_71 = tpu.vector_load %arg5[%get3A_69, %get3A_70] {strides = array<i32>} : memref<16x16xf32, #tpu.memory_space<vmem>>, vector<1x16xf32>,
      %get3A_72 = vector.shape_cast %get3A_71 : vector<1x16xf32> to vector<16xf32>
      %get3A_73 = arith.constant 14 : i32
      %get3A_74 = arith.index_cast %get3A_73 : i32 to index
      %get3A_75 = arith.constant 0 : index
      %get3A_76 = tpu.vector_load %arg5[%get3A_74, %get3A_75] {strides = array<i32>} : memref<16x16xf32, #tpu.memory_space<vmem>>, vector<1x16xf32>,
      %get3A_77 = vector.shape_cast %get3A_76 : vector<1x16xf32> to vector<16xf32>
      %get3A_78 = arith.constant 15 : i32
      %get3A_79 = arith.index_cast %get3A_78 : i32 to index
      %get3A_80 = arith.constant 0 : index
      %get3A_81 = tpu.vector_load %arg5[%get3A_79, %get3A_80] {strides = array<i32>} : memref<16x16xf32, #tpu.memory_space<vmem>>, vector<1x16xf32>,
      %get3A_82 = vector.shape_cast %get3A_81 : vector<1x16xf32> to vector<16xf32>
      %broadcast_in_dim3A = arith.constant 0 : i32
      %broadcast_in_dim3A_83 = vector.broadcast %broadcast_in_dim3A : i32 to vector<16xi32>
      %broadcast_in_dim3A_84 = arith.constant 0.000000e+00 : f32
      %broadcast_in_dim3A_85 = vector.broadcast %broadcast_in_dim3A_84 : f32 to vector<16xf32>
      %min3A = arith.minimumf %get3A_7, %get3A_12 : vector<16xf32>
      %min3A_86 = arith.minimumf %min3A, %get3A_17 : vector<16xf32>
      %min3A_87 = arith.minimumf %min3A_86, %get3A_22 : vector<16xf32>
      %min3A_88 = arith.minimumf %min3A_87, %get3A_27 : vector<16xf32>
      %min3A_89 = arith.minimumf %min3A_88, %get3A_32 : vector<16xf32>
      %min3A_90 = arith.minimumf %min3A_89, %get3A_37 : vector<16xf32>
      %min3A_91 = arith.minimumf %min3A_90, %get3A_42 : vector<16xf32>
      %min3A_92 = arith.minimumf %min3A_91, %get3A_47 : vector<16xf32>
      %min3A_93 = arith.minimumf %min3A_92, %get3A_52 : vector<16xf32>
      %min3A_94 = arith.minimumf %min3A_93, %get3A_57 : vector<16xf32>
      %min3A_95 = arith.minimumf %min3A_94, %get3A_62 : vector<16xf32>
      %min3A_96 = arith.minimumf %min3A_95, %get3A_67 : vector<16xf32>
      %min3A_97 = arith.minimumf %min3A_96, %get3A_72 : vector<16xf32>
      %min3A_98 = arith.minimumf %min3A_97, %get3A_77 : vector<16xf32>
      %min3A_99 = arith.minimumf %min3A_98, %get3A_82 : vector<16xf32>
      %xor3A = arith.constant 1 : i32
      %xor3A_100 = vector.broadcast %xor3A : i32 to vector<16xi32>
      %xor3A_101 = arith.xori %iota3A, %xor3A_100 : vector<16xi32>
      %reshape3A = vector.shape_cast %xor3A_101 : vector<16xi32> to vector<16x1xi32>
      %gather3A = vector.shape_cast %reshape3A : vector<16x1xi32> to vector<16xi32>
      %gather3A_102 = tpu.dynamic_gather %min3A_99[%gather3A] in [0] : vector<16xf32>, vector<16xi32> -> vector<16xf32>
      %min3A_103 = arith.minimumf %min3A_99, %gather3A_102 : vector<16xf32>
      %xor3A_104 = arith.constant 2 : i32
      %xor3A_105 = vector.broadcast %xor3A_104 : i32 to vector<16xi32>
      %xor3A_106 = arith.xori %iota3A, %xor3A_105 : vector<16xi32>
      %reshape3A_107 = vector.shape_cast %xor3A_106 : vector<16xi32> to vector<16x1xi32>
      %gather3A_108 = vector.shape_cast %reshape3A_107 : vector<16x1xi32> to vector<16xi32>
      %gather3A_109 = tpu.dynamic_gather %min3A_103[%gather3A_108] in [0] : vector<16xf32>, vector<16xi32> -> vector<16xf32>
      %min3A_110 = arith.minimumf %min3A_103, %gather3A_109 : vector<16xf32>
      %xor3A_111 = arith.constant 4 : i32
      %xor3A_112 = vector.broadcast %xor3A_111 : i32 to vector<16xi32>
      %xor3A_113 = arith.xori %iota3A, %xor3A_112 : vector<16xi32>
      %reshape3A_114 = vector.shape_cast %xor3A_113 : vector<16xi32> to vector<16x1xi32>
      %gather3A_115 = vector.shape_cast %reshape3A_114 : vector<16x1xi32> to vector<16xi32>
      %gather3A_116 = tpu.dynamic_gather %min3A_110[%gather3A_115] in [0] : vector<16xf32>, vector<16xi32> -> vector<16xf32>
      %min3A_117 = arith.minimumf %min3A_110, %gather3A_116 : vector<16xf32>
      %xor3A_118 = arith.constant 8 : i32
      %xor3A_119 = vector.broadcast %xor3A_118 : i32 to vector<16xi32>
      %xor3A_120 = arith.xori %iota3A, %xor3A_119 : vector<16xi32>
      %reshape3A_121 = vector.shape_cast %xor3A_120 : vector<16xi32> to vector<16x1xi32>
      %gather3A_122 = vector.shape_cast %reshape3A_121 : vector<16x1xi32> to vector<16xi32>
      %gather3A_123 = tpu.dynamic_gather %min3A_117[%gather3A_122] in [0] : vector<16xf32>, vector<16xi32> -> vector<16xf32>
      %min3A_124 = arith.minimumf %min3A_117, %gather3A_123 : vector<16xf32>
      %broadcast_in_dim3A_125 = arith.constant 127 : i32
      %broadcast_in_dim3A_126 = vector.broadcast %broadcast_in_dim3A_125 : i32 to vector<16xi32>
      %add3A = arith.constant 0 : i32
      %add3A_127 = vector.broadcast %add3A : i32 to vector<16xi32>
      %add3A_128 = arith.addi %iota3A, %add3A_127 : vector<16xi32>
      %eq3A_129 = arith.cmpf oeq, %get3A_7, %min3A_124 : vector<16xf32>
      %jit3A = arith.constant 127 : i32
      %broadcast_in_dim3A_130 = vector.broadcast %jit3A : i32 to vector<16xi32>
      %select_n3A = arith.select %eq3A_129, %add3A_128, %broadcast_in_dim3A_130 : vector<16xi1>, vector<16xi32>
      %min3A_131 = arith.minsi %broadcast_in_dim3A_126, %select_n3A : vector<16xi32>
      %add3A_132 = arith.constant 4 : i32
      %add3A_133 = vector.broadcast %add3A_132 : i32 to vector<16xi32>
      %add3A_134 = arith.addi %iota3A, %add3A_133 : vector<16xi32>
      %eq3A_135 = arith.cmpf oeq, %get3A_12, %min3A_124 : vector<16xf32>
      %jit3A_136 = arith.constant 127 : i32
      %broadcast_in_dim3A_137 = vector.broadcast %jit3A_136 : i32 to vector<16xi32>
      %select_n3A_138 = arith.select %eq3A_135, %add3A_134, %broadcast_in_dim3A_137 : vector<16xi1>, vector<16xi32>
      %min3A_139 = arith.minsi %min3A_131, %select_n3A_138 : vector<16xi32>
      %add3A_140 = arith.constant 8 : i32
      %add3A_141 = vector.broadcast %add3A_140 : i32 to vector<16xi32>
      %add3A_142 = arith.addi %iota3A, %add3A_141 : vector<16xi32>
      %eq3A_143 = arith.cmpf oeq, %get3A_17, %min3A_124 : vector<16xf32>
      %jit3A_144 = arith.constant 127 : i32
      %broadcast_in_dim3A_145 = vector.broadcast %jit3A_144 : i32 to vector<16xi32>
      %select_n3A_146 = arith.select %eq3A_143, %add3A_142, %broadcast_in_dim3A_145 : vector<16xi1>, vector<16xi32>
      %min3A_147 = arith.minsi %min3A_139, %select_n3A_146 : vector<16xi32>
      %add3A_148 = arith.constant 12 : i32
      %add3A_149 = vector.broadcast %add3A_148 : i32 to vector<16xi32>
      %add3A_150 = arith.addi %iota3A, %add3A_149 : vector<16xi32>
      %eq3A_151 = arith.cmpf oeq, %get3A_22, %min3A_124 : vector<16xf32>
      %jit3A_152 = arith.constant 127 : i32
      %broadcast_in_dim3A_153 = vector.broadcast %jit3A_152 : i32 to vector<16xi32>
      %select_n3A_154 = arith.select %eq3A_151, %add3A_150, %broadcast_in_dim3A_153 : vector<16xi1>, vector<16xi32>
      %min3A_155 = arith.minsi %min3A_147, %select_n3A_154 : vector<16xi32>
      %add3A_156 = arith.constant 16 : i32
      %add3A_157 = vector.broadcast %add3A_156 : i32 to vector<16xi32>
      %add3A_158 = arith.addi %iota3A, %add3A_157 : vector<16xi32>
      %eq3A_159 = arith.cmpf oeq, %get3A_27, %min3A_124 : vector<16xf32>
      %jit3A_160 = arith.constant 127 : i32
      %broadcast_in_dim3A_161 = vector.broadcast %jit3A_160 : i32 to vector<16xi32>
      %select_n3A_162 = arith.select %eq3A_159, %add3A_158, %broadcast_in_dim3A_161 : vector<16xi1>, vector<16xi32>
      %min3A_163 = arith.minsi %min3A_155, %select_n3A_162 : vector<16xi32>
      %add3A_164 = arith.constant 20 : i32
      %add3A_165 = vector.broadcast %add3A_164 : i32 to vector<16xi32>
      %add3A_166 = arith.addi %iota3A, %add3A_165 : vector<16xi32>
      %eq3A_167 = arith.cmpf oeq, %get3A_32, %min3A_124 : vector<16xf32>
      %jit3A_168 = arith.constant 127 : i32
      %broadcast_in_dim3A_169 = vector.broadcast %jit3A_168 : i32 to vector<16xi32>
      %select_n3A_170 = arith.select %eq3A_167, %add3A_166, %broadcast_in_dim3A_169 : vector<16xi1>, vector<16xi32>
      %min3A_171 = arith.minsi %min3A_163, %select_n3A_170 : vector<16xi32>
      %add3A_172 = arith.constant 24 : i32
      %add3A_173 = vector.broadcast %add3A_172 : i32 to vector<16xi32>
      %add3A_174 = arith.addi %iota3A, %add3A_173 : vector<16xi32>
      %eq3A_175 = arith.cmpf oeq, %get3A_37, %min3A_124 : vector<16xf32>
      %jit3A_176 = arith.constant 127 : i32
      %broadcast_in_dim3A_177 = vector.broadcast %jit3A_176 : i32 to vector<16xi32>
      %select_n3A_178 = arith.select %eq3A_175, %add3A_174, %broadcast_in_dim3A_177 : vector<16xi1>, vector<16xi32>
      %min3A_179 = arith.minsi %min3A_171, %select_n3A_178 : vector<16xi32>
      %add3A_180 = arith.constant 28 : i32
      %add3A_181 = vector.broadcast %add3A_180 : i32 to vector<16xi32>
      %add3A_182 = arith.addi %iota3A, %add3A_181 : vector<16xi32>
      %eq3A_183 = arith.cmpf oeq, %get3A_42, %min3A_124 : vector<16xf32>
      %jit3A_184 = arith.constant 127 : i32
      %broadcast_in_dim3A_185 = vector.broadcast %jit3A_184 : i32 to vector<16xi32>
      %select_n3A_186 = arith.select %eq3A_183, %add3A_182, %broadcast_in_dim3A_185 : vector<16xi1>, vector<16xi32>
      %min3A_187 = arith.minsi %min3A_179, %select_n3A_186 : vector<16xi32>
      %add3A_188 = arith.constant 32 : i32
      %add3A_189 = vector.broadcast %add3A_188 : i32 to vector<16xi32>
      %add3A_190 = arith.addi %iota3A, %add3A_189 : vector<16xi32>
      %eq3A_191 = arith.cmpf oeq, %get3A_47, %min3A_124 : vector<16xf32>
      %jit3A_192 = arith.constant 127 : i32
      %broadcast_in_dim3A_193 = vector.broadcast %jit3A_192 : i32 to vector<16xi32>
      %select_n3A_194 = arith.select %eq3A_191, %add3A_190, %broadcast_in_dim3A_193 : vector<16xi1>, vector<16xi32>
      %min3A_195 = arith.minsi %min3A_187, %select_n3A_194 : vector<16xi32>
      %add3A_196 = arith.constant 36 : i32
      %add3A_197 = vector.broadcast %add3A_196 : i32 to vector<16xi32>
      %add3A_198 = arith.addi %iota3A, %add3A_197 : vector<16xi32>
      %eq3A_199 = arith.cmpf oeq, %get3A_52, %min3A_124 : vector<16xf32>
      %jit3A_200 = arith.constant 127 : i32
      %broadcast_in_dim3A_201 = vector.broadcast %jit3A_200 : i32 to vector<16xi32>
      %select_n3A_202 = arith.select %eq3A_199, %add3A_198, %broadcast_in_dim3A_201 : vector<16xi1>, vector<16xi32>
      %min3A_203 = arith.minsi %min3A_195, %select_n3A_202 : vector<16xi32>
      %add3A_204 = arith.constant 40 : i32
      %add3A_205 = vector.broadcast %add3A_204 : i32 to vector<16xi32>
      %add3A_206 = arith.addi %iota3A, %add3A_205 : vector<16xi32>
      %eq3A_207 = arith.cmpf oeq, %get3A_57, %min3A_124 : vector<16xf32>
      %jit3A_208 = arith.constant 127 : i32
      %broadcast_in_dim3A_209 = vector.broadcast %jit3A_208 : i32 to vector<16xi32>
      %select_n3A_210 = arith.select %eq3A_207, %add3A_206, %broadcast_in_dim3A_209 : vector<16xi1>, vector<16xi32>
      %min3A_211 = arith.minsi %min3A_203, %select_n3A_210 : vector<16xi32>
      %add3A_212 = arith.constant 44 : i32
      %add3A_213 = vector.broadcast %add3A_212 : i32 to vector<16xi32>
      %add3A_214 = arith.addi %iota3A, %add3A_213 : vector<16xi32>
      %eq3A_215 = arith.cmpf oeq, %get3A_62, %min3A_124 : vector<16xf32>
      %jit3A_216 = arith.constant 127 : i32
      %broadcast_in_dim3A_217 = vector.broadcast %jit3A_216 : i32 to vector<16xi32>
      %select_n3A_218 = arith.select %eq3A_215, %add3A_214, %broadcast_in_dim3A_217 : vector<16xi1>, vector<16xi32>
      %min3A_219 = arith.minsi %min3A_211, %select_n3A_218 : vector<16xi32>
      %add3A_220 = arith.constant 48 : i32
      %add3A_221 = vector.broadcast %add3A_220 : i32 to vector<16xi32>
      %add3A_222 = arith.addi %iota3A, %add3A_221 : vector<16xi32>
      %eq3A_223 = arith.cmpf oeq, %get3A_67, %min3A_124 : vector<16xf32>
      %jit3A_224 = arith.constant 127 : i32
      %broadcast_in_dim3A_225 = vector.broadcast %jit3A_224 : i32 to vector<16xi32>
      %select_n3A_226 = arith.select %eq3A_223, %add3A_222, %broadcast_in_dim3A_225 : vector<16xi1>, vector<16xi32>
      %min3A_227 = arith.minsi %min3A_219, %select_n3A_226 : vector<16xi32>
      %add3A_228 = arith.constant 52 : i32
      %add3A_229 = vector.broadcast %add3A_228 : i32 to vector<16xi32>
      %add3A_230 = arith.addi %iota3A, %add3A_229 : vector<16xi32>
      %eq3A_231 = arith.cmpf oeq, %get3A_72, %min3A_124 : vector<16xf32>
      %jit3A_232 = arith.constant 127 : i32
      %broadcast_in_dim3A_233 = vector.broadcast %jit3A_232 : i32 to vector<16xi32>
      %select_n3A_234 = arith.select %eq3A_231, %add3A_230, %broadcast_in_dim3A_233 : vector<16xi1>, vector<16xi32>
      %min3A_235 = arith.minsi %min3A_227, %select_n3A_234 : vector<16xi32>
      %add3A_236 = arith.constant 56 : i32
      %add3A_237 = vector.broadcast %add3A_236 : i32 to vector<16xi32>
      %add3A_238 = arith.addi %iota3A, %add3A_237 : vector<16xi32>
      %eq3A_239 = arith.cmpf oeq, %get3A_77, %min3A_124 : vector<16xf32>
      %jit3A_240 = arith.constant 127 : i32
      %broadcast_in_dim3A_241 = vector.broadcast %jit3A_240 : i32 to vector<16xi32>
      %select_n3A_242 = arith.select %eq3A_239, %add3A_238, %broadcast_in_dim3A_241 : vector<16xi1>, vector<16xi32>
      %min3A_243 = arith.minsi %min3A_235, %select_n3A_242 : vector<16xi32>
      %add3A_244 = arith.constant 60 : i32
      %add3A_245 = vector.broadcast %add3A_244 : i32 to vector<16xi32>
      %add3A_246 = arith.addi %iota3A, %add3A_245 : vector<16xi32>
      %eq3A_247 = arith.cmpf oeq, %get3A_82, %min3A_124 : vector<16xf32>
      %jit3A_248 = arith.constant 127 : i32
      %broadcast_in_dim3A_249 = vector.broadcast %jit3A_248 : i32 to vector<16xi32>
      %select_n3A_250 = arith.select %eq3A_247, %add3A_246, %broadcast_in_dim3A_249 : vector<16xi1>, vector<16xi32>
      %min3A_251 = arith.minsi %min3A_243, %select_n3A_250 : vector<16xi32>
      %xor3A_252 = arith.constant 1 : i32
      %xor3A_253 = vector.broadcast %xor3A_252 : i32 to vector<16xi32>
      %xor3A_254 = arith.xori %iota3A, %xor3A_253 : vector<16xi32>
      %reshape3A_255 = vector.shape_cast %xor3A_254 : vector<16xi32> to vector<16x1xi32>
      %gather3A_256 = vector.shape_cast %reshape3A_255 : vector<16x1xi32> to vector<16xi32>
      %gather3A_257 = tpu.dynamic_gather %min3A_251[%gather3A_256] in [0] : vector<16xi32>, vector<16xi32> -> vector<16xi32>
      %min3A_258 = arith.minsi %min3A_251, %gather3A_257 : vector<16xi32>
      %xor3A_259 = arith.constant 2 : i32
      %xor3A_260 = vector.broadcast %xor3A_259 : i32 to vector<16xi32>
      %xor3A_261 = arith.xori %iota3A, %xor3A_260 : vector<16xi32>
      %reshape3A_262 = vector.shape_cast %xor3A_261 : vector<16xi32> to vector<16x1xi32>
      %gather3A_263 = vector.shape_cast %reshape3A_262 : vector<16x1xi32> to vector<16xi32>
      %gather3A_264 = tpu.dynamic_gather %min3A_258[%gather3A_263] in [0] : vector<16xi32>, vector<16xi32> -> vector<16xi32>
      %min3A_265 = arith.minsi %min3A_258, %gather3A_264 : vector<16xi32>
      %xor3A_266 = arith.constant 4 : i32
      %xor3A_267 = vector.broadcast %xor3A_266 : i32 to vector<16xi32>
      %xor3A_268 = arith.xori %iota3A, %xor3A_267 : vector<16xi32>
      %reshape3A_269 = vector.shape_cast %xor3A_268 : vector<16xi32> to vector<16x1xi32>
      %gather3A_270 = vector.shape_cast %reshape3A_269 : vector<16x1xi32> to vector<16xi32>
      %gather3A_271 = tpu.dynamic_gather %min3A_265[%gather3A_270] in [0] : vector<16xi32>, vector<16xi32> -> vector<16xi32>
      %min3A_272 = arith.minsi %min3A_265, %gather3A_271 : vector<16xi32>
      %xor3A_273 = arith.constant 8 : i32
      %xor3A_274 = vector.broadcast %xor3A_273 : i32 to vector<16xi32>
      %xor3A_275 = arith.xori %iota3A, %xor3A_274 : vector<16xi32>
      %reshape3A_276 = vector.shape_cast %xor3A_275 : vector<16xi32> to vector<16x1xi32>
      %gather3A_277 = vector.shape_cast %reshape3A_276 : vector<16x1xi32> to vector<16xi32>
      %gather3A_278 = tpu.dynamic_gather %min3A_272[%gather3A_277] in [0] : vector<16xi32>, vector<16xi32> -> vector<16xi32>
      %min3A_279 = arith.minsi %min3A_272, %gather3A_278 : vector<16xi32>
      %add3A_280 = arith.constant 0 : i32
      %add3A_281 = vector.broadcast %add3A_280 : i32 to vector<16xi32>
      %add3A_282 = arith.addi %iota3A, %add3A_281 : vector<16xi32>
      %eq3A_283 = arith.cmpi eq, %add3A_282, %min3A_279 : vector<16xi32>
      %jit3A_284 = arith.constant 0x7F800000 : f32
      %broadcast_in_dim3A_285 = vector.broadcast %jit3A_284 : f32 to vector<16xf32>
      %select_n3A_286 = arith.select %eq3A_283, %broadcast_in_dim3A_285, %get3A_7 : vector<16xi1>, vector<16xf32>
      %add3A_287 = arith.constant 4 : i32
      %add3A_288 = vector.broadcast %add3A_287 : i32 to vector<16xi32>
      %add3A_289 = arith.addi %iota3A, %add3A_288 : vector<16xi32>
      %eq3A_290 = arith.cmpi eq, %add3A_289, %min3A_279 : vector<16xi32>
      %jit3A_291 = arith.constant 0x7F800000 : f32
      %broadcast_in_dim3A_292 = vector.broadcast %jit3A_291 : f32 to vector<16xf32>
      %select_n3A_293 = arith.select %eq3A_290, %broadcast_in_dim3A_292, %get3A_12 : vector<16xi1>, vector<16xf32>
      %add3A_294 = arith.constant 8 : i32
      %add3A_295 = vector.broadcast %add3A_294 : i32 to vector<16xi32>
      %add3A_296 = arith.addi %iota3A, %add3A_295 : vector<16xi32>
      %eq3A_297 = arith.cmpi eq, %add3A_296, %min3A_279 : vector<16xi32>
      %jit3A_298 = arith.constant 0x7F800000 : f32
      %broadcast_in_dim3A_299 = vector.broadcast %jit3A_298 : f32 to vector<16xf32>
      %select_n3A_300 = arith.select %eq3A_297, %broadcast_in_dim3A_299, %get3A_17 : vector<16xi1>, vector<16xf32>
      %add3A_301 = arith.constant 12 : i32
      %add3A_302 = vector.broadcast %add3A_301 : i32 to vector<16xi32>
      %add3A_303 = arith.addi %iota3A, %add3A_302 : vector<16xi32>
      %eq3A_304 = arith.cmpi eq, %add3A_303, %min3A_279 : vector<16xi32>
      %jit3A_305 = arith.constant 0x7F800000 : f32
      %broadcast_in_dim3A_306 = vector.broadcast %jit3A_305 : f32 to vector<16xf32>
      %select_n3A_307 = arith.select %eq3A_304, %broadcast_in_dim3A_306, %get3A_22 : vector<16xi1>, vector<16xf32>
      %add3A_308 = arith.constant 16 : i32
      %add3A_309 = vector.broadcast %add3A_308 : i32 to vector<16xi32>
      %add3A_310 = arith.addi %iota3A, %add3A_309 : vector<16xi32>
      %eq3A_311 = arith.cmpi eq, %add3A_310, %min3A_279 : vector<16xi32>
      %jit3A_312 = arith.constant 0x7F800000 : f32
      %broadcast_in_dim3A_313 = vector.broadcast %jit3A_312 : f32 to vector<16xf32>
      %select_n3A_314 = arith.select %eq3A_311, %broadcast_in_dim3A_313, %get3A_27 : vector<16xi1>, vector<16xf32>
      %add3A_315 = arith.constant 20 : i32
      %add3A_316 = vector.broadcast %add3A_315 : i32 to vector<16xi32>
      %add3A_317 = arith.addi %iota3A, %add3A_316 : vector<16xi32>
      %eq3A_318 = arith.cmpi eq, %add3A_317, %min3A_279 : vector<16xi32>
      %jit3A_319 = arith.constant 0x7F800000 : f32
      %broadcast_in_dim3A_320 = vector.broadcast %jit3A_319 : f32 to vector<16xf32>
      %select_n3A_321 = arith.select %eq3A_318, %broadcast_in_dim3A_320, %get3A_32 : vector<16xi1>, vector<16xf32>
      %add3A_322 = arith.constant 24 : i32
      %add3A_323 = vector.broadcast %add3A_322 : i32 to vector<16xi32>
      %add3A_324 = arith.addi %iota3A, %add3A_323 : vector<16xi32>
      %eq3A_325 = arith.cmpi eq, %add3A_324, %min3A_279 : vector<16xi32>
      %jit3A_326 = arith.constant 0x7F800000 : f32
      %broadcast_in_dim3A_327 = vector.broadcast %jit3A_326 : f32 to vector<16xf32>
      %select_n3A_328 = arith.select %eq3A_325, %broadcast_in_dim3A_327, %get3A_37 : vector<16xi1>, vector<16xf32>
      %add3A_329 = arith.constant 28 : i32
      %add3A_330 = vector.broadcast %add3A_329 : i32 to vector<16xi32>
      %add3A_331 = arith.addi %iota3A, %add3A_330 : vector<16xi32>
      %eq3A_332 = arith.cmpi eq, %add3A_331, %min3A_279 : vector<16xi32>
      %jit3A_333 = arith.constant 0x7F800000 : f32
      %broadcast_in_dim3A_334 = vector.broadcast %jit3A_333 : f32 to vector<16xf32>
      %select_n3A_335 = arith.select %eq3A_332, %broadcast_in_dim3A_334, %get3A_42 : vector<16xi1>, vector<16xf32>
      %add3A_336 = arith.constant 32 : i32
      %add3A_337 = vector.broadcast %add3A_336 : i32 to vector<16xi32>
      %add3A_338 = arith.addi %iota3A, %add3A_337 : vector<16xi32>
      %eq3A_339 = arith.cmpi eq, %add3A_338, %min3A_279 : vector<16xi32>
      %jit3A_340 = arith.constant 0x7F800000 : f32
      %broadcast_in_dim3A_341 = vector.broadcast %jit3A_340 : f32 to vector<16xf32>
      %select_n3A_342 = arith.select %eq3A_339, %broadcast_in_dim3A_341, %get3A_47 : vector<16xi1>, vector<16xf32>
      %add3A_343 = arith.constant 36 : i32
      %add3A_344 = vector.broadcast %add3A_343 : i32 to vector<16xi32>
      %add3A_345 = arith.addi %iota3A, %add3A_344 : vector<16xi32>
      %eq3A_346 = arith.cmpi eq, %add3A_345, %min3A_279 : vector<16xi32>
      %jit3A_347 = arith.constant 0x7F800000 : f32
      %broadcast_in_dim3A_348 = vector.broadcast %jit3A_347 : f32 to vector<16xf32>
      %select_n3A_349 = arith.select %eq3A_346, %broadcast_in_dim3A_348, %get3A_52 : vector<16xi1>, vector<16xf32>
      %add3A_350 = arith.constant 40 : i32
      %add3A_351 = vector.broadcast %add3A_350 : i32 to vector<16xi32>
      %add3A_352 = arith.addi %iota3A, %add3A_351 : vector<16xi32>
      %eq3A_353 = arith.cmpi eq, %add3A_352, %min3A_279 : vector<16xi32>
      %jit3A_354 = arith.constant 0x7F800000 : f32
      %broadcast_in_dim3A_355 = vector.broadcast %jit3A_354 : f32 to vector<16xf32>
      %select_n3A_356 = arith.select %eq3A_353, %broadcast_in_dim3A_355, %get3A_57 : vector<16xi1>, vector<16xf32>
      %add3A_357 = arith.constant 44 : i32
      %add3A_358 = vector.broadcast %add3A_357 : i32 to vector<16xi32>
      %add3A_359 = arith.addi %iota3A, %add3A_358 : vector<16xi32>
      %eq3A_360 = arith.cmpi eq, %add3A_359, %min3A_279 : vector<16xi32>
      %jit3A_361 = arith.constant 0x7F800000 : f32
      %broadcast_in_dim3A_362 = vector.broadcast %jit3A_361 : f32 to vector<16xf32>
      %select_n3A_363 = arith.select %eq3A_360, %broadcast_in_dim3A_362, %get3A_62 : vector<16xi1>, vector<16xf32>
      %add3A_364 = arith.constant 48 : i32
      %add3A_365 = vector.broadcast %add3A_364 : i32 to vector<16xi32>
      %add3A_366 = arith.addi %iota3A, %add3A_365 : vector<16xi32>
      %eq3A_367 = arith.cmpi eq, %add3A_366, %min3A_279 : vector<16xi32>
      %jit3A_368 = arith.constant 0x7F800000 : f32
      %broadcast_in_dim3A_369 = vector.broadcast %jit3A_368 : f32 to vector<16xf32>
      %select_n3A_370 = arith.select %eq3A_367, %broadcast_in_dim3A_369, %get3A_67 : vector<16xi1>, vector<16xf32>
      %add3A_371 = arith.constant 52 : i32
      %add3A_372 = vector.broadcast %add3A_371 : i32 to vector<16xi32>
      %add3A_373 = arith.addi %iota3A, %add3A_372 : vector<16xi32>
      %eq3A_374 = arith.cmpi eq, %add3A_373, %min3A_279 : vector<16xi32>
      %jit3A_375 = arith.constant 0x7F800000 : f32
      %broadcast_in_dim3A_376 = vector.broadcast %jit3A_375 : f32 to vector<16xf32>
      %select_n3A_377 = arith.select %eq3A_374, %broadcast_in_dim3A_376, %get3A_72 : vector<16xi1>, vector<16xf32>
      %add3A_378 = arith.constant 56 : i32
      %add3A_379 = vector.broadcast %add3A_378 : i32 to vector<16xi32>
      %add3A_380 = arith.addi %iota3A, %add3A_379 : vector<16xi32>
      %eq3A_381 = arith.cmpi eq, %add3A_380, %min3A_279 : vector<16xi32>
      %jit3A_382 = arith.constant 0x7F800000 : f32
      %broadcast_in_dim3A_383 = vector.broadcast %jit3A_382 : f32 to vector<16xf32>
      %select_n3A_384 = arith.select %eq3A_381, %broadcast_in_dim3A_383, %get3A_77 : vector<16xi1>, vector<16xf32>
      %add3A_385 = arith.constant 60 : i32
      %add3A_386 = vector.broadcast %add3A_385 : i32 to vector<16xi32>
      %add3A_387 = arith.addi %iota3A, %add3A_386 : vector<16xi32>
      %eq3A_388 = arith.cmpi eq, %add3A_387, %min3A_279 : vector<16xi32>
      %jit3A_389 = arith.constant 0x7F800000 : f32
      %broadcast_in_dim3A_390 = vector.broadcast %jit3A_389 : f32 to vector<16xf32>
      %select_n3A_391 = arith.select %eq3A_388, %broadcast_in_dim3A_390, %get3A_82 : vector<16xi1>, vector<16xf32>
      %eq3A_392 = arith.constant 0 : i32
      %eq3A_393 = vector.broadcast %eq3A_392 : i32 to vector<16xi32>
      %eq3A_394 = arith.cmpi eq, %iota3A, %eq3A_393 : vector<16xi32>
      %select_n3A_395 = arith.select %eq3A_394, %min3A_279, %broadcast_in_dim3A_83 : vector<16xi1>, vector<16xi32>
      %eq3A_396 = arith.constant 0 : i32
      %eq3A_397 = vector.broadcast %eq3A_396 : i32 to vector<16xi32>
      %eq3A_398 = arith.cmpi eq, %iota3A, %eq3A_397 : vector<16xi32>
      %select_n3A_399 = arith.select %eq3A_398, %min3A_124, %broadcast_in_dim3A_85 : vector<16xi1>, vector<16xf32>
      %min3A_400 = arith.minimumf %select_n3A_286, %select_n3A_293 : vector<16xf32>
      %min3A_401 = arith.minimumf %min3A_400, %select_n3A_300 : vector<16xf32>
      %min3A_402 = arith.minimumf %min3A_401, %select_n3A_307 : vector<16xf32>
      %min3A_403 = arith.minimumf %min3A_402, %select_n3A_314 : vector<16xf32>
      %min3A_404 = arith.minimumf %min3A_403, %select_n3A_321 : vector<16xf32>
      %min3A_405 = arith.minimumf %min3A_404, %select_n3A_328 : vector<16xf32>
      %min3A_406 = arith.minimumf %min3A_405, %select_n3A_335 : vector<16xf32>
      %min3A_407 = arith.minimumf %min3A_406, %select_n3A_342 : vector<16xf32>
      %min3A_408 = arith.minimumf %min3A_407, %select_n3A_349 : vector<16xf32>
      %min3A_409 = arith.minimumf %min3A_408, %select_n3A_356 : vector<16xf32>
      %min3A_410 = arith.minimumf %min3A_409, %select_n3A_363 : vector<16xf32>
      %min3A_411 = arith.minimumf %min3A_410, %select_n3A_370 : vector<16xf32>
      %min3A_412 = arith.minimumf %min3A_411, %select_n3A_377 : vector<16xf32>
      %min3A_413 = arith.minimumf %min3A_412, %select_n3A_384 : vector<16xf32>
      %min3A_414 = arith.minimumf %min3A_413, %select_n3A_391 : vector<16xf32>
      %xor3A_415 = arith.constant 1 : i32
      %xor3A_416 = vector.broadcast %xor3A_415 : i32 to vector<16xi32>
      %xor3A_417 = arith.xori %iota3A, %xor3A_416 : vector<16xi32>
      %reshape3A_418 = vector.shape_cast %xor3A_417 : vector<16xi32> to vector<16x1xi32>
      %gather3A_419 = vector.shape_cast %reshape3A_418 : vector<16x1xi32> to vector<16xi32>
      %gather3A_420 = tpu.dynamic_gather %min3A_414[%gather3A_419] in [0] : vector<16xf32>, vector<16xi32> -> vector<16xf32>
      %min3A_421 = arith.minimumf %min3A_414, %gather3A_420 : vector<16xf32>
      %xor3A_422 = arith.constant 2 : i32
      %xor3A_423 = vector.broadcast %xor3A_422 : i32 to vector<16xi32>
      %xor3A_424 = arith.xori %iota3A, %xor3A_423 : vector<16xi32>
      %reshape3A_425 = vector.shape_cast %xor3A_424 : vector<16xi32> to vector<16x1xi32>
      %gather3A_426 = vector.shape_cast %reshape3A_425 : vector<16x1xi32> to vector<16xi32>
      %gather3A_427 = tpu.dynamic_gather %min3A_421[%gather3A_426] in [0] : vector<16xf32>, vector<16xi32> -> vector<16xf32>
      %min3A_428 = arith.minimumf %min3A_421, %gather3A_427 : vector<16xf32>
      %xor3A_429 = arith.constant 4 : i32
      %xor3A_430 = vector.broadcast %xor3A_429 : i32 to vector<16xi32>
      %xor3A_431 = arith.xori %iota3A, %xor3A_430 : vector<16xi32>
      %reshape3A_432 = vector.shape_cast %xor3A_431 : vector<16xi32> to vector<16x1xi32>
      %gather3A_433 = vector.shape_cast %reshape3A_432 : vector<16x1xi32> to vector<16xi32>
      %gather3A_434 = tpu.dynamic_gather %min3A_428[%gather3A_433] in [0] : vector<16xf32>, vector<16xi32> -> vector<16xf32>
      %min3A_435 = arith.minimumf %min3A_428, %gather3A_434 : vector<16xf32>
      %xor3A_436 = arith.constant 8 : i32
      %xor3A_437 = vector.broadcast %xor3A_436 : i32 to vector<16xi32>
      %xor3A_438 = arith.xori %iota3A, %xor3A_437 : vector<16xi32>
      %reshape3A_439 = vector.shape_cast %xor3A_438 : vector<16xi32> to vector<16x1xi32>
      %gather3A_440 = vector.shape_cast %reshape3A_439 : vector<16x1xi32> to vector<16xi32>
      %gather3A_441 = tpu.dynamic_gather %min3A_435[%gather3A_440] in [0] : vector<16xf32>, vector<16xi32> -> vector<16xf32>
      %min3A_442 = arith.minimumf %min3A_435, %gather3A_441 : vector<16xf32>
      %broadcast_in_dim3A_443 = arith.constant 127 : i32
      %broadcast_in_dim3A_444 = vector.broadcast %broadcast_in_dim3A_443 : i32 to vector<16xi32>
      %add3A_445 = arith.constant 0 : i32
      %add3A_446 = vector.broadcast %add3A_445 : i32 to vector<16xi32>
      %add3A_447 = arith.addi %iota3A, %add3A_446 : vector<16xi32>
      %eq3A_448 = arith.cmpf oeq, %select_n3A_286, %min3A_442 : vector<16xf32>
      %jit3A_449 = arith.constant 127 : i32
      %broadcast_in_dim3A_450 = vector.broadcast %jit3A_449 : i32 to vector<16xi32>
      %select_n3A_451 = arith.select %eq3A_448, %add3A_447, %broadcast_in_dim3A_450 : vector<16xi1>, vector<16xi32>
      %min3A_452 = arith.minsi %broadcast_in_dim3A_444, %select_n3A_451 : vector<16xi32>
      %add3A_453 = arith.constant 4 : i32
      %add3A_454 = vector.broadcast %add3A_453 : i32 to vector<16xi32>
      %add3A_455 = arith.addi %iota3A, %add3A_454 : vector<16xi32>
      %eq3A_456 = arith.cmpf oeq, %select_n3A_293, %min3A_442 : vector<16xf32>
      %jit3A_457 = arith.constant 127 : i32
      %broadcast_in_dim3A_458 = vector.broadcast %jit3A_457 : i32 to vector<16xi32>
      %select_n3A_459 = arith.select %eq3A_456, %add3A_455, %broadcast_in_dim3A_458 : vector<16xi1>, vector<16xi32>
      %min3A_460 = arith.minsi %min3A_452, %select_n3A_459 : vector<16xi32>
      %add3A_461 = arith.constant 8 : i32
      %add3A_462 = vector.broadcast %add3A_461 : i32 to vector<16xi32>
      %add3A_463 = arith.addi %iota3A, %add3A_462 : vector<16xi32>
      %eq3A_464 = arith.cmpf oeq, %select_n3A_300, %min3A_442 : vector<16xf32>
      %jit3A_465 = arith.constant 127 : i32
      %broadcast_in_dim3A_466 = vector.broadcast %jit3A_465 : i32 to vector<16xi32>
      %select_n3A_467 = arith.select %eq3A_464, %add3A_463, %broadcast_in_dim3A_466 : vector<16xi1>, vector<16xi32>
      %min3A_468 = arith.minsi %min3A_460, %select_n3A_467 : vector<16xi32>
      %add3A_469 = arith.constant 12 : i32
      %add3A_470 = vector.broadcast %add3A_469 : i32 to vector<16xi32>
      %add3A_471 = arith.addi %iota3A, %add3A_470 : vector<16xi32>
      %eq3A_472 = arith.cmpf oeq, %select_n3A_307, %min3A_442 : vector<16xf32>
      %jit3A_473 = arith.constant 127 : i32
      %broadcast_in_dim3A_474 = vector.broadcast %jit3A_473 : i32 to vector<16xi32>
      %select_n3A_475 = arith.select %eq3A_472, %add3A_471, %broadcast_in_dim3A_474 : vector<16xi1>, vector<16xi32>
      %min3A_476 = arith.minsi %min3A_468, %select_n3A_475 : vector<16xi32>
      %add3A_477 = arith.constant 16 : i32
      %add3A_478 = vector.broadcast %add3A_477 : i32 to vector<16xi32>
      %add3A_479 = arith.addi %iota3A, %add3A_478 : vector<16xi32>
      %eq3A_480 = arith.cmpf oeq, %select_n3A_314, %min3A_442 : vector<16xf32>
      %jit3A_481 = arith.constant 127 : i32
      %broadcast_in_dim3A_482 = vector.broadcast %jit3A_481 : i32 to vector<16xi32>
      %select_n3A_483 = arith.select %eq3A_480, %add3A_479, %broadcast_in_dim3A_482 : vector<16xi1>, vector<16xi32>
      %min3A_484 = arith.minsi %min3A_476, %select_n3A_483 : vector<16xi32>
      %add3A_485 = arith.constant 20 : i32
      %add3A_486 = vector.broadcast %add3A_485 : i32 to vector<16xi32>
      %add3A_487 = arith.addi %iota3A, %add3A_486 : vector<16xi32>
      %eq3A_488 = arith.cmpf oeq, %select_n3A_321, %min3A_442 : vector<16xf32>
      %jit3A_489 = arith.constant 127 : i32
      %broadcast_in_dim3A_490 = vector.broadcast %jit3A_489 : i32 to vector<16xi32>
      %select_n3A_491 = arith.select %eq3A_488, %add3A_487, %broadcast_in_dim3A_490 : vector<16xi1>, vector<16xi32>
      %min3A_492 = arith.minsi %min3A_484, %select_n3A_491 : vector<16xi32>
      %add3A_493 = arith.constant 24 : i32
      %add3A_494 = vector.broadcast %add3A_493 : i32 to vector<16xi32>
      %add3A_495 = arith.addi %iota3A, %add3A_494 : vector<16xi32>
      %eq3A_496 = arith.cmpf oeq, %select_n3A_328, %min3A_442 : vector<16xf32>
      %jit3A_497 = arith.constant 127 : i32
      %broadcast_in_dim3A_498 = vector.broadcast %jit3A_497 : i32 to vector<16xi32>
      %select_n3A_499 = arith.select %eq3A_496, %add3A_495, %broadcast_in_dim3A_498 : vector<16xi1>, vector<16xi32>
      %min3A_500 = arith.minsi %min3A_492, %select_n3A_499 : vector<16xi32>
      %add3A_501 = arith.constant 28 : i32
      %add3A_502 = vector.broadcast %add3A_501 : i32 to vector<16xi32>
      %add3A_503 = arith.addi %iota3A, %add3A_502 : vector<16xi32>
      %eq3A_504 = arith.cmpf oeq, %select_n3A_335, %min3A_442 : vector<16xf32>
      %jit3A_505 = arith.constant 127 : i32
      %broadcast_in_dim3A_506 = vector.broadcast %jit3A_505 : i32 to vector<16xi32>
      %select_n3A_507 = arith.select %eq3A_504, %add3A_503, %broadcast_in_dim3A_506 : vector<16xi1>, vector<16xi32>
      %min3A_508 = arith.minsi %min3A_500, %select_n3A_507 : vector<16xi32>
      %add3A_509 = arith.constant 32 : i32
      %add3A_510 = vector.broadcast %add3A_509 : i32 to vector<16xi32>
      %add3A_511 = arith.addi %iota3A, %add3A_510 : vector<16xi32>
      %eq3A_512 = arith.cmpf oeq, %select_n3A_342, %min3A_442 : vector<16xf32>
      %jit3A_513 = arith.constant 127 : i32
      %broadcast_in_dim3A_514 = vector.broadcast %jit3A_513 : i32 to vector<16xi32>
      %select_n3A_515 = arith.select %eq3A_512, %add3A_511, %broadcast_in_dim3A_514 : vector<16xi1>, vector<16xi32>
      %min3A_516 = arith.minsi %min3A_508, %select_n3A_515 : vector<16xi32>
      %add3A_517 = arith.constant 36 : i32
      %add3A_518 = vector.broadcast %add3A_517 : i32 to vector<16xi32>
      %add3A_519 = arith.addi %iota3A, %add3A_518 : vector<16xi32>
      %eq3A_520 = arith.cmpf oeq, %select_n3A_349, %min3A_442 : vector<16xf32>
      %jit3A_521 = arith.constant 127 : i32
      %broadcast_in_dim3A_522 = vector.broadcast %jit3A_521 : i32 to vector<16xi32>
      %select_n3A_523 = arith.select %eq3A_520, %add3A_519, %broadcast_in_dim3A_522 : vector<16xi1>, vector<16xi32>
      %min3A_524 = arith.minsi %min3A_516, %select_n3A_523 : vector<16xi32>
      %add3A_525 = arith.constant 40 : i32
      %add3A_526 = vector.broadcast %add3A_525 : i32 to vector<16xi32>
      %add3A_527 = arith.addi %iota3A, %add3A_526 : vector<16xi32>
      %eq3A_528 = arith.cmpf oeq, %select_n3A_356, %min3A_442 : vector<16xf32>
      %jit3A_529 = arith.constant 127 : i32
      %broadcast_in_dim3A_530 = vector.broadcast %jit3A_529 : i32 to vector<16xi32>
      %select_n3A_531 = arith.select %eq3A_528, %add3A_527, %broadcast_in_dim3A_530 : vector<16xi1>, vector<16xi32>
      %min3A_532 = arith.minsi %min3A_524, %select_n3A_531 : vector<16xi32>
      %add3A_533 = arith.constant 44 : i32
      %add3A_534 = vector.broadcast %add3A_533 : i32 to vector<16xi32>
      %add3A_535 = arith.addi %iota3A, %add3A_534 : vector<16xi32>
      %eq3A_536 = arith.cmpf oeq, %select_n3A_363, %min3A_442 : vector<16xf32>
      %jit3A_537 = arith.constant 127 : i32
      %broadcast_in_dim3A_538 = vector.broadcast %jit3A_537 : i32 to vector<16xi32>
      %select_n3A_539 = arith.select %eq3A_536, %add3A_535, %broadcast_in_dim3A_538 : vector<16xi1>, vector<16xi32>
      %min3A_540 = arith.minsi %min3A_532, %select_n3A_539 : vector<16xi32>
      %add3A_541 = arith.constant 48 : i32
      %add3A_542 = vector.broadcast %add3A_541 : i32 to vector<16xi32>
      %add3A_543 = arith.addi %iota3A, %add3A_542 : vector<16xi32>
      %eq3A_544 = arith.cmpf oeq, %select_n3A_370, %min3A_442 : vector<16xf32>
      %jit3A_545 = arith.constant 127 : i32
      %broadcast_in_dim3A_546 = vector.broadcast %jit3A_545 : i32 to vector<16xi32>
      %select_n3A_547 = arith.select %eq3A_544, %add3A_543, %broadcast_in_dim3A_546 : vector<16xi1>, vector<16xi32>
      %min3A_548 = arith.minsi %min3A_540, %select_n3A_547 : vector<16xi32>
      %add3A_549 = arith.constant 52 : i32
      %add3A_550 = vector.broadcast %add3A_549 : i32 to vector<16xi32>
      %add3A_551 = arith.addi %iota3A, %add3A_550 : vector<16xi32>
      %eq3A_552 = arith.cmpf oeq, %select_n3A_377, %min3A_442 : vector<16xf32>
      %jit3A_553 = arith.constant 127 : i32
      %broadcast_in_dim3A_554 = vector.broadcast %jit3A_553 : i32 to vector<16xi32>
      %select_n3A_555 = arith.select %eq3A_552, %add3A_551, %broadcast_in_dim3A_554 : vector<16xi1>, vector<16xi32>
      %min3A_556 = arith.minsi %min3A_548, %select_n3A_555 : vector<16xi32>
      %add3A_557 = arith.constant 56 : i32
      %add3A_558 = vector.broadcast %add3A_557 : i32 to vector<16xi32>
      %add3A_559 = arith.addi %iota3A, %add3A_558 : vector<16xi32>
      %eq3A_560 = arith.cmpf oeq, %select_n3A_384, %min3A_442 : vector<16xf32>
      %jit3A_561 = arith.constant 127 : i32
      %broadcast_in_dim3A_562 = vector.broadcast %jit3A_561 : i32 to vector<16xi32>
      %select_n3A_563 = arith.select %eq3A_560, %add3A_559, %broadcast_in_dim3A_562 : vector<16xi1>, vector<16xi32>
      %min3A_564 = arith.minsi %min3A_556, %select_n3A_563 : vector<16xi32>
      %add3A_565 = arith.constant 60 : i32
      %add3A_566 = vector.broadcast %add3A_565 : i32 to vector<16xi32>
      %add3A_567 = arith.addi %iota3A, %add3A_566 : vector<16xi32>
      %eq3A_568 = arith.cmpf oeq, %select_n3A_391, %min3A_442 : vector<16xf32>
      %jit3A_569 = arith.constant 127 : i32
      %broadcast_in_dim3A_570 = vector.broadcast %jit3A_569 : i32 to vector<16xi32>
      %select_n3A_571 = arith.select %eq3A_568, %add3A_567, %broadcast_in_dim3A_570 : vector<16xi1>, vector<16xi32>
      %min3A_572 = arith.minsi %min3A_564, %select_n3A_571 : vector<16xi32>
      %xor3A_573 = arith.constant 1 : i32
      %xor3A_574 = vector.broadcast %xor3A_573 : i32 to vector<16xi32>
      %xor3A_575 = arith.xori %iota3A, %xor3A_574 : vector<16xi32>
      %reshape3A_576 = vector.shape_cast %xor3A_575 : vector<16xi32> to vector<16x1xi32>
      %gather3A_577 = vector.shape_cast %reshape3A_576 : vector<16x1xi32> to vector<16xi32>
      %gather3A_578 = tpu.dynamic_gather %min3A_572[%gather3A_577] in [0] : vector<16xi32>, vector<16xi32> -> vector<16xi32>
      %min3A_579 = arith.minsi %min3A_572, %gather3A_578 : vector<16xi32>
      %xor3A_580 = arith.constant 2 : i32
      %xor3A_581 = vector.broadcast %xor3A_580 : i32 to vector<16xi32>
      %xor3A_582 = arith.xori %iota3A, %xor3A_581 : vector<16xi32>
      %reshape3A_583 = vector.shape_cast %xor3A_582 : vector<16xi32> to vector<16x1xi32>
      %gather3A_584 = vector.shape_cast %reshape3A_583 : vector<16x1xi32> to vector<16xi32>
      %gather3A_585 = tpu.dynamic_gather %min3A_579[%gather3A_584] in [0] : vector<16xi32>, vector<16xi32> -> vector<16xi32>
      %min3A_586 = arith.minsi %min3A_579, %gather3A_585 : vector<16xi32>
      %xor3A_587 = arith.constant 4 : i32
      %xor3A_588 = vector.broadcast %xor3A_587 : i32 to vector<16xi32>
      %xor3A_589 = arith.xori %iota3A, %xor3A_588 : vector<16xi32>
      %reshape3A_590 = vector.shape_cast %xor3A_589 : vector<16xi32> to vector<16x1xi32>
      %gather3A_591 = vector.shape_cast %reshape3A_590 : vector<16x1xi32> to vector<16xi32>
      %gather3A_592 = tpu.dynamic_gather %min3A_586[%gather3A_591] in [0] : vector<16xi32>, vector<16xi32> -> vector<16xi32>
      %min3A_593 = arith.minsi %min3A_586, %gather3A_592 : vector<16xi32>
      %xor3A_594 = arith.constant 8 : i32
      %xor3A_595 = vector.broadcast %xor3A_594 : i32 to vector<16xi32>
      %xor3A_596 = arith.xori %iota3A, %xor3A_595 : vector<16xi32>
      %reshape3A_597 = vector.shape_cast %xor3A_596 : vector<16xi32> to vector<16x1xi32>
      %gather3A_598 = vector.shape_cast %reshape3A_597 : vector<16x1xi32> to vector<16xi32>
      %gather3A_599 = tpu.dynamic_gather %min3A_593[%gather3A_598] in [0] : vector<16xi32>, vector<16xi32> -> vector<16xi32>
      %min3A_600 = arith.minsi %min3A_593, %gather3A_599 : vector<16xi32>
      %add3A_601 = arith.constant 0 : i32
      %add3A_602 = vector.broadcast %add3A_601 : i32 to vector<16xi32>
      %add3A_603 = arith.addi %iota3A, %add3A_602 : vector<16xi32>
      %eq3A_604 = arith.cmpi eq, %add3A_603, %min3A_600 : vector<16xi32>
      %jit3A_605 = arith.constant 0x7F800000 : f32
      %broadcast_in_dim3A_606 = vector.broadcast %jit3A_605 : f32 to vector<16xf32>
      %select_n3A_607 = arith.select %eq3A_604, %broadcast_in_dim3A_606, %select_n3A_286 : vector<16xi1>, vector<16xf32>
      %add3A_608 = arith.constant 4 : i32
      %add3A_609 = vector.broadcast %add3A_608 : i32 to vector<16xi32>
      %add3A_610 = arith.addi %iota3A, %add3A_609 : vector<16xi32>
      %eq3A_611 = arith.cmpi eq, %add3A_610, %min3A_600 : vector<16xi32>
      %jit3A_612 = arith.constant 0x7F800000 : f32
      %broadcast_in_dim3A_613 = vector.broadcast %jit3A_612 : f32 to vector<16xf32>
      %select_n3A_614 = arith.select %eq3A_611, %broadcast_in_dim3A_613, %select_n3A_293 : vector<16xi1>, vector<16xf32>
      %add3A_615 = arith.constant 8 : i32
      %add3A_616 = vector.broadcast %add3A_615 : i32 to vector<16xi32>
      %add3A_617 = arith.addi %iota3A, %add3A_616 : vector<16xi32>
      %eq3A_618 = arith.cmpi eq, %add3A_617, %min3A_600 : vector<16xi32>
      %jit3A_619 = arith.constant 0x7F800000 : f32
      %broadcast_in_dim3A_620 = vector.broadcast %jit3A_619 : f32 to vector<16xf32>
      %select_n3A_621 = arith.select %eq3A_618, %broadcast_in_dim3A_620, %select_n3A_300 : vector<16xi1>, vector<16xf32>
      %add3A_622 = arith.constant 12 : i32
      %add3A_623 = vector.broadcast %add3A_622 : i32 to vector<16xi32>
      %add3A_624 = arith.addi %iota3A, %add3A_623 : vector<16xi32>
      %eq3A_625 = arith.cmpi eq, %add3A_624, %min3A_600 : vector<16xi32>
      %jit3A_626 = arith.constant 0x7F800000 : f32
      %broadcast_in_dim3A_627 = vector.broadcast %jit3A_626 : f32 to vector<16xf32>
      %select_n3A_628 = arith.select %eq3A_625, %broadcast_in_dim3A_627, %select_n3A_307 : vector<16xi1>, vector<16xf32>
      %add3A_629 = arith.constant 16 : i32
      %add3A_630 = vector.broadcast %add3A_629 : i32 to vector<16xi32>
      %add3A_631 = arith.addi %iota3A, %add3A_630 : vector<16xi32>
      %eq3A_632 = arith.cmpi eq, %add3A_631, %min3A_600 : vector<16xi32>
      %jit3A_633 = arith.constant 0x7F800000 : f32
      %broadcast_in_dim3A_634 = vector.broadcast %jit3A_633 : f32 to vector<16xf32>
      %select_n3A_635 = arith.select %eq3A_632, %broadcast_in_dim3A_634, %select_n3A_314 : vector<16xi1>, vector<16xf32>
      %add3A_636 = arith.constant 20 : i32
      %add3A_637 = vector.broadcast %add3A_636 : i32 to vector<16xi32>
      %add3A_638 = arith.addi %iota3A, %add3A_637 : vector<16xi32>
      %eq3A_639 = arith.cmpi eq, %add3A_638, %min3A_600 : vector<16xi32>
      %jit3A_640 = arith.constant 0x7F800000 : f32
      %broadcast_in_dim3A_641 = vector.broadcast %jit3A_640 : f32 to vector<16xf32>
      %select_n3A_642 = arith.select %eq3A_639, %broadcast_in_dim3A_641, %select_n3A_321 : vector<16xi1>, vector<16xf32>
      %add3A_643 = arith.constant 24 : i32
      %add3A_644 = vector.broadcast %add3A_643 : i32 to vector<16xi32>
      %add3A_645 = arith.addi %iota3A, %add3A_644 : vector<16xi32>
      %eq3A_646 = arith.cmpi eq, %add3A_645, %min3A_600 : vector<16xi32>
      %jit3A_647 = arith.constant 0x7F800000 : f32
      %broadcast_in_dim3A_648 = vector.broadcast %jit3A_647 : f32 to vector<16xf32>
      %select_n3A_649 = arith.select %eq3A_646, %broadcast_in_dim3A_648, %select_n3A_328 : vector<16xi1>, vector<16xf32>
      %add3A_650 = arith.constant 28 : i32
      %add3A_651 = vector.broadcast %add3A_650 : i32 to vector<16xi32>
      %add3A_652 = arith.addi %iota3A, %add3A_651 : vector<16xi32>
      %eq3A_653 = arith.cmpi eq, %add3A_652, %min3A_600 : vector<16xi32>
      %jit3A_654 = arith.constant 0x7F800000 : f32
      %broadcast_in_dim3A_655 = vector.broadcast %jit3A_654 : f32 to vector<16xf32>
      %select_n3A_656 = arith.select %eq3A_653, %broadcast_in_dim3A_655, %select_n3A_335 : vector<16xi1>, vector<16xf32>
      %add3A_657 = arith.constant 32 : i32
      %add3A_658 = vector.broadcast %add3A_657 : i32 to vector<16xi32>
      %add3A_659 = arith.addi %iota3A, %add3A_658 : vector<16xi32>
      %eq3A_660 = arith.cmpi eq, %add3A_659, %min3A_600 : vector<16xi32>
      %jit3A_661 = arith.constant 0x7F800000 : f32
      %broadcast_in_dim3A_662 = vector.broadcast %jit3A_661 : f32 to vector<16xf32>
      %select_n3A_663 = arith.select %eq3A_660, %broadcast_in_dim3A_662, %select_n3A_342 : vector<16xi1>, vector<16xf32>
      %add3A_664 = arith.constant 36 : i32
      %add3A_665 = vector.broadcast %add3A_664 : i32 to vector<16xi32>
      %add3A_666 = arith.addi %iota3A, %add3A_665 : vector<16xi32>
      %eq3A_667 = arith.cmpi eq, %add3A_666, %min3A_600 : vector<16xi32>
      %jit3A_668 = arith.constant 0x7F800000 : f32
      %broadcast_in_dim3A_669 = vector.broadcast %jit3A_668 : f32 to vector<16xf32>
      %select_n3A_670 = arith.select %eq3A_667, %broadcast_in_dim3A_669, %select_n3A_349 : vector<16xi1>, vector<16xf32>
      %add3A_671 = arith.constant 40 : i32
      %add3A_672 = vector.broadcast %add3A_671 : i32 to vector<16xi32>
      %add3A_673 = arith.addi %iota3A, %add3A_672 : vector<16xi32>
      %eq3A_674 = arith.cmpi eq, %add3A_673, %min3A_600 : vector<16xi32>
      %jit3A_675 = arith.constant 0x7F800000 : f32
      %broadcast_in_dim3A_676 = vector.broadcast %jit3A_675 : f32 to vector<16xf32>
      %select_n3A_677 = arith.select %eq3A_674, %broadcast_in_dim3A_676, %select_n3A_356 : vector<16xi1>, vector<16xf32>
      %add3A_678 = arith.constant 44 : i32
      %add3A_679 = vector.broadcast %add3A_678 : i32 to vector<16xi32>
      %add3A_680 = arith.addi %iota3A, %add3A_679 : vector<16xi32>
      %eq3A_681 = arith.cmpi eq, %add3A_680, %min3A_600 : vector<16xi32>
      %jit3A_682 = arith.constant 0x7F800000 : f32
      %broadcast_in_dim3A_683 = vector.broadcast %jit3A_682 : f32 to vector<16xf32>
      %select_n3A_684 = arith.select %eq3A_681, %broadcast_in_dim3A_683, %select_n3A_363 : vector<16xi1>, vector<16xf32>
      %add3A_685 = arith.constant 48 : i32
      %add3A_686 = vector.broadcast %add3A_685 : i32 to vector<16xi32>
      %add3A_687 = arith.addi %iota3A, %add3A_686 : vector<16xi32>
      %eq3A_688 = arith.cmpi eq, %add3A_687, %min3A_600 : vector<16xi32>
      %jit3A_689 = arith.constant 0x7F800000 : f32
      %broadcast_in_dim3A_690 = vector.broadcast %jit3A_689 : f32 to vector<16xf32>
      %select_n3A_691 = arith.select %eq3A_688, %broadcast_in_dim3A_690, %select_n3A_370 : vector<16xi1>, vector<16xf32>
      %add3A_692 = arith.constant 52 : i32
      %add3A_693 = vector.broadcast %add3A_692 : i32 to vector<16xi32>
      %add3A_694 = arith.addi %iota3A, %add3A_693 : vector<16xi32>
      %eq3A_695 = arith.cmpi eq, %add3A_694, %min3A_600 : vector<16xi32>
      %jit3A_696 = arith.constant 0x7F800000 : f32
      %broadcast_in_dim3A_697 = vector.broadcast %jit3A_696 : f32 to vector<16xf32>
      %select_n3A_698 = arith.select %eq3A_695, %broadcast_in_dim3A_697, %select_n3A_377 : vector<16xi1>, vector<16xf32>
      %add3A_699 = arith.constant 56 : i32
      %add3A_700 = vector.broadcast %add3A_699 : i32 to vector<16xi32>
      %add3A_701 = arith.addi %iota3A, %add3A_700 : vector<16xi32>
      %eq3A_702 = arith.cmpi eq, %add3A_701, %min3A_600 : vector<16xi32>
      %jit3A_703 = arith.constant 0x7F800000 : f32
      %broadcast_in_dim3A_704 = vector.broadcast %jit3A_703 : f32 to vector<16xf32>
      %select_n3A_705 = arith.select %eq3A_702, %broadcast_in_dim3A_704, %select_n3A_384 : vector<16xi1>, vector<16xf32>
      %add3A_706 = arith.constant 60 : i32
      %add3A_707 = vector.broadcast %add3A_706 : i32 to vector<16xi32>
      %add3A_708 = arith.addi %iota3A, %add3A_707 : vector<16xi32>
      %eq3A_709 = arith.cmpi eq, %add3A_708, %min3A_600 : vector<16xi32>
      %jit3A_710 = arith.constant 0x7F800000 : f32
      %broadcast_in_dim3A_711 = vector.broadcast %jit3A_710 : f32 to vector<16xf32>
      %select_n3A_712 = arith.select %eq3A_709, %broadcast_in_dim3A_711, %select_n3A_391 : vector<16xi1>, vector<16xf32>
      %eq3A_713 = arith.constant 1 : i32
      %eq3A_714 = vector.broadcast %eq3A_713 : i32 to vector<16xi32>
      %eq3A_715 = arith.cmpi eq, %iota3A, %eq3A_714 : vector<16xi32>
      %select_n3A_716 = arith.select %eq3A_715, %min3A_600, %select_n3A_395 : vector<16xi1>, vector<16xi32>
      %eq3A_717 = arith.constant 1 : i32
      %eq3A_718 = vector.broadcast %eq3A_717 : i32 to vector<16xi32>
      %eq3A_719 = arith.cmpi eq, %iota3A, %eq3A_718 : vector<16xi32>
      %select_n3A_720 = arith.select %eq3A_719, %min3A_442, %select_n3A_399 : vector<16xi1>, vector<16xf32>
      %min3A_721 = arith.minimumf %select_n3A_607, %select_n3A_614 : vector<16xf32>
      %min3A_722 = arith.minimumf %min3A_721, %select_n3A_621 : vector<16xf32>
      %min3A_723 = arith.minimumf %min3A_722, %select_n3A_628 : vector<16xf32>
      %min3A_724 = arith.minimumf %min3A_723, %select_n3A_635 : vector<16xf32>
      %min3A_725 = arith.minimumf %min3A_724, %select_n3A_642 : vector<16xf32>
      %min3A_726 = arith.minimumf %min3A_725, %select_n3A_649 : vector<16xf32>
      %min3A_727 = arith.minimumf %min3A_726, %select_n3A_656 : vector<16xf32>
      %min3A_728 = arith.minimumf %min3A_727, %select_n3A_663 : vector<16xf32>
      %min3A_729 = arith.minimumf %min3A_728, %select_n3A_670 : vector<16xf32>
      %min3A_730 = arith.minimumf %min3A_729, %select_n3A_677 : vector<16xf32>
      %min3A_731 = arith.minimumf %min3A_730, %select_n3A_684 : vector<16xf32>
      %min3A_732 = arith.minimumf %min3A_731, %select_n3A_691 : vector<16xf32>
      %min3A_733 = arith.minimumf %min3A_732, %select_n3A_698 : vector<16xf32>
      %min3A_734 = arith.minimumf %min3A_733, %select_n3A_705 : vector<16xf32>
      %min3A_735 = arith.minimumf %min3A_734, %select_n3A_712 : vector<16xf32>
      %xor3A_736 = arith.constant 1 : i32
      %xor3A_737 = vector.broadcast %xor3A_736 : i32 to vector<16xi32>
      %xor3A_738 = arith.xori %iota3A, %xor3A_737 : vector<16xi32>
      %reshape3A_739 = vector.shape_cast %xor3A_738 : vector<16xi32> to vector<16x1xi32>
      %gather3A_740 = vector.shape_cast %reshape3A_739 : vector<16x1xi32> to vector<16xi32>
      %gather3A_741 = tpu.dynamic_gather %min3A_735[%gather3A_740] in [0] : vector<16xf32>, vector<16xi32> -> vector<16xf32>
      %min3A_742 = arith.minimumf %min3A_735, %gather3A_741 : vector<16xf32>
      %xor3A_743 = arith.constant 2 : i32
      %xor3A_744 = vector.broadcast %xor3A_743 : i32 to vector<16xi32>
      %xor3A_745 = arith.xori %iota3A, %xor3A_744 : vector<16xi32>
      %reshape3A_746 = vector.shape_cast %xor3A_745 : vector<16xi32> to vector<16x1xi32>
      %gather3A_747 = vector.shape_cast %reshape3A_746 : vector<16x1xi32> to vector<16xi32>
      %gather3A_748 = tpu.dynamic_gather %min3A_742[%gather3A_747] in [0] : vector<16xf32>, vector<16xi32> -> vector<16xf32>
      %min3A_749 = arith.minimumf %min3A_742, %gather3A_748 : vector<16xf32>
      %xor3A_750 = arith.constant 4 : i32
      %xor3A_751 = vector.broadcast %xor3A_750 : i32 to vector<16xi32>
      %xor3A_752 = arith.xori %iota3A, %xor3A_751 : vector<16xi32>
      %reshape3A_753 = vector.shape_cast %xor3A_752 : vector<16xi32> to vector<16x1xi32>
      %gather3A_754 = vector.shape_cast %reshape3A_753 : vector<16x1xi32> to vector<16xi32>
      %gather3A_755 = tpu.dynamic_gather %min3A_749[%gather3A_754] in [0] : vector<16xf32>, vector<16xi32> -> vector<16xf32>
      %min3A_756 = arith.minimumf %min3A_749, %gather3A_755 : vector<16xf32>
      %xor3A_757 = arith.constant 8 : i32
      %xor3A_758 = vector.broadcast %xor3A_757 : i32 to vector<16xi32>
      %xor3A_759 = arith.xori %iota3A, %xor3A_758 : vector<16xi32>
      %reshape3A_760 = vector.shape_cast %xor3A_759 : vector<16xi32> to vector<16x1xi32>
      %gather3A_761 = vector.shape_cast %reshape3A_760 : vector<16x1xi32> to vector<16xi32>
      %gather3A_762 = tpu.dynamic_gather %min3A_756[%gather3A_761] in [0] : vector<16xf32>, vector<16xi32> -> vector<16xf32>
      %min3A_763 = arith.minimumf %min3A_756, %gather3A_762 : vector<16xf32>
      %broadcast_in_dim3A_764 = arith.constant 127 : i32
      %broadcast_in_dim3A_765 = vector.broadcast %broadcast_in_dim3A_764 : i32 to vector<16xi32>
      %add3A_766 = arith.constant 0 : i32
      %add3A_767 = vector.broadcast %add3A_766 : i32 to vector<16xi32>
      %add3A_768 = arith.addi %iota3A, %add3A_767 : vector<16xi32>
      %eq3A_769 = arith.cmpf oeq, %select_n3A_607, %min3A_763 : vector<16xf32>
      %jit3A_770 = arith.constant 127 : i32
      %broadcast_in_dim3A_771 = vector.broadcast %jit3A_770 : i32 to vector<16xi32>
      %select_n3A_772 = arith.select %eq3A_769, %add3A_768, %broadcast_in_dim3A_771 : vector<16xi1>, vector<16xi32>
      %min3A_773 = arith.minsi %broadcast_in_dim3A_765, %select_n3A_772 : vector<16xi32>
      %add3A_774 = arith.constant 4 : i32
      %add3A_775 = vector.broadcast %add3A_774 : i32 to vector<16xi32>
      %add3A_776 = arith.addi %iota3A, %add3A_775 : vector<16xi32>
      %eq3A_777 = arith.cmpf oeq, %select_n3A_614, %min3A_763 : vector<16xf32>
      %jit3A_778 = arith.constant 127 : i32
      %broadcast_in_dim3A_779 = vector.broadcast %jit3A_778 : i32 to vector<16xi32>
      %select_n3A_780 = arith.select %eq3A_777, %add3A_776, %broadcast_in_dim3A_779 : vector<16xi1>, vector<16xi32>
      %min3A_781 = arith.minsi %min3A_773, %select_n3A_780 : vector<16xi32>
      %add3A_782 = arith.constant 8 : i32
      %add3A_783 = vector.broadcast %add3A_782 : i32 to vector<16xi32>
      %add3A_784 = arith.addi %iota3A, %add3A_783 : vector<16xi32>
      %eq3A_785 = arith.cmpf oeq, %select_n3A_621, %min3A_763 : vector<16xf32>
      %jit3A_786 = arith.constant 127 : i32
      %broadcast_in_dim3A_787 = vector.broadcast %jit3A_786 : i32 to vector<16xi32>
      %select_n3A_788 = arith.select %eq3A_785, %add3A_784, %broadcast_in_dim3A_787 : vector<16xi1>, vector<16xi32>
      %min3A_789 = arith.minsi %min3A_781, %select_n3A_788 : vector<16xi32>
      %add3A_790 = arith.constant 12 : i32
      %add3A_791 = vector.broadcast %add3A_790 : i32 to vector<16xi32>
      %add3A_792 = arith.addi %iota3A, %add3A_791 : vector<16xi32>
      %eq3A_793 = arith.cmpf oeq, %select_n3A_628, %min3A_763 : vector<16xf32>
      %jit3A_794 = arith.constant 127 : i32
      %broadcast_in_dim3A_795 = vector.broadcast %jit3A_794 : i32 to vector<16xi32>
      %select_n3A_796 = arith.select %eq3A_793, %add3A_792, %broadcast_in_dim3A_795 : vector<16xi1>, vector<16xi32>
      %min3A_797 = arith.minsi %min3A_789, %select_n3A_796 : vector<16xi32>
      %add3A_798 = arith.constant 16 : i32
      %add3A_799 = vector.broadcast %add3A_798 : i32 to vector<16xi32>
      %add3A_800 = arith.addi %iota3A, %add3A_799 : vector<16xi32>
      %eq3A_801 = arith.cmpf oeq, %select_n3A_635, %min3A_763 : vector<16xf32>
      %jit3A_802 = arith.constant 127 : i32
      %broadcast_in_dim3A_803 = vector.broadcast %jit3A_802 : i32 to vector<16xi32>
      %select_n3A_804 = arith.select %eq3A_801, %add3A_800, %broadcast_in_dim3A_803 : vector<16xi1>, vector<16xi32>
      %min3A_805 = arith.minsi %min3A_797, %select_n3A_804 : vector<16xi32>
      %add3A_806 = arith.constant 20 : i32
      %add3A_807 = vector.broadcast %add3A_806 : i32 to vector<16xi32>
      %add3A_808 = arith.addi %iota3A, %add3A_807 : vector<16xi32>
      %eq3A_809 = arith.cmpf oeq, %select_n3A_642, %min3A_763 : vector<16xf32>
      %jit3A_810 = arith.constant 127 : i32
      %broadcast_in_dim3A_811 = vector.broadcast %jit3A_810 : i32 to vector<16xi32>
      %select_n3A_812 = arith.select %eq3A_809, %add3A_808, %broadcast_in_dim3A_811 : vector<16xi1>, vector<16xi32>
      %min3A_813 = arith.minsi %min3A_805, %select_n3A_812 : vector<16xi32>
      %add3A_814 = arith.constant 24 : i32
      %add3A_815 = vector.broadcast %add3A_814 : i32 to vector<16xi32>
      %add3A_816 = arith.addi %iota3A, %add3A_815 : vector<16xi32>
      %eq3A_817 = arith.cmpf oeq, %select_n3A_649, %min3A_763 : vector<16xf32>
      %jit3A_818 = arith.constant 127 : i32
      %broadcast_in_dim3A_819 = vector.broadcast %jit3A_818 : i32 to vector<16xi32>
      %select_n3A_820 = arith.select %eq3A_817, %add3A_816, %broadcast_in_dim3A_819 : vector<16xi1>, vector<16xi32>
      %min3A_821 = arith.minsi %min3A_813, %select_n3A_820 : vector<16xi32>
      %add3A_822 = arith.constant 28 : i32
      %add3A_823 = vector.broadcast %add3A_822 : i32 to vector<16xi32>
      %add3A_824 = arith.addi %iota3A, %add3A_823 : vector<16xi32>
      %eq3A_825 = arith.cmpf oeq, %select_n3A_656, %min3A_763 : vector<16xf32>
      %jit3A_826 = arith.constant 127 : i32
      %broadcast_in_dim3A_827 = vector.broadcast %jit3A_826 : i32 to vector<16xi32>
      %select_n3A_828 = arith.select %eq3A_825, %add3A_824, %broadcast_in_dim3A_827 : vector<16xi1>, vector<16xi32>
      %min3A_829 = arith.minsi %min3A_821, %select_n3A_828 : vector<16xi32>
      %add3A_830 = arith.constant 32 : i32
      %add3A_831 = vector.broadcast %add3A_830 : i32 to vector<16xi32>
      %add3A_832 = arith.addi %iota3A, %add3A_831 : vector<16xi32>
      %eq3A_833 = arith.cmpf oeq, %select_n3A_663, %min3A_763 : vector<16xf32>
      %jit3A_834 = arith.constant 127 : i32
      %broadcast_in_dim3A_835 = vector.broadcast %jit3A_834 : i32 to vector<16xi32>
      %select_n3A_836 = arith.select %eq3A_833, %add3A_832, %broadcast_in_dim3A_835 : vector<16xi1>, vector<16xi32>
      %min3A_837 = arith.minsi %min3A_829, %select_n3A_836 : vector<16xi32>
      %add3A_838 = arith.constant 36 : i32
      %add3A_839 = vector.broadcast %add3A_838 : i32 to vector<16xi32>
      %add3A_840 = arith.addi %iota3A, %add3A_839 : vector<16xi32>
      %eq3A_841 = arith.cmpf oeq, %select_n3A_670, %min3A_763 : vector<16xf32>
      %jit3A_842 = arith.constant 127 : i32
      %broadcast_in_dim3A_843 = vector.broadcast %jit3A_842 : i32 to vector<16xi32>
      %select_n3A_844 = arith.select %eq3A_841, %add3A_840, %broadcast_in_dim3A_843 : vector<16xi1>, vector<16xi32>
      %min3A_845 = arith.minsi %min3A_837, %select_n3A_844 : vector<16xi32>
      %add3A_846 = arith.constant 40 : i32
      %add3A_847 = vector.broadcast %add3A_846 : i32 to vector<16xi32>
      %add3A_848 = arith.addi %iota3A, %add3A_847 : vector<16xi32>
      %eq3A_849 = arith.cmpf oeq, %select_n3A_677, %min3A_763 : vector<16xf32>
      %jit3A_850 = arith.constant 127 : i32
      %broadcast_in_dim3A_851 = vector.broadcast %jit3A_850 : i32 to vector<16xi32>
      %select_n3A_852 = arith.select %eq3A_849, %add3A_848, %broadcast_in_dim3A_851 : vector<16xi1>, vector<16xi32>
      %min3A_853 = arith.minsi %min3A_845, %select_n3A_852 : vector<16xi32>
      %add3A_854 = arith.constant 44 : i32
      %add3A_855 = vector.broadcast %add3A_854 : i32 to vector<16xi32>
      %add3A_856 = arith.addi %iota3A, %add3A_855 : vector<16xi32>
      %eq3A_857 = arith.cmpf oeq, %select_n3A_684, %min3A_763 : vector<16xf32>
      %jit3A_858 = arith.constant 127 : i32
      %broadcast_in_dim3A_859 = vector.broadcast %jit3A_858 : i32 to vector<16xi32>
      %select_n3A_860 = arith.select %eq3A_857, %add3A_856, %broadcast_in_dim3A_859 : vector<16xi1>, vector<16xi32>
      %min3A_861 = arith.minsi %min3A_853, %select_n3A_860 : vector<16xi32>
      %add3A_862 = arith.constant 48 : i32
      %add3A_863 = vector.broadcast %add3A_862 : i32 to vector<16xi32>
      %add3A_864 = arith.addi %iota3A, %add3A_863 : vector<16xi32>
      %eq3A_865 = arith.cmpf oeq, %select_n3A_691, %min3A_763 : vector<16xf32>
      %jit3A_866 = arith.constant 127 : i32
      %broadcast_in_dim3A_867 = vector.broadcast %jit3A_866 : i32 to vector<16xi32>
      %select_n3A_868 = arith.select %eq3A_865, %add3A_864, %broadcast_in_dim3A_867 : vector<16xi1>, vector<16xi32>
      %min3A_869 = arith.minsi %min3A_861, %select_n3A_868 : vector<16xi32>
      %add3A_870 = arith.constant 52 : i32
      %add3A_871 = vector.broadcast %add3A_870 : i32 to vector<16xi32>
      %add3A_872 = arith.addi %iota3A, %add3A_871 : vector<16xi32>
      %eq3A_873 = arith.cmpf oeq, %select_n3A_698, %min3A_763 : vector<16xf32>
      %jit3A_874 = arith.constant 127 : i32
      %broadcast_in_dim3A_875 = vector.broadcast %jit3A_874 : i32 to vector<16xi32>
      %select_n3A_876 = arith.select %eq3A_873, %add3A_872, %broadcast_in_dim3A_875 : vector<16xi1>, vector<16xi32>
      %min3A_877 = arith.minsi %min3A_869, %select_n3A_876 : vector<16xi32>
      %add3A_878 = arith.constant 56 : i32
      %add3A_879 = vector.broadcast %add3A_878 : i32 to vector<16xi32>
      %add3A_880 = arith.addi %iota3A, %add3A_879 : vector<16xi32>
      %eq3A_881 = arith.cmpf oeq, %select_n3A_705, %min3A_763 : vector<16xf32>
      %jit3A_882 = arith.constant 127 : i32
      %broadcast_in_dim3A_883 = vector.broadcast %jit3A_882 : i32 to vector<16xi32>
      %select_n3A_884 = arith.select %eq3A_881, %add3A_880, %broadcast_in_dim3A_883 : vector<16xi1>, vector<16xi32>
      %min3A_885 = arith.minsi %min3A_877, %select_n3A_884 : vector<16xi32>
      %add3A_886 = arith.constant 60 : i32
      %add3A_887 = vector.broadcast %add3A_886 : i32 to vector<16xi32>
      %add3A_888 = arith.addi %iota3A, %add3A_887 : vector<16xi32>
      %eq3A_889 = arith.cmpf oeq, %select_n3A_712, %min3A_763 : vector<16xf32>
      %jit3A_890 = arith.constant 127 : i32
      %broadcast_in_dim3A_891 = vector.broadcast %jit3A_890 : i32 to vector<16xi32>
      %select_n3A_892 = arith.select %eq3A_889, %add3A_888, %broadcast_in_dim3A_891 : vector<16xi1>, vector<16xi32>
      %min3A_893 = arith.minsi %min3A_885, %select_n3A_892 : vector<16xi32>
      %xor3A_894 = arith.constant 1 : i32
      %xor3A_895 = vector.broadcast %xor3A_894 : i32 to vector<16xi32>
      %xor3A_896 = arith.xori %iota3A, %xor3A_895 : vector<16xi32>
      %reshape3A_897 = vector.shape_cast %xor3A_896 : vector<16xi32> to vector<16x1xi32>
      %gather3A_898 = vector.shape_cast %reshape3A_897 : vector<16x1xi32> to vector<16xi32>
      %gather3A_899 = tpu.dynamic_gather %min3A_893[%gather3A_898] in [0] : vector<16xi32>, vector<16xi32> -> vector<16xi32>
      %min3A_900 = arith.minsi %min3A_893, %gather3A_899 : vector<16xi32>
      %xor3A_901 = arith.constant 2 : i32
      %xor3A_902 = vector.broadcast %xor3A_901 : i32 to vector<16xi32>
      %xor3A_903 = arith.xori %iota3A, %xor3A_902 : vector<16xi32>
      %reshape3A_904 = vector.shape_cast %xor3A_903 : vector<16xi32> to vector<16x1xi32>
      %gather3A_905 = vector.shape_cast %reshape3A_904 : vector<16x1xi32> to vector<16xi32>
      %gather3A_906 = tpu.dynamic_gather %min3A_900[%gather3A_905] in [0] : vector<16xi32>, vector<16xi32> -> vector<16xi32>
      %min3A_907 = arith.minsi %min3A_900, %gather3A_906 : vector<16xi32>
      %xor3A_908 = arith.constant 4 : i32
      %xor3A_909 = vector.broadcast %xor3A_908 : i32 to vector<16xi32>
      %xor3A_910 = arith.xori %iota3A, %xor3A_909 : vector<16xi32>
      %reshape3A_911 = vector.shape_cast %xor3A_910 : vector<16xi32> to vector<16x1xi32>
      %gather3A_912 = vector.shape_cast %reshape3A_911 : vector<16x1xi32> to vector<16xi32>
      %gather3A_913 = tpu.dynamic_gather %min3A_907[%gather3A_912] in [0] : vector<16xi32>, vector<16xi32> -> vector<16xi32>
      %min3A_914 = arith.minsi %min3A_907, %gather3A_913 : vector<16xi32>
      %xor3A_915 = arith.constant 8 : i32
      %xor3A_916 = vector.broadcast %xor3A_915 : i32 to vector<16xi32>
      %xor3A_917 = arith.xori %iota3A, %xor3A_916 : vector<16xi32>
      %reshape3A_918 = vector.shape_cast %xor3A_917 : vector<16xi32> to vector<16x1xi32>
      %gather3A_919 = vector.shape_cast %reshape3A_918 : vector<16x1xi32> to vector<16xi32>
      %gather3A_920 = tpu.dynamic_gather %min3A_914[%gather3A_919] in [0] : vector<16xi32>, vector<16xi32> -> vector<16xi32>
      %min3A_921 = arith.minsi %min3A_914, %gather3A_920 : vector<16xi32>
      %add3A_922 = arith.constant 0 : i32
      %add3A_923 = vector.broadcast %add3A_922 : i32 to vector<16xi32>
      %add3A_924 = arith.addi %iota3A, %add3A_923 : vector<16xi32>
      %eq3A_925 = arith.cmpi eq, %add3A_924, %min3A_921 : vector<16xi32>
      %jit3A_926 = arith.constant 0x7F800000 : f32
      %broadcast_in_dim3A_927 = vector.broadcast %jit3A_926 : f32 to vector<16xf32>
      %select_n3A_928 = arith.select %eq3A_925, %broadcast_in_dim3A_927, %select_n3A_607 : vector<16xi1>, vector<16xf32>
      %add3A_929 = arith.constant 4 : i32
      %add3A_930 = vector.broadcast %add3A_929 : i32 to vector<16xi32>
      %add3A_931 = arith.addi %iota3A, %add3A_930 : vector<16xi32>
      %eq3A_932 = arith.cmpi eq, %add3A_931, %min3A_921 : vector<16xi32>
      %jit3A_933 = arith.constant 0x7F800000 : f32
      %broadcast_in_dim3A_934 = vector.broadcast %jit3A_933 : f32 to vector<16xf32>
      %select_n3A_935 = arith.select %eq3A_932, %broadcast_in_dim3A_934, %select_n3A_614 : vector<16xi1>, vector<16xf32>
      %add3A_936 = arith.constant 8 : i32
      %add3A_937 = vector.broadcast %add3A_936 : i32 to vector<16xi32>
      %add3A_938 = arith.addi %iota3A, %add3A_937 : vector<16xi32>
      %eq3A_939 = arith.cmpi eq, %add3A_938, %min3A_921 : vector<16xi32>
      %jit3A_940 = arith.constant 0x7F800000 : f32
      %broadcast_in_dim3A_941 = vector.broadcast %jit3A_940 : f32 to vector<16xf32>
      %select_n3A_942 = arith.select %eq3A_939, %broadcast_in_dim3A_941, %select_n3A_621 : vector<16xi1>, vector<16xf32>
      %add3A_943 = arith.constant 12 : i32
      %add3A_944 = vector.broadcast %add3A_943 : i32 to vector<16xi32>
      %add3A_945 = arith.addi %iota3A, %add3A_944 : vector<16xi32>
      %eq3A_946 = arith.cmpi eq, %add3A_945, %min3A_921 : vector<16xi32>
      %jit3A_947 = arith.constant 0x7F800000 : f32
      %broadcast_in_dim3A_948 = vector.broadcast %jit3A_947 : f32 to vector<16xf32>
      %select_n3A_949 = arith.select %eq3A_946, %broadcast_in_dim3A_948, %select_n3A_628 : vector<16xi1>, vector<16xf32>
      %add3A_950 = arith.constant 16 : i32
      %add3A_951 = vector.broadcast %add3A_950 : i32 to vector<16xi32>
      %add3A_952 = arith.addi %iota3A, %add3A_951 : vector<16xi32>
      %eq3A_953 = arith.cmpi eq, %add3A_952, %min3A_921 : vector<16xi32>
      %jit3A_954 = arith.constant 0x7F800000 : f32
      %broadcast_in_dim3A_955 = vector.broadcast %jit3A_954 : f32 to vector<16xf32>
      %select_n3A_956 = arith.select %eq3A_953, %broadcast_in_dim3A_955, %select_n3A_635 : vector<16xi1>, vector<16xf32>
      %add3A_957 = arith.constant 20 : i32
      %add3A_958 = vector.broadcast %add3A_957 : i32 to vector<16xi32>
      %add3A_959 = arith.addi %iota3A, %add3A_958 : vector<16xi32>
      %eq3A_960 = arith.cmpi eq, %add3A_959, %min3A_921 : vector<16xi32>
      %jit3A_961 = arith.constant 0x7F800000 : f32
      %broadcast_in_dim3A_962 = vector.broadcast %jit3A_961 : f32 to vector<16xf32>
      %select_n3A_963 = arith.select %eq3A_960, %broadcast_in_dim3A_962, %select_n3A_642 : vector<16xi1>, vector<16xf32>
      %add3A_964 = arith.constant 24 : i32
      %add3A_965 = vector.broadcast %add3A_964 : i32 to vector<16xi32>
      %add3A_966 = arith.addi %iota3A, %add3A_965 : vector<16xi32>
      %eq3A_967 = arith.cmpi eq, %add3A_966, %min3A_921 : vector<16xi32>
      %jit3A_968 = arith.constant 0x7F800000 : f32
      %broadcast_in_dim3A_969 = vector.broadcast %jit3A_968 : f32 to vector<16xf32>
      %select_n3A_970 = arith.select %eq3A_967, %broadcast_in_dim3A_969, %select_n3A_649 : vector<16xi1>, vector<16xf32>
      %add3A_971 = arith.constant 28 : i32
      %add3A_972 = vector.broadcast %add3A_971 : i32 to vector<16xi32>
      %add3A_973 = arith.addi %iota3A, %add3A_972 : vector<16xi32>
      %eq3A_974 = arith.cmpi eq, %add3A_973, %min3A_921 : vector<16xi32>
      %jit3A_975 = arith.constant 0x7F800000 : f32
      %broadcast_in_dim3A_976 = vector.broadcast %jit3A_975 : f32 to vector<16xf32>
      %select_n3A_977 = arith.select %eq3A_974, %broadcast_in_dim3A_976, %select_n3A_656 : vector<16xi1>, vector<16xf32>
      %add3A_978 = arith.constant 32 : i32
      %add3A_979 = vector.broadcast %add3A_978 : i32 to vector<16xi32>
      %add3A_980 = arith.addi %iota3A, %add3A_979 : vector<16xi32>
      %eq3A_981 = arith.cmpi eq, %add3A_980, %min3A_921 : vector<16xi32>
      %jit3A_982 = arith.constant 0x7F800000 : f32
      %broadcast_in_dim3A_983 = vector.broadcast %jit3A_982 : f32 to vector<16xf32>
      %select_n3A_984 = arith.select %eq3A_981, %broadcast_in_dim3A_983, %select_n3A_663 : vector<16xi1>, vector<16xf32>
      %add3A_985 = arith.constant 36 : i32
      %add3A_986 = vector.broadcast %add3A_985 : i32 to vector<16xi32>
      %add3A_987 = arith.addi %iota3A, %add3A_986 : vector<16xi32>
      %eq3A_988 = arith.cmpi eq, %add3A_987, %min3A_921 : vector<16xi32>
      %jit3A_989 = arith.constant 0x7F800000 : f32
      %broadcast_in_dim3A_990 = vector.broadcast %jit3A_989 : f32 to vector<16xf32>
      %select_n3A_991 = arith.select %eq3A_988, %broadcast_in_dim3A_990, %select_n3A_670 : vector<16xi1>, vector<16xf32>
      %add3A_992 = arith.constant 40 : i32
      %add3A_993 = vector.broadcast %add3A_992 : i32 to vector<16xi32>
      %add3A_994 = arith.addi %iota3A, %add3A_993 : vector<16xi32>
      %eq3A_995 = arith.cmpi eq, %add3A_994, %min3A_921 : vector<16xi32>
      %jit3A_996 = arith.constant 0x7F800000 : f32
      %broadcast_in_dim3A_997 = vector.broadcast %jit3A_996 : f32 to vector<16xf32>
      %select_n3A_998 = arith.select %eq3A_995, %broadcast_in_dim3A_997, %select_n3A_677 : vector<16xi1>, vector<16xf32>
      %add3A_999 = arith.constant 44 : i32
      %add3A_1000 = vector.broadcast %add3A_999 : i32 to vector<16xi32>
      %add3A_1001 = arith.addi %iota3A, %add3A_1000 : vector<16xi32>
      %eq3A_1002 = arith.cmpi eq, %add3A_1001, %min3A_921 : vector<16xi32>
      %jit3A_1003 = arith.constant 0x7F800000 : f32
      %broadcast_in_dim3A_1004 = vector.broadcast %jit3A_1003 : f32 to vector<16xf32>
      %select_n3A_1005 = arith.select %eq3A_1002, %broadcast_in_dim3A_1004, %select_n3A_684 : vector<16xi1>, vector<16xf32>
      %add3A_1006 = arith.constant 48 : i32
      %add3A_1007 = vector.broadcast %add3A_1006 : i32 to vector<16xi32>
      %add3A_1008 = arith.addi %iota3A, %add3A_1007 : vector<16xi32>
      %eq3A_1009 = arith.cmpi eq, %add3A_1008, %min3A_921 : vector<16xi32>
      %jit3A_1010 = arith.constant 0x7F800000 : f32
      %broadcast_in_dim3A_1011 = vector.broadcast %jit3A_1010 : f32 to vector<16xf32>
      %select_n3A_1012 = arith.select %eq3A_1009, %broadcast_in_dim3A_1011, %select_n3A_691 : vector<16xi1>, vector<16xf32>
      %add3A_1013 = arith.constant 52 : i32
      %add3A_1014 = vector.broadcast %add3A_1013 : i32 to vector<16xi32>
      %add3A_1015 = arith.addi %iota3A, %add3A_1014 : vector<16xi32>
      %eq3A_1016 = arith.cmpi eq, %add3A_1015, %min3A_921 : vector<16xi32>
      %jit3A_1017 = arith.constant 0x7F800000 : f32
      %broadcast_in_dim3A_1018 = vector.broadcast %jit3A_1017 : f32 to vector<16xf32>
      %select_n3A_1019 = arith.select %eq3A_1016, %broadcast_in_dim3A_1018, %select_n3A_698 : vector<16xi1>, vector<16xf32>
      %add3A_1020 = arith.constant 56 : i32
      %add3A_1021 = vector.broadcast %add3A_1020 : i32 to vector<16xi32>
      %add3A_1022 = arith.addi %iota3A, %add3A_1021 : vector<16xi32>
      %eq3A_1023 = arith.cmpi eq, %add3A_1022, %min3A_921 : vector<16xi32>
      %jit3A_1024 = arith.constant 0x7F800000 : f32
      %broadcast_in_dim3A_1025 = vector.broadcast %jit3A_1024 : f32 to vector<16xf32>
      %select_n3A_1026 = arith.select %eq3A_1023, %broadcast_in_dim3A_1025, %select_n3A_705 : vector<16xi1>, vector<16xf32>
      %add3A_1027 = arith.constant 60 : i32
      %add3A_1028 = vector.broadcast %add3A_1027 : i32 to vector<16xi32>
      %add3A_1029 = arith.addi %iota3A, %add3A_1028 : vector<16xi32>
      %eq3A_1030 = arith.cmpi eq, %add3A_1029, %min3A_921 : vector<16xi32>
      %jit3A_1031 = arith.constant 0x7F800000 : f32
      %broadcast_in_dim3A_1032 = vector.broadcast %jit3A_1031 : f32 to vector<16xf32>
      %select_n3A_1033 = arith.select %eq3A_1030, %broadcast_in_dim3A_1032, %select_n3A_712 : vector<16xi1>, vector<16xf32>
      %eq3A_1034 = arith.constant 2 : i32
      %eq3A_1035 = vector.broadcast %eq3A_1034 : i32 to vector<16xi32>
      %eq3A_1036 = arith.cmpi eq, %iota3A, %eq3A_1035 : vector<16xi32>
      %select_n3A_1037 = arith.select %eq3A_1036, %min3A_921, %select_n3A_716 : vector<16xi1>, vector<16xi32>
      %eq3A_1038 = arith.constant 2 : i32
      %eq3A_1039 = vector.broadcast %eq3A_1038 : i32 to vector<16xi32>
      %eq3A_1040 = arith.cmpi eq, %iota3A, %eq3A_1039 : vector<16xi32>
      %select_n3A_1041 = arith.select %eq3A_1040, %min3A_763, %select_n3A_720 : vector<16xi1>, vector<16xf32>
      %min3A_1042 = arith.minimumf %select_n3A_928, %select_n3A_935 : vector<16xf32>
      %min3A_1043 = arith.minimumf %min3A_1042, %select_n3A_942 : vector<16xf32>
      %min3A_1044 = arith.minimumf %min3A_1043, %select_n3A_949 : vector<16xf32>
      %min3A_1045 = arith.minimumf %min3A_1044, %select_n3A_956 : vector<16xf32>
      %min3A_1046 = arith.minimumf %min3A_1045, %select_n3A_963 : vector<16xf32>
      %min3A_1047 = arith.minimumf %min3A_1046, %select_n3A_970 : vector<16xf32>
      %min3A_1048 = arith.minimumf %min3A_1047, %select_n3A_977 : vector<16xf32>
      %min3A_1049 = arith.minimumf %min3A_1048, %select_n3A_984 : vector<16xf32>
      %min3A_1050 = arith.minimumf %min3A_1049, %select_n3A_991 : vector<16xf32>
      %min3A_1051 = arith.minimumf %min3A_1050, %select_n3A_998 : vector<16xf32>
      %min3A_1052 = arith.minimumf %min3A_1051, %select_n3A_1005 : vector<16xf32>
      %min3A_1053 = arith.minimumf %min3A_1052, %select_n3A_1012 : vector<16xf32>
      %min3A_1054 = arith.minimumf %min3A_1053, %select_n3A_1019 : vector<16xf32>
      %min3A_1055 = arith.minimumf %min3A_1054, %select_n3A_1026 : vector<16xf32>
      %min3A_1056 = arith.minimumf %min3A_1055, %select_n3A_1033 : vector<16xf32>
      %xor3A_1057 = arith.constant 1 : i32
      %xor3A_1058 = vector.broadcast %xor3A_1057 : i32 to vector<16xi32>
      %xor3A_1059 = arith.xori %iota3A, %xor3A_1058 : vector<16xi32>
      %reshape3A_1060 = vector.shape_cast %xor3A_1059 : vector<16xi32> to vector<16x1xi32>
      %gather3A_1061 = vector.shape_cast %reshape3A_1060 : vector<16x1xi32> to vector<16xi32>
      %gather3A_1062 = tpu.dynamic_gather %min3A_1056[%gather3A_1061] in [0] : vector<16xf32>, vector<16xi32> -> vector<16xf32>
      %min3A_1063 = arith.minimumf %min3A_1056, %gather3A_1062 : vector<16xf32>
      %xor3A_1064 = arith.constant 2 : i32
      %xor3A_1065 = vector.broadcast %xor3A_1064 : i32 to vector<16xi32>
      %xor3A_1066 = arith.xori %iota3A, %xor3A_1065 : vector<16xi32>
      %reshape3A_1067 = vector.shape_cast %xor3A_1066 : vector<16xi32> to vector<16x1xi32>
      %gather3A_1068 = vector.shape_cast %reshape3A_1067 : vector<16x1xi32> to vector<16xi32>
      %gather3A_1069 = tpu.dynamic_gather %min3A_1063[%gather3A_1068] in [0] : vector<16xf32>, vector<16xi32> -> vector<16xf32>
      %min3A_1070 = arith.minimumf %min3A_1063, %gather3A_1069 : vector<16xf32>
      %xor3A_1071 = arith.constant 4 : i32
      %xor3A_1072 = vector.broadcast %xor3A_1071 : i32 to vector<16xi32>
      %xor3A_1073 = arith.xori %iota3A, %xor3A_1072 : vector<16xi32>
      %reshape3A_1074 = vector.shape_cast %xor3A_1073 : vector<16xi32> to vector<16x1xi32>
      %gather3A_1075 = vector.shape_cast %reshape3A_1074 : vector<16x1xi32> to vector<16xi32>
      %gather3A_1076 = tpu.dynamic_gather %min3A_1070[%gather3A_1075] in [0] : vector<16xf32>, vector<16xi32> -> vector<16xf32>
      %min3A_1077 = arith.minimumf %min3A_1070, %gather3A_1076 : vector<16xf32>
      %xor3A_1078 = arith.constant 8 : i32
      %xor3A_1079 = vector.broadcast %xor3A_1078 : i32 to vector<16xi32>
      %xor3A_1080 = arith.xori %iota3A, %xor3A_1079 : vector<16xi32>
      %reshape3A_1081 = vector.shape_cast %xor3A_1080 : vector<16xi32> to vector<16x1xi32>
      %gather3A_1082 = vector.shape_cast %reshape3A_1081 : vector<16x1xi32> to vector<16xi32>
      %gather3A_1083 = tpu.dynamic_gather %min3A_1077[%gather3A_1082] in [0] : vector<16xf32>, vector<16xi32> -> vector<16xf32>
      %min3A_1084 = arith.minimumf %min3A_1077, %gather3A_1083 : vector<16xf32>
      %broadcast_in_dim3A_1085 = arith.constant 127 : i32
      %broadcast_in_dim3A_1086 = vector.broadcast %broadcast_in_dim3A_1085 : i32 to vector<16xi32>
      %add3A_1087 = arith.constant 0 : i32
      %add3A_1088 = vector.broadcast %add3A_1087 : i32 to vector<16xi32>
      %add3A_1089 = arith.addi %iota3A, %add3A_1088 : vector<16xi32>
      %eq3A_1090 = arith.cmpf oeq, %select_n3A_928, %min3A_1084 : vector<16xf32>
      %jit3A_1091 = arith.constant 127 : i32
      %broadcast_in_dim3A_1092 = vector.broadcast %jit3A_1091 : i32 to vector<16xi32>
      %select_n3A_1093 = arith.select %eq3A_1090, %add3A_1089, %broadcast_in_dim3A_1092 : vector<16xi1>, vector<16xi32>
      %min3A_1094 = arith.minsi %broadcast_in_dim3A_1086, %select_n3A_1093 : vector<16xi32>
      %add3A_1095 = arith.constant 4 : i32
      %add3A_1096 = vector.broadcast %add3A_1095 : i32 to vector<16xi32>
      %add3A_1097 = arith.addi %iota3A, %add3A_1096 : vector<16xi32>
      %eq3A_1098 = arith.cmpf oeq, %select_n3A_935, %min3A_1084 : vector<16xf32>
      %jit3A_1099 = arith.constant 127 : i32
      %broadcast_in_dim3A_1100 = vector.broadcast %jit3A_1099 : i32 to vector<16xi32>
      %select_n3A_1101 = arith.select %eq3A_1098, %add3A_1097, %broadcast_in_dim3A_1100 : vector<16xi1>, vector<16xi32>
      %min3A_1102 = arith.minsi %min3A_1094, %select_n3A_1101 : vector<16xi32>
      %add3A_1103 = arith.constant 8 : i32
      %add3A_1104 = vector.broadcast %add3A_1103 : i32 to vector<16xi32>
      %add3A_1105 = arith.addi %iota3A, %add3A_1104 : vector<16xi32>
      %eq3A_1106 = arith.cmpf oeq, %select_n3A_942, %min3A_1084 : vector<16xf32>
      %jit3A_1107 = arith.constant 127 : i32
      %broadcast_in_dim3A_1108 = vector.broadcast %jit3A_1107 : i32 to vector<16xi32>
      %select_n3A_1109 = arith.select %eq3A_1106, %add3A_1105, %broadcast_in_dim3A_1108 : vector<16xi1>, vector<16xi32>
      %min3A_1110 = arith.minsi %min3A_1102, %select_n3A_1109 : vector<16xi32>
      %add3A_1111 = arith.constant 12 : i32
      %add3A_1112 = vector.broadcast %add3A_1111 : i32 to vector<16xi32>
      %add3A_1113 = arith.addi %iota3A, %add3A_1112 : vector<16xi32>
      %eq3A_1114 = arith.cmpf oeq, %select_n3A_949, %min3A_1084 : vector<16xf32>
      %jit3A_1115 = arith.constant 127 : i32
      %broadcast_in_dim3A_1116 = vector.broadcast %jit3A_1115 : i32 to vector<16xi32>
      %select_n3A_1117 = arith.select %eq3A_1114, %add3A_1113, %broadcast_in_dim3A_1116 : vector<16xi1>, vector<16xi32>
      %min3A_1118 = arith.minsi %min3A_1110, %select_n3A_1117 : vector<16xi32>
      %add3A_1119 = arith.constant 16 : i32
      %add3A_1120 = vector.broadcast %add3A_1119 : i32 to vector<16xi32>
      %add3A_1121 = arith.addi %iota3A, %add3A_1120 : vector<16xi32>
      %eq3A_1122 = arith.cmpf oeq, %select_n3A_956, %min3A_1084 : vector<16xf32>
      %jit3A_1123 = arith.constant 127 : i32
      %broadcast_in_dim3A_1124 = vector.broadcast %jit3A_1123 : i32 to vector<16xi32>
      %select_n3A_1125 = arith.select %eq3A_1122, %add3A_1121, %broadcast_in_dim3A_1124 : vector<16xi1>, vector<16xi32>
      %min3A_1126 = arith.minsi %min3A_1118, %select_n3A_1125 : vector<16xi32>
      %add3A_1127 = arith.constant 20 : i32
      %add3A_1128 = vector.broadcast %add3A_1127 : i32 to vector<16xi32>
      %add3A_1129 = arith.addi %iota3A, %add3A_1128 : vector<16xi32>
      %eq3A_1130 = arith.cmpf oeq, %select_n3A_963, %min3A_1084 : vector<16xf32>
      %jit3A_1131 = arith.constant 127 : i32
      %broadcast_in_dim3A_1132 = vector.broadcast %jit3A_1131 : i32 to vector<16xi32>
      %select_n3A_1133 = arith.select %eq3A_1130, %add3A_1129, %broadcast_in_dim3A_1132 : vector<16xi1>, vector<16xi32>
      %min3A_1134 = arith.minsi %min3A_1126, %select_n3A_1133 : vector<16xi32>
      %add3A_1135 = arith.constant 24 : i32
      %add3A_1136 = vector.broadcast %add3A_1135 : i32 to vector<16xi32>
      %add3A_1137 = arith.addi %iota3A, %add3A_1136 : vector<16xi32>
      %eq3A_1138 = arith.cmpf oeq, %select_n3A_970, %min3A_1084 : vector<16xf32>
      %jit3A_1139 = arith.constant 127 : i32
      %broadcast_in_dim3A_1140 = vector.broadcast %jit3A_1139 : i32 to vector<16xi32>
      %select_n3A_1141 = arith.select %eq3A_1138, %add3A_1137, %broadcast_in_dim3A_1140 : vector<16xi1>, vector<16xi32>
      %min3A_1142 = arith.minsi %min3A_1134, %select_n3A_1141 : vector<16xi32>
      %add3A_1143 = arith.constant 28 : i32
      %add3A_1144 = vector.broadcast %add3A_1143 : i32 to vector<16xi32>
      %add3A_1145 = arith.addi %iota3A, %add3A_1144 : vector<16xi32>
      %eq3A_1146 = arith.cmpf oeq, %select_n3A_977, %min3A_1084 : vector<16xf32>
      %jit3A_1147 = arith.constant 127 : i32
      %broadcast_in_dim3A_1148 = vector.broadcast %jit3A_1147 : i32 to vector<16xi32>
      %select_n3A_1149 = arith.select %eq3A_1146, %add3A_1145, %broadcast_in_dim3A_1148 : vector<16xi1>, vector<16xi32>
      %min3A_1150 = arith.minsi %min3A_1142, %select_n3A_1149 : vector<16xi32>
      %add3A_1151 = arith.constant 32 : i32
      %add3A_1152 = vector.broadcast %add3A_1151 : i32 to vector<16xi32>
      %add3A_1153 = arith.addi %iota3A, %add3A_1152 : vector<16xi32>
      %eq3A_1154 = arith.cmpf oeq, %select_n3A_984, %min3A_1084 : vector<16xf32>
      %jit3A_1155 = arith.constant 127 : i32
      %broadcast_in_dim3A_1156 = vector.broadcast %jit3A_1155 : i32 to vector<16xi32>
      %select_n3A_1157 = arith.select %eq3A_1154, %add3A_1153, %broadcast_in_dim3A_1156 : vector<16xi1>, vector<16xi32>
      %min3A_1158 = arith.minsi %min3A_1150, %select_n3A_1157 : vector<16xi32>
      %add3A_1159 = arith.constant 36 : i32
      %add3A_1160 = vector.broadcast %add3A_1159 : i32 to vector<16xi32>
      %add3A_1161 = arith.addi %iota3A, %add3A_1160 : vector<16xi32>
      %eq3A_1162 = arith.cmpf oeq, %select_n3A_991, %min3A_1084 : vector<16xf32>
      %jit3A_1163 = arith.constant 127 : i32
      %broadcast_in_dim3A_1164 = vector.broadcast %jit3A_1163 : i32 to vector<16xi32>
      %select_n3A_1165 = arith.select %eq3A_1162, %add3A_1161, %broadcast_in_dim3A_1164 : vector<16xi1>, vector<16xi32>
      %min3A_1166 = arith.minsi %min3A_1158, %select_n3A_1165 : vector<16xi32>
      %add3A_1167 = arith.constant 40 : i32
      %add3A_1168 = vector.broadcast %add3A_1167 : i32 to vector<16xi32>
      %add3A_1169 = arith.addi %iota3A, %add3A_1168 : vector<16xi32>
      %eq3A_1170 = arith.cmpf oeq, %select_n3A_998, %min3A_1084 : vector<16xf32>
      %jit3A_1171 = arith.constant 127 : i32
      %broadcast_in_dim3A_1172 = vector.broadcast %jit3A_1171 : i32 to vector<16xi32>
      %select_n3A_1173 = arith.select %eq3A_1170, %add3A_1169, %broadcast_in_dim3A_1172 : vector<16xi1>, vector<16xi32>
      %min3A_1174 = arith.minsi %min3A_1166, %select_n3A_1173 : vector<16xi32>
      %add3A_1175 = arith.constant 44 : i32
      %add3A_1176 = vector.broadcast %add3A_1175 : i32 to vector<16xi32>
      %add3A_1177 = arith.addi %iota3A, %add3A_1176 : vector<16xi32>
      %eq3A_1178 = arith.cmpf oeq, %select_n3A_1005, %min3A_1084 : vector<16xf32>
      %jit3A_1179 = arith.constant 127 : i32
      %broadcast_in_dim3A_1180 = vector.broadcast %jit3A_1179 : i32 to vector<16xi32>
      %select_n3A_1181 = arith.select %eq3A_1178, %add3A_1177, %broadcast_in_dim3A_1180 : vector<16xi1>, vector<16xi32>
      %min3A_1182 = arith.minsi %min3A_1174, %select_n3A_1181 : vector<16xi32>
      %add3A_1183 = arith.constant 48 : i32
      %add3A_1184 = vector.broadcast %add3A_1183 : i32 to vector<16xi32>
      %add3A_1185 = arith.addi %iota3A, %add3A_1184 : vector<16xi32>
      %eq3A_1186 = arith.cmpf oeq, %select_n3A_1012, %min3A_1084 : vector<16xf32>
      %jit3A_1187 = arith.constant 127 : i32
      %broadcast_in_dim3A_1188 = vector.broadcast %jit3A_1187 : i32 to vector<16xi32>
      %select_n3A_1189 = arith.select %eq3A_1186, %add3A_1185, %broadcast_in_dim3A_1188 : vector<16xi1>, vector<16xi32>
      %min3A_1190 = arith.minsi %min3A_1182, %select_n3A_1189 : vector<16xi32>
      %add3A_1191 = arith.constant 52 : i32
      %add3A_1192 = vector.broadcast %add3A_1191 : i32 to vector<16xi32>
      %add3A_1193 = arith.addi %iota3A, %add3A_1192 : vector<16xi32>
      %eq3A_1194 = arith.cmpf oeq, %select_n3A_1019, %min3A_1084 : vector<16xf32>
      %jit3A_1195 = arith.constant 127 : i32
      %broadcast_in_dim3A_1196 = vector.broadcast %jit3A_1195 : i32 to vector<16xi32>
      %select_n3A_1197 = arith.select %eq3A_1194, %add3A_1193, %broadcast_in_dim3A_1196 : vector<16xi1>, vector<16xi32>
      %min3A_1198 = arith.minsi %min3A_1190, %select_n3A_1197 : vector<16xi32>
      %add3A_1199 = arith.constant 56 : i32
      %add3A_1200 = vector.broadcast %add3A_1199 : i32 to vector<16xi32>
      %add3A_1201 = arith.addi %iota3A, %add3A_1200 : vector<16xi32>
      %eq3A_1202 = arith.cmpf oeq, %select_n3A_1026, %min3A_1084 : vector<16xf32>
      %jit3A_1203 = arith.constant 127 : i32
      %broadcast_in_dim3A_1204 = vector.broadcast %jit3A_1203 : i32 to vector<16xi32>
      %select_n3A_1205 = arith.select %eq3A_1202, %add3A_1201, %broadcast_in_dim3A_1204 : vector<16xi1>, vector<16xi32>
      %min3A_1206 = arith.minsi %min3A_1198, %select_n3A_1205 : vector<16xi32>
      %add3A_1207 = arith.constant 60 : i32
      %add3A_1208 = vector.broadcast %add3A_1207 : i32 to vector<16xi32>
      %add3A_1209 = arith.addi %iota3A, %add3A_1208 : vector<16xi32>
      %eq3A_1210 = arith.cmpf oeq, %select_n3A_1033, %min3A_1084 : vector<16xf32>
      %jit3A_1211 = arith.constant 127 : i32
      %broadcast_in_dim3A_1212 = vector.broadcast %jit3A_1211 : i32 to vector<16xi32>
      %select_n3A_1213 = arith.select %eq3A_1210, %add3A_1209, %broadcast_in_dim3A_1212 : vector<16xi1>, vector<16xi32>
      %min3A_1214 = arith.minsi %min3A_1206, %select_n3A_1213 : vector<16xi32>
      %xor3A_1215 = arith.constant 1 : i32
      %xor3A_1216 = vector.broadcast %xor3A_1215 : i32 to vector<16xi32>
      %xor3A_1217 = arith.xori %iota3A, %xor3A_1216 : vector<16xi32>
      %reshape3A_1218 = vector.shape_cast %xor3A_1217 : vector<16xi32> to vector<16x1xi32>
      %gather3A_1219 = vector.shape_cast %reshape3A_1218 : vector<16x1xi32> to vector<16xi32>
      %gather3A_1220 = tpu.dynamic_gather %min3A_1214[%gather3A_1219] in [0] : vector<16xi32>, vector<16xi32> -> vector<16xi32>
      %min3A_1221 = arith.minsi %min3A_1214, %gather3A_1220 : vector<16xi32>
      %xor3A_1222 = arith.constant 2 : i32
      %xor3A_1223 = vector.broadcast %xor3A_1222 : i32 to vector<16xi32>
      %xor3A_1224 = arith.xori %iota3A, %xor3A_1223 : vector<16xi32>
      %reshape3A_1225 = vector.shape_cast %xor3A_1224 : vector<16xi32> to vector<16x1xi32>
      %gather3A_1226 = vector.shape_cast %reshape3A_1225 : vector<16x1xi32> to vector<16xi32>
      %gather3A_1227 = tpu.dynamic_gather %min3A_1221[%gather3A_1226] in [0] : vector<16xi32>, vector<16xi32> -> vector<16xi32>
      %min3A_1228 = arith.minsi %min3A_1221, %gather3A_1227 : vector<16xi32>
      %xor3A_1229 = arith.constant 4 : i32
      %xor3A_1230 = vector.broadcast %xor3A_1229 : i32 to vector<16xi32>
      %xor3A_1231 = arith.xori %iota3A, %xor3A_1230 : vector<16xi32>
      %reshape3A_1232 = vector.shape_cast %xor3A_1231 : vector<16xi32> to vector<16x1xi32>
      %gather3A_1233 = vector.shape_cast %reshape3A_1232 : vector<16x1xi32> to vector<16xi32>
      %gather3A_1234 = tpu.dynamic_gather %min3A_1228[%gather3A_1233] in [0] : vector<16xi32>, vector<16xi32> -> vector<16xi32>
      %min3A_1235 = arith.minsi %min3A_1228, %gather3A_1234 : vector<16xi32>
      %xor3A_1236 = arith.constant 8 : i32
      %xor3A_1237 = vector.broadcast %xor3A_1236 : i32 to vector<16xi32>
      %xor3A_1238 = arith.xori %iota3A, %xor3A_1237 : vector<16xi32>
      %reshape3A_1239 = vector.shape_cast %xor3A_1238 : vector<16xi32> to vector<16x1xi32>
      %gather3A_1240 = vector.shape_cast %reshape3A_1239 : vector<16x1xi32> to vector<16xi32>
      %gather3A_1241 = tpu.dynamic_gather %min3A_1235[%gather3A_1240] in [0] : vector<16xi32>, vector<16xi32> -> vector<16xi32>
      %min3A_1242 = arith.minsi %min3A_1235, %gather3A_1241 : vector<16xi32>
      %add3A_1243 = arith.constant 0 : i32
      %add3A_1244 = vector.broadcast %add3A_1243 : i32 to vector<16xi32>
      %add3A_1245 = arith.addi %iota3A, %add3A_1244 : vector<16xi32>
      %eq3A_1246 = arith.cmpi eq, %add3A_1245, %min3A_1242 : vector<16xi32>
      %jit3A_1247 = arith.constant 0x7F800000 : f32
      %broadcast_in_dim3A_1248 = vector.broadcast %jit3A_1247 : f32 to vector<16xf32>
      %select_n3A_1249 = arith.select %eq3A_1246, %broadcast_in_dim3A_1248, %select_n3A_928 : vector<16xi1>, vector<16xf32>
      %add3A_1250 = arith.constant 4 : i32
      %add3A_1251 = vector.broadcast %add3A_1250 : i32 to vector<16xi32>
      %add3A_1252 = arith.addi %iota3A, %add3A_1251 : vector<16xi32>
      %eq3A_1253 = arith.cmpi eq, %add3A_1252, %min3A_1242 : vector<16xi32>
      %jit3A_1254 = arith.constant 0x7F800000 : f32
      %broadcast_in_dim3A_1255 = vector.broadcast %jit3A_1254 : f32 to vector<16xf32>
      %select_n3A_1256 = arith.select %eq3A_1253, %broadcast_in_dim3A_1255, %select_n3A_935 : vector<16xi1>, vector<16xf32>
      %add3A_1257 = arith.constant 8 : i32
      %add3A_1258 = vector.broadcast %add3A_1257 : i32 to vector<16xi32>
      %add3A_1259 = arith.addi %iota3A, %add3A_1258 : vector<16xi32>
      %eq3A_1260 = arith.cmpi eq, %add3A_1259, %min3A_1242 : vector<16xi32>
      %jit3A_1261 = arith.constant 0x7F800000 : f32
      %broadcast_in_dim3A_1262 = vector.broadcast %jit3A_1261 : f32 to vector<16xf32>
      %select_n3A_1263 = arith.select %eq3A_1260, %broadcast_in_dim3A_1262, %select_n3A_942 : vector<16xi1>, vector<16xf32>
      %add3A_1264 = arith.constant 12 : i32
      %add3A_1265 = vector.broadcast %add3A_1264 : i32 to vector<16xi32>
      %add3A_1266 = arith.addi %iota3A, %add3A_1265 : vector<16xi32>
      %eq3A_1267 = arith.cmpi eq, %add3A_1266, %min3A_1242 : vector<16xi32>
      %jit3A_1268 = arith.constant 0x7F800000 : f32
      %broadcast_in_dim3A_1269 = vector.broadcast %jit3A_1268 : f32 to vector<16xf32>
      %select_n3A_1270 = arith.select %eq3A_1267, %broadcast_in_dim3A_1269, %select_n3A_949 : vector<16xi1>, vector<16xf32>
      %add3A_1271 = arith.constant 16 : i32
      %add3A_1272 = vector.broadcast %add3A_1271 : i32 to vector<16xi32>
      %add3A_1273 = arith.addi %iota3A, %add3A_1272 : vector<16xi32>
      %eq3A_1274 = arith.cmpi eq, %add3A_1273, %min3A_1242 : vector<16xi32>
      %jit3A_1275 = arith.constant 0x7F800000 : f32
      %broadcast_in_dim3A_1276 = vector.broadcast %jit3A_1275 : f32 to vector<16xf32>
      %select_n3A_1277 = arith.select %eq3A_1274, %broadcast_in_dim3A_1276, %select_n3A_956 : vector<16xi1>, vector<16xf32>
      %add3A_1278 = arith.constant 20 : i32
      %add3A_1279 = vector.broadcast %add3A_1278 : i32 to vector<16xi32>
      %add3A_1280 = arith.addi %iota3A, %add3A_1279 : vector<16xi32>
      %eq3A_1281 = arith.cmpi eq, %add3A_1280, %min3A_1242 : vector<16xi32>
      %jit3A_1282 = arith.constant 0x7F800000 : f32
      %broadcast_in_dim3A_1283 = vector.broadcast %jit3A_1282 : f32 to vector<16xf32>
      %select_n3A_1284 = arith.select %eq3A_1281, %broadcast_in_dim3A_1283, %select_n3A_963 : vector<16xi1>, vector<16xf32>
      %add3A_1285 = arith.constant 24 : i32
      %add3A_1286 = vector.broadcast %add3A_1285 : i32 to vector<16xi32>
      %add3A_1287 = arith.addi %iota3A, %add3A_1286 : vector<16xi32>
      %eq3A_1288 = arith.cmpi eq, %add3A_1287, %min3A_1242 : vector<16xi32>
      %jit3A_1289 = arith.constant 0x7F800000 : f32
      %broadcast_in_dim3A_1290 = vector.broadcast %jit3A_1289 : f32 to vector<16xf32>
      %select_n3A_1291 = arith.select %eq3A_1288, %broadcast_in_dim3A_1290, %select_n3A_970 : vector<16xi1>, vector<16xf32>
      %add3A_1292 = arith.constant 28 : i32
      %add3A_1293 = vector.broadcast %add3A_1292 : i32 to vector<16xi32>
      %add3A_1294 = arith.addi %iota3A, %add3A_1293 : vector<16xi32>
      %eq3A_1295 = arith.cmpi eq, %add3A_1294, %min3A_1242 : vector<16xi32>
      %jit3A_1296 = arith.constant 0x7F800000 : f32
      %broadcast_in_dim3A_1297 = vector.broadcast %jit3A_1296 : f32 to vector<16xf32>
      %select_n3A_1298 = arith.select %eq3A_1295, %broadcast_in_dim3A_1297, %select_n3A_977 : vector<16xi1>, vector<16xf32>
      %add3A_1299 = arith.constant 32 : i32
      %add3A_1300 = vector.broadcast %add3A_1299 : i32 to vector<16xi32>
      %add3A_1301 = arith.addi %iota3A, %add3A_1300 : vector<16xi32>
      %eq3A_1302 = arith.cmpi eq, %add3A_1301, %min3A_1242 : vector<16xi32>
      %jit3A_1303 = arith.constant 0x7F800000 : f32
      %broadcast_in_dim3A_1304 = vector.broadcast %jit3A_1303 : f32 to vector<16xf32>
      %select_n3A_1305 = arith.select %eq3A_1302, %broadcast_in_dim3A_1304, %select_n3A_984 : vector<16xi1>, vector<16xf32>
      %add3A_1306 = arith.constant 36 : i32
      %add3A_1307 = vector.broadcast %add3A_1306 : i32 to vector<16xi32>
      %add3A_1308 = arith.addi %iota3A, %add3A_1307 : vector<16xi32>
      %eq3A_1309 = arith.cmpi eq, %add3A_1308, %min3A_1242 : vector<16xi32>
      %jit3A_1310 = arith.constant 0x7F800000 : f32
      %broadcast_in_dim3A_1311 = vector.broadcast %jit3A_1310 : f32 to vector<16xf32>
      %select_n3A_1312 = arith.select %eq3A_1309, %broadcast_in_dim3A_1311, %select_n3A_991 : vector<16xi1>, vector<16xf32>
      %add3A_1313 = arith.constant 40 : i32
      %add3A_1314 = vector.broadcast %add3A_1313 : i32 to vector<16xi32>
      %add3A_1315 = arith.addi %iota3A, %add3A_1314 : vector<16xi32>
      %eq3A_1316 = arith.cmpi eq, %add3A_1315, %min3A_1242 : vector<16xi32>
      %jit3A_1317 = arith.constant 0x7F800000 : f32
      %broadcast_in_dim3A_1318 = vector.broadcast %jit3A_1317 : f32 to vector<16xf32>
      %select_n3A_1319 = arith.select %eq3A_1316, %broadcast_in_dim3A_1318, %select_n3A_998 : vector<16xi1>, vector<16xf32>
      %add3A_1320 = arith.constant 44 : i32
      %add3A_1321 = vector.broadcast %add3A_1320 : i32 to vector<16xi32>
      %add3A_1322 = arith.addi %iota3A, %add3A_1321 : vector<16xi32>
      %eq3A_1323 = arith.cmpi eq, %add3A_1322, %min3A_1242 : vector<16xi32>
      %jit3A_1324 = arith.constant 0x7F800000 : f32
      %broadcast_in_dim3A_1325 = vector.broadcast %jit3A_1324 : f32 to vector<16xf32>
      %select_n3A_1326 = arith.select %eq3A_1323, %broadcast_in_dim3A_1325, %select_n3A_1005 : vector<16xi1>, vector<16xf32>
      %add3A_1327 = arith.constant 48 : i32
      %add3A_1328 = vector.broadcast %add3A_1327 : i32 to vector<16xi32>
      %add3A_1329 = arith.addi %iota3A, %add3A_1328 : vector<16xi32>
      %eq3A_1330 = arith.cmpi eq, %add3A_1329, %min3A_1242 : vector<16xi32>
      %jit3A_1331 = arith.constant 0x7F800000 : f32
      %broadcast_in_dim3A_1332 = vector.broadcast %jit3A_1331 : f32 to vector<16xf32>
      %select_n3A_1333 = arith.select %eq3A_1330, %broadcast_in_dim3A_1332, %select_n3A_1012 : vector<16xi1>, vector<16xf32>
      %add3A_1334 = arith.constant 52 : i32
      %add3A_1335 = vector.broadcast %add3A_1334 : i32 to vector<16xi32>
      %add3A_1336 = arith.addi %iota3A, %add3A_1335 : vector<16xi32>
      %eq3A_1337 = arith.cmpi eq, %add3A_1336, %min3A_1242 : vector<16xi32>
      %jit3A_1338 = arith.constant 0x7F800000 : f32
      %broadcast_in_dim3A_1339 = vector.broadcast %jit3A_1338 : f32 to vector<16xf32>
      %select_n3A_1340 = arith.select %eq3A_1337, %broadcast_in_dim3A_1339, %select_n3A_1019 : vector<16xi1>, vector<16xf32>
      %add3A_1341 = arith.constant 56 : i32
      %add3A_1342 = vector.broadcast %add3A_1341 : i32 to vector<16xi32>
      %add3A_1343 = arith.addi %iota3A, %add3A_1342 : vector<16xi32>
      %eq3A_1344 = arith.cmpi eq, %add3A_1343, %min3A_1242 : vector<16xi32>
      %jit3A_1345 = arith.constant 0x7F800000 : f32
      %broadcast_in_dim3A_1346 = vector.broadcast %jit3A_1345 : f32 to vector<16xf32>
      %select_n3A_1347 = arith.select %eq3A_1344, %broadcast_in_dim3A_1346, %select_n3A_1026 : vector<16xi1>, vector<16xf32>
      %add3A_1348 = arith.constant 60 : i32
      %add3A_1349 = vector.broadcast %add3A_1348 : i32 to vector<16xi32>
      %add3A_1350 = arith.addi %iota3A, %add3A_1349 : vector<16xi32>
      %eq3A_1351 = arith.cmpi eq, %add3A_1350, %min3A_1242 : vector<16xi32>
      %jit3A_1352 = arith.constant 0x7F800000 : f32
      %broadcast_in_dim3A_1353 = vector.broadcast %jit3A_1352 : f32 to vector<16xf32>
      %select_n3A_1354 = arith.select %eq3A_1351, %broadcast_in_dim3A_1353, %select_n3A_1033 : vector<16xi1>, vector<16xf32>
      %eq3A_1355 = arith.constant 3 : i32
      %eq3A_1356 = vector.broadcast %eq3A_1355 : i32 to vector<16xi32>
      %eq3A_1357 = arith.cmpi eq, %iota3A, %eq3A_1356 : vector<16xi32>
      %select_n3A_1358 = arith.select %eq3A_1357, %min3A_1242, %select_n3A_1037 : vector<16xi1>, vector<16xi32>
      %eq3A_1359 = arith.constant 3 : i32
      %eq3A_1360 = vector.broadcast %eq3A_1359 : i32 to vector<16xi32>
      %eq3A_1361 = arith.cmpi eq, %iota3A, %eq3A_1360 : vector<16xi32>
      %select_n3A_1362 = arith.select %eq3A_1361, %min3A_1084, %select_n3A_1041 : vector<16xi1>, vector<16xf32>
      %min3A_1363 = arith.minimumf %select_n3A_1249, %select_n3A_1256 : vector<16xf32>
      %min3A_1364 = arith.minimumf %min3A_1363, %select_n3A_1263 : vector<16xf32>
      %min3A_1365 = arith.minimumf %min3A_1364, %select_n3A_1270 : vector<16xf32>
      %min3A_1366 = arith.minimumf %min3A_1365, %select_n3A_1277 : vector<16xf32>
      %min3A_1367 = arith.minimumf %min3A_1366, %select_n3A_1284 : vector<16xf32>
      %min3A_1368 = arith.minimumf %min3A_1367, %select_n3A_1291 : vector<16xf32>
      %min3A_1369 = arith.minimumf %min3A_1368, %select_n3A_1298 : vector<16xf32>
      %min3A_1370 = arith.minimumf %min3A_1369, %select_n3A_1305 : vector<16xf32>
      %min3A_1371 = arith.minimumf %min3A_1370, %select_n3A_1312 : vector<16xf32>
      %min3A_1372 = arith.minimumf %min3A_1371, %select_n3A_1319 : vector<16xf32>
      %min3A_1373 = arith.minimumf %min3A_1372, %select_n3A_1326 : vector<16xf32>
      %min3A_1374 = arith.minimumf %min3A_1373, %select_n3A_1333 : vector<16xf32>
      %min3A_1375 = arith.minimumf %min3A_1374, %select_n3A_1340 : vector<16xf32>
      %min3A_1376 = arith.minimumf %min3A_1375, %select_n3A_1347 : vector<16xf32>
      %min3A_1377 = arith.minimumf %min3A_1376, %select_n3A_1354 : vector<16xf32>
      %xor3A_1378 = arith.constant 1 : i32
      %xor3A_1379 = vector.broadcast %xor3A_1378 : i32 to vector<16xi32>
      %xor3A_1380 = arith.xori %iota3A, %xor3A_1379 : vector<16xi32>
      %reshape3A_1381 = vector.shape_cast %xor3A_1380 : vector<16xi32> to vector<16x1xi32>
      %gather3A_1382 = vector.shape_cast %reshape3A_1381 : vector<16x1xi32> to vector<16xi32>
      %gather3A_1383 = tpu.dynamic_gather %min3A_1377[%gather3A_1382] in [0] : vector<16xf32>, vector<16xi32> -> vector<16xf32>
      %min3A_1384 = arith.minimumf %min3A_1377, %gather3A_1383 : vector<16xf32>
      %xor3A_1385 = arith.constant 2 : i32
      %xor3A_1386 = vector.broadcast %xor3A_1385 : i32 to vector<16xi32>
      %xor3A_1387 = arith.xori %iota3A, %xor3A_1386 : vector<16xi32>
      %reshape3A_1388 = vector.shape_cast %xor3A_1387 : vector<16xi32> to vector<16x1xi32>
      %gather3A_1389 = vector.shape_cast %reshape3A_1388 : vector<16x1xi32> to vector<16xi32>
      %gather3A_1390 = tpu.dynamic_gather %min3A_1384[%gather3A_1389] in [0] : vector<16xf32>, vector<16xi32> -> vector<16xf32>
      %min3A_1391 = arith.minimumf %min3A_1384, %gather3A_1390 : vector<16xf32>
      %xor3A_1392 = arith.constant 4 : i32
      %xor3A_1393 = vector.broadcast %xor3A_1392 : i32 to vector<16xi32>
      %xor3A_1394 = arith.xori %iota3A, %xor3A_1393 : vector<16xi32>
      %reshape3A_1395 = vector.shape_cast %xor3A_1394 : vector<16xi32> to vector<16x1xi32>
      %gather3A_1396 = vector.shape_cast %reshape3A_1395 : vector<16x1xi32> to vector<16xi32>
      %gather3A_1397 = tpu.dynamic_gather %min3A_1391[%gather3A_1396] in [0] : vector<16xf32>, vector<16xi32> -> vector<16xf32>
      %min3A_1398 = arith.minimumf %min3A_1391, %gather3A_1397 : vector<16xf32>
      %xor3A_1399 = arith.constant 8 : i32
      %xor3A_1400 = vector.broadcast %xor3A_1399 : i32 to vector<16xi32>
      %xor3A_1401 = arith.xori %iota3A, %xor3A_1400 : vector<16xi32>
      %reshape3A_1402 = vector.shape_cast %xor3A_1401 : vector<16xi32> to vector<16x1xi32>
      %gather3A_1403 = vector.shape_cast %reshape3A_1402 : vector<16x1xi32> to vector<16xi32>
      %gather3A_1404 = tpu.dynamic_gather %min3A_1398[%gather3A_1403] in [0] : vector<16xf32>, vector<16xi32> -> vector<16xf32>
      %min3A_1405 = arith.minimumf %min3A_1398, %gather3A_1404 : vector<16xf32>
      %broadcast_in_dim3A_1406 = arith.constant 127 : i32
      %broadcast_in_dim3A_1407 = vector.broadcast %broadcast_in_dim3A_1406 : i32 to vector<16xi32>
      %add3A_1408 = arith.constant 0 : i32
      %add3A_1409 = vector.broadcast %add3A_1408 : i32 to vector<16xi32>
      %add3A_1410 = arith.addi %iota3A, %add3A_1409 : vector<16xi32>
      %eq3A_1411 = arith.cmpf oeq, %select_n3A_1249, %min3A_1405 : vector<16xf32>
      %jit3A_1412 = arith.constant 127 : i32
      %broadcast_in_dim3A_1413 = vector.broadcast %jit3A_1412 : i32 to vector<16xi32>
      %select_n3A_1414 = arith.select %eq3A_1411, %add3A_1410, %broadcast_in_dim3A_1413 : vector<16xi1>, vector<16xi32>
      %min3A_1415 = arith.minsi %broadcast_in_dim3A_1407, %select_n3A_1414 : vector<16xi32>
      %add3A_1416 = arith.constant 4 : i32
      %add3A_1417 = vector.broadcast %add3A_1416 : i32 to vector<16xi32>
      %add3A_1418 = arith.addi %iota3A, %add3A_1417 : vector<16xi32>
      %eq3A_1419 = arith.cmpf oeq, %select_n3A_1256, %min3A_1405 : vector<16xf32>
      %jit3A_1420 = arith.constant 127 : i32
      %broadcast_in_dim3A_1421 = vector.broadcast %jit3A_1420 : i32 to vector<16xi32>
      %select_n3A_1422 = arith.select %eq3A_1419, %add3A_1418, %broadcast_in_dim3A_1421 : vector<16xi1>, vector<16xi32>
      %min3A_1423 = arith.minsi %min3A_1415, %select_n3A_1422 : vector<16xi32>
      %add3A_1424 = arith.constant 8 : i32
      %add3A_1425 = vector.broadcast %add3A_1424 : i32 to vector<16xi32>
      %add3A_1426 = arith.addi %iota3A, %add3A_1425 : vector<16xi32>
      %eq3A_1427 = arith.cmpf oeq, %select_n3A_1263, %min3A_1405 : vector<16xf32>
      %jit3A_1428 = arith.constant 127 : i32
      %broadcast_in_dim3A_1429 = vector.broadcast %jit3A_1428 : i32 to vector<16xi32>
      %select_n3A_1430 = arith.select %eq3A_1427, %add3A_1426, %broadcast_in_dim3A_1429 : vector<16xi1>, vector<16xi32>
      %min3A_1431 = arith.minsi %min3A_1423, %select_n3A_1430 : vector<16xi32>
      %add3A_1432 = arith.constant 12 : i32
      %add3A_1433 = vector.broadcast %add3A_1432 : i32 to vector<16xi32>
      %add3A_1434 = arith.addi %iota3A, %add3A_1433 : vector<16xi32>
      %eq3A_1435 = arith.cmpf oeq, %select_n3A_1270, %min3A_1405 : vector<16xf32>
      %jit3A_1436 = arith.constant 127 : i32
      %broadcast_in_dim3A_1437 = vector.broadcast %jit3A_1436 : i32 to vector<16xi32>
      %select_n3A_1438 = arith.select %eq3A_1435, %add3A_1434, %broadcast_in_dim3A_1437 : vector<16xi1>, vector<16xi32>
      %min3A_1439 = arith.minsi %min3A_1431, %select_n3A_1438 : vector<16xi32>
      %add3A_1440 = arith.constant 16 : i32
      %add3A_1441 = vector.broadcast %add3A_1440 : i32 to vector<16xi32>
      %add3A_1442 = arith.addi %iota3A, %add3A_1441 : vector<16xi32>
      %eq3A_1443 = arith.cmpf oeq, %select_n3A_1277, %min3A_1405 : vector<16xf32>
      %jit3A_1444 = arith.constant 127 : i32
      %broadcast_in_dim3A_1445 = vector.broadcast %jit3A_1444 : i32 to vector<16xi32>
      %select_n3A_1446 = arith.select %eq3A_1443, %add3A_1442, %broadcast_in_dim3A_1445 : vector<16xi1>, vector<16xi32>
      %min3A_1447 = arith.minsi %min3A_1439, %select_n3A_1446 : vector<16xi32>
      %add3A_1448 = arith.constant 20 : i32
      %add3A_1449 = vector.broadcast %add3A_1448 : i32 to vector<16xi32>
      %add3A_1450 = arith.addi %iota3A, %add3A_1449 : vector<16xi32>
      %eq3A_1451 = arith.cmpf oeq, %select_n3A_1284, %min3A_1405 : vector<16xf32>
      %jit3A_1452 = arith.constant 127 : i32
      %broadcast_in_dim3A_1453 = vector.broadcast %jit3A_1452 : i32 to vector<16xi32>
      %select_n3A_1454 = arith.select %eq3A_1451, %add3A_1450, %broadcast_in_dim3A_1453 : vector<16xi1>, vector<16xi32>
      %min3A_1455 = arith.minsi %min3A_1447, %select_n3A_1454 : vector<16xi32>
      %add3A_1456 = arith.constant 24 : i32
      %add3A_1457 = vector.broadcast %add3A_1456 : i32 to vector<16xi32>
      %add3A_1458 = arith.addi %iota3A, %add3A_1457 : vector<16xi32>
      %eq3A_1459 = arith.cmpf oeq, %select_n3A_1291, %min3A_1405 : vector<16xf32>
      %jit3A_1460 = arith.constant 127 : i32
      %broadcast_in_dim3A_1461 = vector.broadcast %jit3A_1460 : i32 to vector<16xi32>
      %select_n3A_1462 = arith.select %eq3A_1459, %add3A_1458, %broadcast_in_dim3A_1461 : vector<16xi1>, vector<16xi32>
      %min3A_1463 = arith.minsi %min3A_1455, %select_n3A_1462 : vector<16xi32>
      %add3A_1464 = arith.constant 28 : i32
      %add3A_1465 = vector.broadcast %add3A_1464 : i32 to vector<16xi32>
      %add3A_1466 = arith.addi %iota3A, %add3A_1465 : vector<16xi32>
      %eq3A_1467 = arith.cmpf oeq, %select_n3A_1298, %min3A_1405 : vector<16xf32>
      %jit3A_1468 = arith.constant 127 : i32
      %broadcast_in_dim3A_1469 = vector.broadcast %jit3A_1468 : i32 to vector<16xi32>
      %select_n3A_1470 = arith.select %eq3A_1467, %add3A_1466, %broadcast_in_dim3A_1469 : vector<16xi1>, vector<16xi32>
      %min3A_1471 = arith.minsi %min3A_1463, %select_n3A_1470 : vector<16xi32>
      %add3A_1472 = arith.constant 32 : i32
      %add3A_1473 = vector.broadcast %add3A_1472 : i32 to vector<16xi32>
      %add3A_1474 = arith.addi %iota3A, %add3A_1473 : vector<16xi32>
      %eq3A_1475 = arith.cmpf oeq, %select_n3A_1305, %min3A_1405 : vector<16xf32>
      %jit3A_1476 = arith.constant 127 : i32
      %broadcast_in_dim3A_1477 = vector.broadcast %jit3A_1476 : i32 to vector<16xi32>
      %select_n3A_1478 = arith.select %eq3A_1475, %add3A_1474, %broadcast_in_dim3A_1477 : vector<16xi1>, vector<16xi32>
      %min3A_1479 = arith.minsi %min3A_1471, %select_n3A_1478 : vector<16xi32>
      %add3A_1480 = arith.constant 36 : i32
      %add3A_1481 = vector.broadcast %add3A_1480 : i32 to vector<16xi32>
      %add3A_1482 = arith.addi %iota3A, %add3A_1481 : vector<16xi32>
      %eq3A_1483 = arith.cmpf oeq, %select_n3A_1312, %min3A_1405 : vector<16xf32>
      %jit3A_1484 = arith.constant 127 : i32
      %broadcast_in_dim3A_1485 = vector.broadcast %jit3A_1484 : i32 to vector<16xi32>
      %select_n3A_1486 = arith.select %eq3A_1483, %add3A_1482, %broadcast_in_dim3A_1485 : vector<16xi1>, vector<16xi32>
      %min3A_1487 = arith.minsi %min3A_1479, %select_n3A_1486 : vector<16xi32>
      %add3A_1488 = arith.constant 40 : i32
      %add3A_1489 = vector.broadcast %add3A_1488 : i32 to vector<16xi32>
      %add3A_1490 = arith.addi %iota3A, %add3A_1489 : vector<16xi32>
      %eq3A_1491 = arith.cmpf oeq, %select_n3A_1319, %min3A_1405 : vector<16xf32>
      %jit3A_1492 = arith.constant 127 : i32
      %broadcast_in_dim3A_1493 = vector.broadcast %jit3A_1492 : i32 to vector<16xi32>
      %select_n3A_1494 = arith.select %eq3A_1491, %add3A_1490, %broadcast_in_dim3A_1493 : vector<16xi1>, vector<16xi32>
      %min3A_1495 = arith.minsi %min3A_1487, %select_n3A_1494 : vector<16xi32>
      %add3A_1496 = arith.constant 44 : i32
      %add3A_1497 = vector.broadcast %add3A_1496 : i32 to vector<16xi32>
      %add3A_1498 = arith.addi %iota3A, %add3A_1497 : vector<16xi32>
      %eq3A_1499 = arith.cmpf oeq, %select_n3A_1326, %min3A_1405 : vector<16xf32>
      %jit3A_1500 = arith.constant 127 : i32
      %broadcast_in_dim3A_1501 = vector.broadcast %jit3A_1500 : i32 to vector<16xi32>
      %select_n3A_1502 = arith.select %eq3A_1499, %add3A_1498, %broadcast_in_dim3A_1501 : vector<16xi1>, vector<16xi32>
      %min3A_1503 = arith.minsi %min3A_1495, %select_n3A_1502 : vector<16xi32>
      %add3A_1504 = arith.constant 48 : i32
      %add3A_1505 = vector.broadcast %add3A_1504 : i32 to vector<16xi32>
      %add3A_1506 = arith.addi %iota3A, %add3A_1505 : vector<16xi32>
      %eq3A_1507 = arith.cmpf oeq, %select_n3A_1333, %min3A_1405 : vector<16xf32>
      %jit3A_1508 = arith.constant 127 : i32
      %broadcast_in_dim3A_1509 = vector.broadcast %jit3A_1508 : i32 to vector<16xi32>
      %select_n3A_1510 = arith.select %eq3A_1507, %add3A_1506, %broadcast_in_dim3A_1509 : vector<16xi1>, vector<16xi32>
      %min3A_1511 = arith.minsi %min3A_1503, %select_n3A_1510 : vector<16xi32>
      %add3A_1512 = arith.constant 52 : i32
      %add3A_1513 = vector.broadcast %add3A_1512 : i32 to vector<16xi32>
      %add3A_1514 = arith.addi %iota3A, %add3A_1513 : vector<16xi32>
      %eq3A_1515 = arith.cmpf oeq, %select_n3A_1340, %min3A_1405 : vector<16xf32>
      %jit3A_1516 = arith.constant 127 : i32
      %broadcast_in_dim3A_1517 = vector.broadcast %jit3A_1516 : i32 to vector<16xi32>
      %select_n3A_1518 = arith.select %eq3A_1515, %add3A_1514, %broadcast_in_dim3A_1517 : vector<16xi1>, vector<16xi32>
      %min3A_1519 = arith.minsi %min3A_1511, %select_n3A_1518 : vector<16xi32>
      %add3A_1520 = arith.constant 56 : i32
      %add3A_1521 = vector.broadcast %add3A_1520 : i32 to vector<16xi32>
      %add3A_1522 = arith.addi %iota3A, %add3A_1521 : vector<16xi32>
      %eq3A_1523 = arith.cmpf oeq, %select_n3A_1347, %min3A_1405 : vector<16xf32>
      %jit3A_1524 = arith.constant 127 : i32
      %broadcast_in_dim3A_1525 = vector.broadcast %jit3A_1524 : i32 to vector<16xi32>
      %select_n3A_1526 = arith.select %eq3A_1523, %add3A_1522, %broadcast_in_dim3A_1525 : vector<16xi1>, vector<16xi32>
      %min3A_1527 = arith.minsi %min3A_1519, %select_n3A_1526 : vector<16xi32>
      %add3A_1528 = arith.constant 60 : i32
      %add3A_1529 = vector.broadcast %add3A_1528 : i32 to vector<16xi32>
      %add3A_1530 = arith.addi %iota3A, %add3A_1529 : vector<16xi32>
      %eq3A_1531 = arith.cmpf oeq, %select_n3A_1354, %min3A_1405 : vector<16xf32>
      %jit3A_1532 = arith.constant 127 : i32
      %broadcast_in_dim3A_1533 = vector.broadcast %jit3A_1532 : i32 to vector<16xi32>
      %select_n3A_1534 = arith.select %eq3A_1531, %add3A_1530, %broadcast_in_dim3A_1533 : vector<16xi1>, vector<16xi32>
      %min3A_1535 = arith.minsi %min3A_1527, %select_n3A_1534 : vector<16xi32>
      %xor3A_1536 = arith.constant 1 : i32
      %xor3A_1537 = vector.broadcast %xor3A_1536 : i32 to vector<16xi32>
      %xor3A_1538 = arith.xori %iota3A, %xor3A_1537 : vector<16xi32>
      %reshape3A_1539 = vector.shape_cast %xor3A_1538 : vector<16xi32> to vector<16x1xi32>
      %gather3A_1540 = vector.shape_cast %reshape3A_1539 : vector<16x1xi32> to vector<16xi32>
      %gather3A_1541 = tpu.dynamic_gather %min3A_1535[%gather3A_1540] in [0] : vector<16xi32>, vector<16xi32> -> vector<16xi32>
      %min3A_1542 = arith.minsi %min3A_1535, %gather3A_1541 : vector<16xi32>
      %xor3A_1543 = arith.constant 2 : i32
      %xor3A_1544 = vector.broadcast %xor3A_1543 : i32 to vector<16xi32>
      %xor3A_1545 = arith.xori %iota3A, %xor3A_1544 : vector<16xi32>
      %reshape3A_1546 = vector.shape_cast %xor3A_1545 : vector<16xi32> to vector<16x1xi32>
      %gather3A_1547 = vector.shape_cast %reshape3A_1546 : vector<16x1xi32> to vector<16xi32>
      %gather3A_1548 = tpu.dynamic_gather %min3A_1542[%gather3A_1547] in [0] : vector<16xi32>, vector<16xi32> -> vector<16xi32>
      %min3A_1549 = arith.minsi %min3A_1542, %gather3A_1548 : vector<16xi32>
      %xor3A_1550 = arith.constant 4 : i32
      %xor3A_1551 = vector.broadcast %xor3A_1550 : i32 to vector<16xi32>
      %xor3A_1552 = arith.xori %iota3A, %xor3A_1551 : vector<16xi32>
      %reshape3A_1553 = vector.shape_cast %xor3A_1552 : vector<16xi32> to vector<16x1xi32>
      %gather3A_1554 = vector.shape_cast %reshape3A_1553 : vector<16x1xi32> to vector<16xi32>
      %gather3A_1555 = tpu.dynamic_gather %min3A_1549[%gather3A_1554] in [0] : vector<16xi32>, vector<16xi32> -> vector<16xi32>
      %min3A_1556 = arith.minsi %min3A_1549, %gather3A_1555 : vector<16xi32>
      %xor3A_1557 = arith.constant 8 : i32
      %xor3A_1558 = vector.broadcast %xor3A_1557 : i32 to vector<16xi32>
      %xor3A_1559 = arith.xori %iota3A, %xor3A_1558 : vector<16xi32>
      %reshape3A_1560 = vector.shape_cast %xor3A_1559 : vector<16xi32> to vector<16x1xi32>
      %gather3A_1561 = vector.shape_cast %reshape3A_1560 : vector<16x1xi32> to vector<16xi32>
      %gather3A_1562 = tpu.dynamic_gather %min3A_1556[%gather3A_1561] in [0] : vector<16xi32>, vector<16xi32> -> vector<16xi32>
      %min3A_1563 = arith.minsi %min3A_1556, %gather3A_1562 : vector<16xi32>
      %add3A_1564 = arith.constant 0 : i32
      %add3A_1565 = vector.broadcast %add3A_1564 : i32 to vector<16xi32>
      %add3A_1566 = arith.addi %iota3A, %add3A_1565 : vector<16xi32>
      %eq3A_1567 = arith.cmpi eq, %add3A_1566, %min3A_1563 : vector<16xi32>
      %jit3A_1568 = arith.constant 0x7F800000 : f32
      %broadcast_in_dim3A_1569 = vector.broadcast %jit3A_1568 : f32 to vector<16xf32>
      %select_n3A_1570 = arith.select %eq3A_1567, %broadcast_in_dim3A_1569, %select_n3A_1249 : vector<16xi1>, vector<16xf32>
      %add3A_1571 = arith.constant 4 : i32
      %add3A_1572 = vector.broadcast %add3A_1571 : i32 to vector<16xi32>
      %add3A_1573 = arith.addi %iota3A, %add3A_1572 : vector<16xi32>
      %eq3A_1574 = arith.cmpi eq, %add3A_1573, %min3A_1563 : vector<16xi32>
      %jit3A_1575 = arith.constant 0x7F800000 : f32
      %broadcast_in_dim3A_1576 = vector.broadcast %jit3A_1575 : f32 to vector<16xf32>
      %select_n3A_1577 = arith.select %eq3A_1574, %broadcast_in_dim3A_1576, %select_n3A_1256 : vector<16xi1>, vector<16xf32>
      %add3A_1578 = arith.constant 8 : i32
      %add3A_1579 = vector.broadcast %add3A_1578 : i32 to vector<16xi32>
      %add3A_1580 = arith.addi %iota3A, %add3A_1579 : vector<16xi32>
      %eq3A_1581 = arith.cmpi eq, %add3A_1580, %min3A_1563 : vector<16xi32>
      %jit3A_1582 = arith.constant 0x7F800000 : f32
      %broadcast_in_dim3A_1583 = vector.broadcast %jit3A_1582 : f32 to vector<16xf32>
      %select_n3A_1584 = arith.select %eq3A_1581, %broadcast_in_dim3A_1583, %select_n3A_1263 : vector<16xi1>, vector<16xf32>
      %add3A_1585 = arith.constant 12 : i32
      %add3A_1586 = vector.broadcast %add3A_1585 : i32 to vector<16xi32>
      %add3A_1587 = arith.addi %iota3A, %add3A_1586 : vector<16xi32>
      %eq3A_1588 = arith.cmpi eq, %add3A_1587, %min3A_1563 : vector<16xi32>
      %jit3A_1589 = arith.constant 0x7F800000 : f32
      %broadcast_in_dim3A_1590 = vector.broadcast %jit3A_1589 : f32 to vector<16xf32>
      %select_n3A_1591 = arith.select %eq3A_1588, %broadcast_in_dim3A_1590, %select_n3A_1270 : vector<16xi1>, vector<16xf32>
      %add3A_1592 = arith.constant 16 : i32
      %add3A_1593 = vector.broadcast %add3A_1592 : i32 to vector<16xi32>
      %add3A_1594 = arith.addi %iota3A, %add3A_1593 : vector<16xi32>
      %eq3A_1595 = arith.cmpi eq, %add3A_1594, %min3A_1563 : vector<16xi32>
      %jit3A_1596 = arith.constant 0x7F800000 : f32
      %broadcast_in_dim3A_1597 = vector.broadcast %jit3A_1596 : f32 to vector<16xf32>
      %select_n3A_1598 = arith.select %eq3A_1595, %broadcast_in_dim3A_1597, %select_n3A_1277 : vector<16xi1>, vector<16xf32>
      %add3A_1599 = arith.constant 20 : i32
      %add3A_1600 = vector.broadcast %add3A_1599 : i32 to vector<16xi32>
      %add3A_1601 = arith.addi %iota3A, %add3A_1600 : vector<16xi32>
      %eq3A_1602 = arith.cmpi eq, %add3A_1601, %min3A_1563 : vector<16xi32>
      %jit3A_1603 = arith.constant 0x7F800000 : f32
      %broadcast_in_dim3A_1604 = vector.broadcast %jit3A_1603 : f32 to vector<16xf32>
      %select_n3A_1605 = arith.select %eq3A_1602, %broadcast_in_dim3A_1604, %select_n3A_1284 : vector<16xi1>, vector<16xf32>
      %add3A_1606 = arith.constant 24 : i32
      %add3A_1607 = vector.broadcast %add3A_1606 : i32 to vector<16xi32>
      %add3A_1608 = arith.addi %iota3A, %add3A_1607 : vector<16xi32>
      %eq3A_1609 = arith.cmpi eq, %add3A_1608, %min3A_1563 : vector<16xi32>
      %jit3A_1610 = arith.constant 0x7F800000 : f32
      %broadcast_in_dim3A_1611 = vector.broadcast %jit3A_1610 : f32 to vector<16xf32>
      %select_n3A_1612 = arith.select %eq3A_1609, %broadcast_in_dim3A_1611, %select_n3A_1291 : vector<16xi1>, vector<16xf32>
      %add3A_1613 = arith.constant 28 : i32
      %add3A_1614 = vector.broadcast %add3A_1613 : i32 to vector<16xi32>
      %add3A_1615 = arith.addi %iota3A, %add3A_1614 : vector<16xi32>
      %eq3A_1616 = arith.cmpi eq, %add3A_1615, %min3A_1563 : vector<16xi32>
      %jit3A_1617 = arith.constant 0x7F800000 : f32
      %broadcast_in_dim3A_1618 = vector.broadcast %jit3A_1617 : f32 to vector<16xf32>
      %select_n3A_1619 = arith.select %eq3A_1616, %broadcast_in_dim3A_1618, %select_n3A_1298 : vector<16xi1>, vector<16xf32>
      %add3A_1620 = arith.constant 32 : i32
      %add3A_1621 = vector.broadcast %add3A_1620 : i32 to vector<16xi32>
      %add3A_1622 = arith.addi %iota3A, %add3A_1621 : vector<16xi32>
      %eq3A_1623 = arith.cmpi eq, %add3A_1622, %min3A_1563 : vector<16xi32>
      %jit3A_1624 = arith.constant 0x7F800000 : f32
      %broadcast_in_dim3A_1625 = vector.broadcast %jit3A_1624 : f32 to vector<16xf32>
      %select_n3A_1626 = arith.select %eq3A_1623, %broadcast_in_dim3A_1625, %select_n3A_1305 : vector<16xi1>, vector<16xf32>
      %add3A_1627 = arith.constant 36 : i32
      %add3A_1628 = vector.broadcast %add3A_1627 : i32 to vector<16xi32>
      %add3A_1629 = arith.addi %iota3A, %add3A_1628 : vector<16xi32>
      %eq3A_1630 = arith.cmpi eq, %add3A_1629, %min3A_1563 : vector<16xi32>
      %jit3A_1631 = arith.constant 0x7F800000 : f32
      %broadcast_in_dim3A_1632 = vector.broadcast %jit3A_1631 : f32 to vector<16xf32>
      %select_n3A_1633 = arith.select %eq3A_1630, %broadcast_in_dim3A_1632, %select_n3A_1312 : vector<16xi1>, vector<16xf32>
      %add3A_1634 = arith.constant 40 : i32
      %add3A_1635 = vector.broadcast %add3A_1634 : i32 to vector<16xi32>
      %add3A_1636 = arith.addi %iota3A, %add3A_1635 : vector<16xi32>
      %eq3A_1637 = arith.cmpi eq, %add3A_1636, %min3A_1563 : vector<16xi32>
      %jit3A_1638 = arith.constant 0x7F800000 : f32
      %broadcast_in_dim3A_1639 = vector.broadcast %jit3A_1638 : f32 to vector<16xf32>
      %select_n3A_1640 = arith.select %eq3A_1637, %broadcast_in_dim3A_1639, %select_n3A_1319 : vector<16xi1>, vector<16xf32>
      %add3A_1641 = arith.constant 44 : i32
      %add3A_1642 = vector.broadcast %add3A_1641 : i32 to vector<16xi32>
      %add3A_1643 = arith.addi %iota3A, %add3A_1642 : vector<16xi32>
      %eq3A_1644 = arith.cmpi eq, %add3A_1643, %min3A_1563 : vector<16xi32>
      %jit3A_1645 = arith.constant 0x7F800000 : f32
      %broadcast_in_dim3A_1646 = vector.broadcast %jit3A_1645 : f32 to vector<16xf32>
      %select_n3A_1647 = arith.select %eq3A_1644, %broadcast_in_dim3A_1646, %select_n3A_1326 : vector<16xi1>, vector<16xf32>
      %add3A_1648 = arith.constant 48 : i32
      %add3A_1649 = vector.broadcast %add3A_1648 : i32 to vector<16xi32>
      %add3A_1650 = arith.addi %iota3A, %add3A_1649 : vector<16xi32>
      %eq3A_1651 = arith.cmpi eq, %add3A_1650, %min3A_1563 : vector<16xi32>
      %jit3A_1652 = arith.constant 0x7F800000 : f32
      %broadcast_in_dim3A_1653 = vector.broadcast %jit3A_1652 : f32 to vector<16xf32>
      %select_n3A_1654 = arith.select %eq3A_1651, %broadcast_in_dim3A_1653, %select_n3A_1333 : vector<16xi1>, vector<16xf32>
      %add3A_1655 = arith.constant 52 : i32
      %add3A_1656 = vector.broadcast %add3A_1655 : i32 to vector<16xi32>
      %add3A_1657 = arith.addi %iota3A, %add3A_1656 : vector<16xi32>
      %eq3A_1658 = arith.cmpi eq, %add3A_1657, %min3A_1563 : vector<16xi32>
      %jit3A_1659 = arith.constant 0x7F800000 : f32
      %broadcast_in_dim3A_1660 = vector.broadcast %jit3A_1659 : f32 to vector<16xf32>
      %select_n3A_1661 = arith.select %eq3A_1658, %broadcast_in_dim3A_1660, %select_n3A_1340 : vector<16xi1>, vector<16xf32>
      %add3A_1662 = arith.constant 56 : i32
      %add3A_1663 = vector.broadcast %add3A_1662 : i32 to vector<16xi32>
      %add3A_1664 = arith.addi %iota3A, %add3A_1663 : vector<16xi32>
      %eq3A_1665 = arith.cmpi eq, %add3A_1664, %min3A_1563 : vector<16xi32>
      %jit3A_1666 = arith.constant 0x7F800000 : f32
      %broadcast_in_dim3A_1667 = vector.broadcast %jit3A_1666 : f32 to vector<16xf32>
      %select_n3A_1668 = arith.select %eq3A_1665, %broadcast_in_dim3A_1667, %select_n3A_1347 : vector<16xi1>, vector<16xf32>
      %add3A_1669 = arith.constant 60 : i32
      %add3A_1670 = vector.broadcast %add3A_1669 : i32 to vector<16xi32>
      %add3A_1671 = arith.addi %iota3A, %add3A_1670 : vector<16xi32>
      %eq3A_1672 = arith.cmpi eq, %add3A_1671, %min3A_1563 : vector<16xi32>
      %jit3A_1673 = arith.constant 0x7F800000 : f32
      %broadcast_in_dim3A_1674 = vector.broadcast %jit3A_1673 : f32 to vector<16xf32>
      %select_n3A_1675 = arith.select %eq3A_1672, %broadcast_in_dim3A_1674, %select_n3A_1354 : vector<16xi1>, vector<16xf32>
      %eq3A_1676 = arith.constant 4 : i32
      %eq3A_1677 = vector.broadcast %eq3A_1676 : i32 to vector<16xi32>
      %eq3A_1678 = arith.cmpi eq, %iota3A, %eq3A_1677 : vector<16xi32>
      %select_n3A_1679 = arith.select %eq3A_1678, %min3A_1563, %select_n3A_1358 : vector<16xi1>, vector<16xi32>
      %eq3A_1680 = arith.constant 4 : i32
      %eq3A_1681 = vector.broadcast %eq3A_1680 : i32 to vector<16xi32>
      %eq3A_1682 = arith.cmpi eq, %iota3A, %eq3A_1681 : vector<16xi32>
      %select_n3A_1683 = arith.select %eq3A_1682, %min3A_1405, %select_n3A_1362 : vector<16xi1>, vector<16xf32>
      %swap3A = arith.constant 0 : index
      %swap3A_1684 = tpu.vector_load %arg6[%swap3A] {strides = array<i32>} : memref<16xi32, #tpu.memory_space<vmem>>, vector<16xi32>,
      %swap3A_1685 = vector.shape_cast %swap3A_1684 : vector<16xi32> to vector<16xi32>
      %swap3A_1686 = vector.shape_cast %select_n3A_1679 : vector<16xi32> to vector<16xi32>
      tpu.vector_store %arg6[%swap3A], %swap3A_1686 {strides = array<i32>} : memref<16xi32, #tpu.memory_space<vmem>>, vector<16xi32>,
      %swap3A_1687 = arith.constant 0 : index
      %swap3A_1688 = tpu.vector_load %arg7[%swap3A_1687] {strides = array<i32>} : memref<16xf32, #tpu.memory_space<vmem>>, vector<16xf32>,
      %swap3A_1689 = vector.shape_cast %swap3A_1688 : vector<16xf32> to vector<16xf32>
      %swap3A_1690 = vector.shape_cast %select_n3A_1683 : vector<16xf32> to vector<16xf32>
      tpu.vector_store %arg7[%swap3A_1687], %swap3A_1690 {strides = array<i32>} : memref<16xf32, #tpu.memory_space<vmem>>, vector<16xf32>,
      "tpu.region"() ({
        %run_scoped3A = tpu.sem_alloc : memref<!tpu.dma_semaphore, #tpu.memory_space<semaphore_mem>>
        tpu.enqueue_dma source(%arg6 : memref<16xi32, #tpu.memory_space<vmem>>) target(%arg3 : memref<16xi32, #tpu.memory_space<hbm>>) target_semaphore(%run_scoped3A : memref<!tpu.dma_semaphore, #tpu.memory_space<semaphore_mem>>)
        tpu.wait_dma2 semaphore(%run_scoped3A : memref<!tpu.dma_semaphore, #tpu.memory_space<semaphore_mem>>) src(%arg6 : memref<16xi32, #tpu.memory_space<vmem>>) dst(%arg3 : memref<16xi32, #tpu.memory_space<hbm>>)
        tpu.yield
      }) : () -> ()
      "tpu.region"() ({
        %run_scoped3A = tpu.sem_alloc : memref<!tpu.dma_semaphore, #tpu.memory_space<semaphore_mem>>
        tpu.enqueue_dma source(%arg7 : memref<16xf32, #tpu.memory_space<vmem>>) target(%arg4 : memref<16xf32, #tpu.memory_space<hbm>>) target_semaphore(%run_scoped3A : memref<!tpu.dma_semaphore, #tpu.memory_space<semaphore_mem>>)
        tpu.wait_dma2 semaphore(%run_scoped3A : memref<!tpu.dma_semaphore, #tpu.memory_space<semaphore_mem>>) src(%arg7 : memref<16xf32, #tpu.memory_space<vmem>>) dst(%arg4 : memref<16xf32, #tpu.memory_space<hbm>>)
        tpu.yield
      }) : () -> ()
    } else {
    }
    return
  }
}

#map = affine_map<(d0, d1) -> (0, 0)>
module attributes {stable_mosaic.version = 14 : i64} {
  func.func @dist_k(%arg0: i32, %arg1: i32, %arg2: memref<1x1024xf32, #tpu.memory_space<hbm>>, %arg3: memref<64x1024xf32, #tpu.memory_space<hbm>>, %arg4: memref<16x16xf32, #tpu.memory_space<hbm>>, %arg5: memref<1024xf32, #tpu.memory_space<vmem>>, %arg6: memref<4x1024xf32, #tpu.memory_space<vmem>>, %arg7: memref<16xf32, #tpu.memory_space<vmem>>) attributes {dimension_semantics = [#tpu.dimension_semantics<core_parallel>, #tpu.dimension_semantics<subcore_parallel>], iteration_bounds = array<i64: 2, 16>, scalar_prefetch = 0 : i64, scratch_operands = 3 : i64, tpu.core_type = #tpu.core_type<sc_vector_subcore>, window_params = [{transform_indices = #map}, {transform_indices = #map}, {transform_indices = #map}]} {
    %iota3A = tpu.iota {dimensions = array<i32: 0>} : vector<16xi32>
    %mul3A = arith.constant 4 : i32
    %mul3A_0 = arith.muli %arg1, %mul3A : i32
    %run_scoped3A = arith.constant 0 : i32
    "tpu.region"() ({
      %run_scoped3A_161 = tpu.sem_alloc : memref<!tpu.dma_semaphore, #tpu.memory_space<semaphore_mem>>
      %dma_start3A = arith.constant 0 : i32
      %dma_start3A_162 = tpu.memref_slice %arg2[%run_scoped3A, %dma_start3A] : memref<1x1024xf32, #tpu.memory_space<hbm>> -> memref<1x1024xf32, #tpu.memory_space<hbm>>
      %dma_start3A_163 = tpu.memref_squeeze %dma_start3A_162 : memref<1x1024xf32, #tpu.memory_space<hbm>> -> memref<1024xf32, #tpu.memory_space<hbm>>
      %dma_start3A_164 = arith.constant 0 : i32
      %dma_start3A_165 = tpu.memref_slice %arg2[%run_scoped3A, %dma_start3A_164] : memref<1x1024xf32, #tpu.memory_space<hbm>> -> memref<1x1024xf32, #tpu.memory_space<hbm>>
      %dma_start3A_166 = tpu.memref_squeeze %dma_start3A_165 : memref<1x1024xf32, #tpu.memory_space<hbm>> -> memref<1024xf32, #tpu.memory_space<hbm>>
      tpu.enqueue_dma source(%dma_start3A_166 : memref<1024xf32, #tpu.memory_space<hbm>>) target(%arg5 : memref<1024xf32, #tpu.memory_space<vmem>>) target_semaphore(%run_scoped3A_161 : memref<!tpu.dma_semaphore, #tpu.memory_space<semaphore_mem>>)
      %dma_wait3A = arith.constant 0 : i32
      %dma_wait3A_167 = tpu.memref_slice %arg2[%run_scoped3A, %dma_wait3A] : memref<1x1024xf32, #tpu.memory_space<hbm>> -> memref<1x1024xf32, #tpu.memory_space<hbm>>
      %dma_wait3A_168 = tpu.memref_squeeze %dma_wait3A_167 : memref<1x1024xf32, #tpu.memory_space<hbm>> -> memref<1024xf32, #tpu.memory_space<hbm>>
      %dma_wait3A_169 = arith.constant 0 : i32
      %dma_wait3A_170 = tpu.memref_slice %arg2[%run_scoped3A, %dma_wait3A_169] : memref<1x1024xf32, #tpu.memory_space<hbm>> -> memref<1x1024xf32, #tpu.memory_space<hbm>>
      %dma_wait3A_171 = tpu.memref_squeeze %dma_wait3A_170 : memref<1x1024xf32, #tpu.memory_space<hbm>> -> memref<1024xf32, #tpu.memory_space<hbm>>
      tpu.wait_dma2 semaphore(%run_scoped3A_161 : memref<!tpu.dma_semaphore, #tpu.memory_space<semaphore_mem>>) src(%dma_wait3A_171 : memref<1024xf32, #tpu.memory_space<hbm>>) dst(%arg5 : memref<1024xf32, #tpu.memory_space<vmem>>)
      tpu.yield
    }) : () -> ()
    "tpu.region"() ({
      %run_scoped3A_161 = tpu.sem_alloc : memref<!tpu.dma_semaphore, #tpu.memory_space<semaphore_mem>>
      %dma_start3A = arith.constant 0 : i32
      %dma_start3A_162 = tpu.memref_slice %arg3[%mul3A_0, %dma_start3A] : memref<64x1024xf32, #tpu.memory_space<hbm>> -> memref<4x1024xf32, #tpu.memory_space<hbm>>
      %dma_start3A_163 = arith.constant 0 : i32
      %dma_start3A_164 = tpu.memref_slice %arg3[%mul3A_0, %dma_start3A_163] : memref<64x1024xf32, #tpu.memory_space<hbm>> -> memref<4x1024xf32, #tpu.memory_space<hbm>>
      tpu.enqueue_dma source(%dma_start3A_164 : memref<4x1024xf32, #tpu.memory_space<hbm>>) target(%arg6 : memref<4x1024xf32, #tpu.memory_space<vmem>>) target_semaphore(%run_scoped3A_161 : memref<!tpu.dma_semaphore, #tpu.memory_space<semaphore_mem>>)
      %dma_wait3A = arith.constant 0 : i32
      %dma_wait3A_165 = tpu.memref_slice %arg3[%mul3A_0, %dma_wait3A] : memref<64x1024xf32, #tpu.memory_space<hbm>> -> memref<4x1024xf32, #tpu.memory_space<hbm>>
      %dma_wait3A_166 = arith.constant 0 : i32
      %dma_wait3A_167 = tpu.memref_slice %arg3[%mul3A_0, %dma_wait3A_166] : memref<64x1024xf32, #tpu.memory_space<hbm>> -> memref<4x1024xf32, #tpu.memory_space<hbm>>
      tpu.wait_dma2 semaphore(%run_scoped3A_161 : memref<!tpu.dma_semaphore, #tpu.memory_space<semaphore_mem>>) src(%dma_wait3A_167 : memref<4x1024xf32, #tpu.memory_space<hbm>>) dst(%arg6 : memref<4x1024xf32, #tpu.memory_space<vmem>>)
      tpu.yield
    }) : () -> ()
    %broadcast_in_dim3A = arith.constant 0x7F800000 : f32
    %broadcast_in_dim3A_1 = vector.broadcast %broadcast_in_dim3A : f32 to vector<16xf32>
    %broadcast_in_dim3A_2 = arith.constant 0.000000e+00 : f32
    %broadcast_in_dim3A_3 = vector.broadcast %broadcast_in_dim3A_2 : f32 to vector<16xf32>
    %scan3A = arith.constant 0 : i32
    %scan3A_4 = arith.constant 64 : i32
    %scan3A_5 = arith.addi %scan3A, %scan3A_4 : i32
    %scan3A_6 = arith.constant 1 : i32
    %scan3A_7 = scf.for %scan3A_161 = %scan3A to %scan3A_5 step %scan3A_6 iter_args(%scan3A_162 = %broadcast_in_dim3A_3) -> (vector<16xf32>)  : i32 {
      %mul3A_163 = arith.constant 16 : i32
      %mul3A_164 = arith.muli %scan3A_161, %mul3A_163 : i32
      %get3A = arith.constant 0 : i32
      %get3A_165 = arith.index_cast %get3A : i32 to index
      %get3A_166 = arith.index_cast %mul3A_164 : i32 to index
      %get3A_167 = tpu.vector_load %arg6[%get3A_165, %get3A_166] {strides = array<i32>} : memref<4x1024xf32, #tpu.memory_space<vmem>>, vector<1x16xf32>,
      %get3A_168 = vector.shape_cast %get3A_167 : vector<1x16xf32> to vector<16xf32>
      %mul3A_169 = arith.constant 16 : i32
      %mul3A_170 = arith.muli %scan3A_161, %mul3A_169 : i32
      %get3A_171 = arith.index_cast %mul3A_170 : i32 to index
      %get3A_172 = tpu.vector_load %arg5[%get3A_171] {strides = array<i32>} : memref<1024xf32, #tpu.memory_space<vmem>>, vector<16xf32>,
      %get3A_173 = vector.shape_cast %get3A_172 : vector<16xf32> to vector<16xf32>
      %sub3A = arith.subf %get3A_168, %get3A_173 : vector<16xf32>
      %mul3A_174 = arith.mulf %sub3A, %sub3A : vector<16xf32>
      %add3A_175 = arith.addf %scan3A_162, %mul3A_174 : vector<16xf32>
      scf.yield %add3A_175 : vector<16xf32>
    }
    %scan3A_8 = arith.constant 64 : i32
    %xor3A = arith.constant 1 : i32
    %xor3A_9 = vector.broadcast %xor3A : i32 to vector<16xi32>
    %xor3A_10 = arith.xori %iota3A, %xor3A_9 : vector<16xi32>
    %reshape3A = vector.shape_cast %xor3A_10 : vector<16xi32> to vector<16x1xi32>
    %gather3A = vector.shape_cast %reshape3A : vector<16x1xi32> to vector<16xi32>
    %gather3A_11 = tpu.dynamic_gather %scan3A_7[%gather3A] in [0] : vector<16xf32>, vector<16xi32> -> vector<16xf32>
    %add3A = arith.addf %scan3A_7, %gather3A_11 : vector<16xf32>
    %xor3A_12 = arith.constant 2 : i32
    %xor3A_13 = vector.broadcast %xor3A_12 : i32 to vector<16xi32>
    %xor3A_14 = arith.xori %iota3A, %xor3A_13 : vector<16xi32>
    %reshape3A_15 = vector.shape_cast %xor3A_14 : vector<16xi32> to vector<16x1xi32>
    %gather3A_16 = vector.shape_cast %reshape3A_15 : vector<16x1xi32> to vector<16xi32>
    %gather3A_17 = tpu.dynamic_gather %add3A[%gather3A_16] in [0] : vector<16xf32>, vector<16xi32> -> vector<16xf32>
    %add3A_18 = arith.addf %add3A, %gather3A_17 : vector<16xf32>
    %xor3A_19 = arith.constant 4 : i32
    %xor3A_20 = vector.broadcast %xor3A_19 : i32 to vector<16xi32>
    %xor3A_21 = arith.xori %iota3A, %xor3A_20 : vector<16xi32>
    %reshape3A_22 = vector.shape_cast %xor3A_21 : vector<16xi32> to vector<16x1xi32>
    %gather3A_23 = vector.shape_cast %reshape3A_22 : vector<16x1xi32> to vector<16xi32>
    %gather3A_24 = tpu.dynamic_gather %add3A_18[%gather3A_23] in [0] : vector<16xf32>, vector<16xi32> -> vector<16xf32>
    %add3A_25 = arith.addf %add3A_18, %gather3A_24 : vector<16xf32>
    %xor3A_26 = arith.constant 8 : i32
    %xor3A_27 = vector.broadcast %xor3A_26 : i32 to vector<16xi32>
    %xor3A_28 = arith.xori %iota3A, %xor3A_27 : vector<16xi32>
    %reshape3A_29 = vector.shape_cast %xor3A_28 : vector<16xi32> to vector<16x1xi32>
    %gather3A_30 = vector.shape_cast %reshape3A_29 : vector<16x1xi32> to vector<16xi32>
    %gather3A_31 = tpu.dynamic_gather %add3A_25[%gather3A_30] in [0] : vector<16xf32>, vector<16xi32> -> vector<16xf32>
    %add3A_32 = arith.addf %add3A_25, %gather3A_31 : vector<16xf32>
    %eq3A = arith.constant 0 : i32
    %eq3A_33 = vector.broadcast %eq3A : i32 to vector<16xi32>
    %eq3A_34 = arith.cmpi eq, %iota3A, %eq3A_33 : vector<16xi32>
    %select_n3A = arith.select %eq3A_34, %add3A_32, %broadcast_in_dim3A_1 : vector<16xi1>, vector<16xf32>
    %broadcast_in_dim3A_35 = arith.constant 0.000000e+00 : f32
    %broadcast_in_dim3A_36 = vector.broadcast %broadcast_in_dim3A_35 : f32 to vector<16xf32>
    %scan3A_37 = arith.constant 0 : i32
    %scan3A_38 = arith.constant 64 : i32
    %scan3A_39 = arith.addi %scan3A_37, %scan3A_38 : i32
    %scan3A_40 = arith.constant 1 : i32
    %scan3A_41 = scf.for %scan3A_161 = %scan3A_37 to %scan3A_39 step %scan3A_40 iter_args(%scan3A_162 = %broadcast_in_dim3A_36) -> (vector<16xf32>)  : i32 {
      %mul3A_163 = arith.constant 16 : i32
      %mul3A_164 = arith.muli %scan3A_161, %mul3A_163 : i32
      %get3A = arith.constant 1 : i32
      %get3A_165 = arith.index_cast %get3A : i32 to index
      %get3A_166 = arith.index_cast %mul3A_164 : i32 to index
      %get3A_167 = tpu.vector_load %arg6[%get3A_165, %get3A_166] {strides = array<i32>} : memref<4x1024xf32, #tpu.memory_space<vmem>>, vector<1x16xf32>,
      %get3A_168 = vector.shape_cast %get3A_167 : vector<1x16xf32> to vector<16xf32>
      %mul3A_169 = arith.constant 16 : i32
      %mul3A_170 = arith.muli %scan3A_161, %mul3A_169 : i32
      %get3A_171 = arith.index_cast %mul3A_170 : i32 to index
      %get3A_172 = tpu.vector_load %arg5[%get3A_171] {strides = array<i32>} : memref<1024xf32, #tpu.memory_space<vmem>>, vector<16xf32>,
      %get3A_173 = vector.shape_cast %get3A_172 : vector<16xf32> to vector<16xf32>
      %sub3A = arith.subf %get3A_168, %get3A_173 : vector<16xf32>
      %mul3A_174 = arith.mulf %sub3A, %sub3A : vector<16xf32>
      %add3A_175 = arith.addf %scan3A_162, %mul3A_174 : vector<16xf32>
      scf.yield %add3A_175 : vector<16xf32>
    }
    %scan3A_42 = arith.constant 64 : i32
    %xor3A_43 = arith.constant 1 : i32
    %xor3A_44 = vector.broadcast %xor3A_43 : i32 to vector<16xi32>
    %xor3A_45 = arith.xori %iota3A, %xor3A_44 : vector<16xi32>
    %reshape3A_46 = vector.shape_cast %xor3A_45 : vector<16xi32> to vector<16x1xi32>
    %gather3A_47 = vector.shape_cast %reshape3A_46 : vector<16x1xi32> to vector<16xi32>
    %gather3A_48 = tpu.dynamic_gather %scan3A_41[%gather3A_47] in [0] : vector<16xf32>, vector<16xi32> -> vector<16xf32>
    %add3A_49 = arith.addf %scan3A_41, %gather3A_48 : vector<16xf32>
    %xor3A_50 = arith.constant 2 : i32
    %xor3A_51 = vector.broadcast %xor3A_50 : i32 to vector<16xi32>
    %xor3A_52 = arith.xori %iota3A, %xor3A_51 : vector<16xi32>
    %reshape3A_53 = vector.shape_cast %xor3A_52 : vector<16xi32> to vector<16x1xi32>
    %gather3A_54 = vector.shape_cast %reshape3A_53 : vector<16x1xi32> to vector<16xi32>
    %gather3A_55 = tpu.dynamic_gather %add3A_49[%gather3A_54] in [0] : vector<16xf32>, vector<16xi32> -> vector<16xf32>
    %add3A_56 = arith.addf %add3A_49, %gather3A_55 : vector<16xf32>
    %xor3A_57 = arith.constant 4 : i32
    %xor3A_58 = vector.broadcast %xor3A_57 : i32 to vector<16xi32>
    %xor3A_59 = arith.xori %iota3A, %xor3A_58 : vector<16xi32>
    %reshape3A_60 = vector.shape_cast %xor3A_59 : vector<16xi32> to vector<16x1xi32>
    %gather3A_61 = vector.shape_cast %reshape3A_60 : vector<16x1xi32> to vector<16xi32>
    %gather3A_62 = tpu.dynamic_gather %add3A_56[%gather3A_61] in [0] : vector<16xf32>, vector<16xi32> -> vector<16xf32>
    %add3A_63 = arith.addf %add3A_56, %gather3A_62 : vector<16xf32>
    %xor3A_64 = arith.constant 8 : i32
    %xor3A_65 = vector.broadcast %xor3A_64 : i32 to vector<16xi32>
    %xor3A_66 = arith.xori %iota3A, %xor3A_65 : vector<16xi32>
    %reshape3A_67 = vector.shape_cast %xor3A_66 : vector<16xi32> to vector<16x1xi32>
    %gather3A_68 = vector.shape_cast %reshape3A_67 : vector<16x1xi32> to vector<16xi32>
    %gather3A_69 = tpu.dynamic_gather %add3A_63[%gather3A_68] in [0] : vector<16xf32>, vector<16xi32> -> vector<16xf32>
    %add3A_70 = arith.addf %add3A_63, %gather3A_69 : vector<16xf32>
    %eq3A_71 = arith.constant 1 : i32
    %eq3A_72 = vector.broadcast %eq3A_71 : i32 to vector<16xi32>
    %eq3A_73 = arith.cmpi eq, %iota3A, %eq3A_72 : vector<16xi32>
    %select_n3A_74 = arith.select %eq3A_73, %add3A_70, %select_n3A : vector<16xi1>, vector<16xf32>
    %broadcast_in_dim3A_75 = arith.constant 0.000000e+00 : f32
    %broadcast_in_dim3A_76 = vector.broadcast %broadcast_in_dim3A_75 : f32 to vector<16xf32>
    %scan3A_77 = arith.constant 0 : i32
    %scan3A_78 = arith.constant 64 : i32
    %scan3A_79 = arith.addi %scan3A_77, %scan3A_78 : i32
    %scan3A_80 = arith.constant 1 : i32
    %scan3A_81 = scf.for %scan3A_161 = %scan3A_77 to %scan3A_79 step %scan3A_80 iter_args(%scan3A_162 = %broadcast_in_dim3A_76) -> (vector<16xf32>)  : i32 {
      %mul3A_163 = arith.constant 16 : i32
      %mul3A_164 = arith.muli %scan3A_161, %mul3A_163 : i32
      %get3A = arith.constant 2 : i32
      %get3A_165 = arith.index_cast %get3A : i32 to index
      %get3A_166 = arith.index_cast %mul3A_164 : i32 to index
      %get3A_167 = tpu.vector_load %arg6[%get3A_165, %get3A_166] {strides = array<i32>} : memref<4x1024xf32, #tpu.memory_space<vmem>>, vector<1x16xf32>,
      %get3A_168 = vector.shape_cast %get3A_167 : vector<1x16xf32> to vector<16xf32>
      %mul3A_169 = arith.constant 16 : i32
      %mul3A_170 = arith.muli %scan3A_161, %mul3A_169 : i32
      %get3A_171 = arith.index_cast %mul3A_170 : i32 to index
      %get3A_172 = tpu.vector_load %arg5[%get3A_171] {strides = array<i32>} : memref<1024xf32, #tpu.memory_space<vmem>>, vector<16xf32>,
      %get3A_173 = vector.shape_cast %get3A_172 : vector<16xf32> to vector<16xf32>
      %sub3A = arith.subf %get3A_168, %get3A_173 : vector<16xf32>
      %mul3A_174 = arith.mulf %sub3A, %sub3A : vector<16xf32>
      %add3A_175 = arith.addf %scan3A_162, %mul3A_174 : vector<16xf32>
      scf.yield %add3A_175 : vector<16xf32>
    }
    %scan3A_82 = arith.constant 64 : i32
    %xor3A_83 = arith.constant 1 : i32
    %xor3A_84 = vector.broadcast %xor3A_83 : i32 to vector<16xi32>
    %xor3A_85 = arith.xori %iota3A, %xor3A_84 : vector<16xi32>
    %reshape3A_86 = vector.shape_cast %xor3A_85 : vector<16xi32> to vector<16x1xi32>
    %gather3A_87 = vector.shape_cast %reshape3A_86 : vector<16x1xi32> to vector<16xi32>
    %gather3A_88 = tpu.dynamic_gather %scan3A_81[%gather3A_87] in [0] : vector<16xf32>, vector<16xi32> -> vector<16xf32>
    %add3A_89 = arith.addf %scan3A_81, %gather3A_88 : vector<16xf32>
    %xor3A_90 = arith.constant 2 : i32
    %xor3A_91 = vector.broadcast %xor3A_90 : i32 to vector<16xi32>
    %xor3A_92 = arith.xori %iota3A, %xor3A_91 : vector<16xi32>
    %reshape3A_93 = vector.shape_cast %xor3A_92 : vector<16xi32> to vector<16x1xi32>
    %gather3A_94 = vector.shape_cast %reshape3A_93 : vector<16x1xi32> to vector<16xi32>
    %gather3A_95 = tpu.dynamic_gather %add3A_89[%gather3A_94] in [0] : vector<16xf32>, vector<16xi32> -> vector<16xf32>
    %add3A_96 = arith.addf %add3A_89, %gather3A_95 : vector<16xf32>
    %xor3A_97 = arith.constant 4 : i32
    %xor3A_98 = vector.broadcast %xor3A_97 : i32 to vector<16xi32>
    %xor3A_99 = arith.xori %iota3A, %xor3A_98 : vector<16xi32>
    %reshape3A_100 = vector.shape_cast %xor3A_99 : vector<16xi32> to vector<16x1xi32>
    %gather3A_101 = vector.shape_cast %reshape3A_100 : vector<16x1xi32> to vector<16xi32>
    %gather3A_102 = tpu.dynamic_gather %add3A_96[%gather3A_101] in [0] : vector<16xf32>, vector<16xi32> -> vector<16xf32>
    %add3A_103 = arith.addf %add3A_96, %gather3A_102 : vector<16xf32>
    %xor3A_104 = arith.constant 8 : i32
    %xor3A_105 = vector.broadcast %xor3A_104 : i32 to vector<16xi32>
    %xor3A_106 = arith.xori %iota3A, %xor3A_105 : vector<16xi32>
    %reshape3A_107 = vector.shape_cast %xor3A_106 : vector<16xi32> to vector<16x1xi32>
    %gather3A_108 = vector.shape_cast %reshape3A_107 : vector<16x1xi32> to vector<16xi32>
    %gather3A_109 = tpu.dynamic_gather %add3A_103[%gather3A_108] in [0] : vector<16xf32>, vector<16xi32> -> vector<16xf32>
    %add3A_110 = arith.addf %add3A_103, %gather3A_109 : vector<16xf32>
    %eq3A_111 = arith.constant 2 : i32
    %eq3A_112 = vector.broadcast %eq3A_111 : i32 to vector<16xi32>
    %eq3A_113 = arith.cmpi eq, %iota3A, %eq3A_112 : vector<16xi32>
    %select_n3A_114 = arith.select %eq3A_113, %add3A_110, %select_n3A_74 : vector<16xi1>, vector<16xf32>
    %broadcast_in_dim3A_115 = arith.constant 0.000000e+00 : f32
    %broadcast_in_dim3A_116 = vector.broadcast %broadcast_in_dim3A_115 : f32 to vector<16xf32>
    %scan3A_117 = arith.constant 0 : i32
    %scan3A_118 = arith.constant 64 : i32
    %scan3A_119 = arith.addi %scan3A_117, %scan3A_118 : i32
    %scan3A_120 = arith.constant 1 : i32
    %scan3A_121 = scf.for %scan3A_161 = %scan3A_117 to %scan3A_119 step %scan3A_120 iter_args(%scan3A_162 = %broadcast_in_dim3A_116) -> (vector<16xf32>)  : i32 {
      %mul3A_163 = arith.constant 16 : i32
      %mul3A_164 = arith.muli %scan3A_161, %mul3A_163 : i32
      %get3A = arith.constant 3 : i32
      %get3A_165 = arith.index_cast %get3A : i32 to index
      %get3A_166 = arith.index_cast %mul3A_164 : i32 to index
      %get3A_167 = tpu.vector_load %arg6[%get3A_165, %get3A_166] {strides = array<i32>} : memref<4x1024xf32, #tpu.memory_space<vmem>>, vector<1x16xf32>,
      %get3A_168 = vector.shape_cast %get3A_167 : vector<1x16xf32> to vector<16xf32>
      %mul3A_169 = arith.constant 16 : i32
      %mul3A_170 = arith.muli %scan3A_161, %mul3A_169 : i32
      %get3A_171 = arith.index_cast %mul3A_170 : i32 to index
      %get3A_172 = tpu.vector_load %arg5[%get3A_171] {strides = array<i32>} : memref<1024xf32, #tpu.memory_space<vmem>>, vector<16xf32>,
      %get3A_173 = vector.shape_cast %get3A_172 : vector<16xf32> to vector<16xf32>
      %sub3A = arith.subf %get3A_168, %get3A_173 : vector<16xf32>
      %mul3A_174 = arith.mulf %sub3A, %sub3A : vector<16xf32>
      %add3A_175 = arith.addf %scan3A_162, %mul3A_174 : vector<16xf32>
      scf.yield %add3A_175 : vector<16xf32>
    }
    %scan3A_122 = arith.constant 64 : i32
    %xor3A_123 = arith.constant 1 : i32
    %xor3A_124 = vector.broadcast %xor3A_123 : i32 to vector<16xi32>
    %xor3A_125 = arith.xori %iota3A, %xor3A_124 : vector<16xi32>
    %reshape3A_126 = vector.shape_cast %xor3A_125 : vector<16xi32> to vector<16x1xi32>
    %gather3A_127 = vector.shape_cast %reshape3A_126 : vector<16x1xi32> to vector<16xi32>
    %gather3A_128 = tpu.dynamic_gather %scan3A_121[%gather3A_127] in [0] : vector<16xf32>, vector<16xi32> -> vector<16xf32>
    %add3A_129 = arith.addf %scan3A_121, %gather3A_128 : vector<16xf32>
    %xor3A_130 = arith.constant 2 : i32
    %xor3A_131 = vector.broadcast %xor3A_130 : i32 to vector<16xi32>
    %xor3A_132 = arith.xori %iota3A, %xor3A_131 : vector<16xi32>
    %reshape3A_133 = vector.shape_cast %xor3A_132 : vector<16xi32> to vector<16x1xi32>
    %gather3A_134 = vector.shape_cast %reshape3A_133 : vector<16x1xi32> to vector<16xi32>
    %gather3A_135 = tpu.dynamic_gather %add3A_129[%gather3A_134] in [0] : vector<16xf32>, vector<16xi32> -> vector<16xf32>
    %add3A_136 = arith.addf %add3A_129, %gather3A_135 : vector<16xf32>
    %xor3A_137 = arith.constant 4 : i32
    %xor3A_138 = vector.broadcast %xor3A_137 : i32 to vector<16xi32>
    %xor3A_139 = arith.xori %iota3A, %xor3A_138 : vector<16xi32>
    %reshape3A_140 = vector.shape_cast %xor3A_139 : vector<16xi32> to vector<16x1xi32>
    %gather3A_141 = vector.shape_cast %reshape3A_140 : vector<16x1xi32> to vector<16xi32>
    %gather3A_142 = tpu.dynamic_gather %add3A_136[%gather3A_141] in [0] : vector<16xf32>, vector<16xi32> -> vector<16xf32>
    %add3A_143 = arith.addf %add3A_136, %gather3A_142 : vector<16xf32>
    %xor3A_144 = arith.constant 8 : i32
    %xor3A_145 = vector.broadcast %xor3A_144 : i32 to vector<16xi32>
    %xor3A_146 = arith.xori %iota3A, %xor3A_145 : vector<16xi32>
    %reshape3A_147 = vector.shape_cast %xor3A_146 : vector<16xi32> to vector<16x1xi32>
    %gather3A_148 = vector.shape_cast %reshape3A_147 : vector<16x1xi32> to vector<16xi32>
    %gather3A_149 = tpu.dynamic_gather %add3A_143[%gather3A_148] in [0] : vector<16xf32>, vector<16xi32> -> vector<16xf32>
    %add3A_150 = arith.addf %add3A_143, %gather3A_149 : vector<16xf32>
    %eq3A_151 = arith.constant 3 : i32
    %eq3A_152 = vector.broadcast %eq3A_151 : i32 to vector<16xi32>
    %eq3A_153 = arith.cmpi eq, %iota3A, %eq3A_152 : vector<16xi32>
    %select_n3A_154 = arith.select %eq3A_153, %add3A_150, %select_n3A_114 : vector<16xi1>, vector<16xf32>
    %swap3A = arith.constant 0 : index
    %swap3A_155 = tpu.vector_load %arg7[%swap3A] {strides = array<i32>} : memref<16xf32, #tpu.memory_space<vmem>>, vector<16xf32>,
    %swap3A_156 = vector.shape_cast %swap3A_155 : vector<16xf32> to vector<16xf32>
    %swap3A_157 = vector.shape_cast %select_n3A_154 : vector<16xf32> to vector<16xf32>
    tpu.vector_store %arg7[%swap3A], %swap3A_157 {strides = array<i32>} : memref<16xf32, #tpu.memory_space<vmem>>, vector<16xf32>,
    %eq3A_158 = arith.constant 0 : i32
    %eq3A_159 = arith.cmpi eq, %arg0, %eq3A_158 : i32
    %convert_element_type3A = arith.extui %eq3A_159 : i1 to i32
    %cond3A = arith.constant 0 : i32
    %cond3A_160 = arith.cmpi ne, %convert_element_type3A, %cond3A : i32
    scf.if %cond3A_160 {
      "tpu.region"() ({
        %run_scoped3A_161 = tpu.sem_alloc : memref<!tpu.dma_semaphore, #tpu.memory_space<semaphore_mem>>
        %dma_start3A = arith.constant 0 : i32
        %dma_start3A_162 = tpu.memref_slice %arg4[%arg1, %dma_start3A] : memref<16x16xf32, #tpu.memory_space<hbm>> -> memref<1x16xf32, #tpu.memory_space<hbm>>
        %dma_start3A_163 = tpu.memref_squeeze %dma_start3A_162 : memref<1x16xf32, #tpu.memory_space<hbm>> -> memref<16xf32, #tpu.memory_space<hbm>>
        %dma_start3A_164 = arith.constant 0 : i32
        %dma_start3A_165 = tpu.memref_slice %arg4[%arg1, %dma_start3A_164] : memref<16x16xf32, #tpu.memory_space<hbm>> -> memref<1x16xf32, #tpu.memory_space<hbm>>
        %dma_start3A_166 = tpu.memref_squeeze %dma_start3A_165 : memref<1x16xf32, #tpu.memory_space<hbm>> -> memref<16xf32, #tpu.memory_space<hbm>>
        tpu.enqueue_dma source(%arg7 : memref<16xf32, #tpu.memory_space<vmem>>) target(%dma_start3A_166 : memref<16xf32, #tpu.memory_space<hbm>>) target_semaphore(%run_scoped3A_161 : memref<!tpu.dma_semaphore, #tpu.memory_space<semaphore_mem>>)
        %dma_wait3A = arith.constant 0 : i32
        %dma_wait3A_167 = tpu.memref_slice %arg4[%arg1, %dma_wait3A] : memref<16x16xf32, #tpu.memory_space<hbm>> -> memref<1x16xf32, #tpu.memory_space<hbm>>
        %dma_wait3A_168 = tpu.memref_squeeze %dma_wait3A_167 : memref<1x16xf32, #tpu.memory_space<hbm>> -> memref<16xf32, #tpu.memory_space<hbm>>
        %dma_wait3A_169 = arith.constant 0 : i32
        %dma_wait3A_170 = tpu.memref_slice %arg4[%arg1, %dma_wait3A_169] : memref<16x16xf32, #tpu.memory_space<hbm>> -> memref<1x16xf32, #tpu.memory_space<hbm>>
        %dma_wait3A_171 = tpu.memref_squeeze %dma_wait3A_170 : memref<1x16xf32, #tpu.memory_space<hbm>> -> memref<16xf32, #tpu.memory_space<hbm>>
        tpu.wait_dma2 semaphore(%run_scoped3A_161 : memref<!tpu.dma_semaphore, #tpu.memory_space<semaphore_mem>>) src(%arg7 : memref<16xf32, #tpu.memory_space<vmem>>) dst(%dma_wait3A_171 : memref<16xf32, #tpu.memory_space<hbm>>)
        tpu.yield
      }) : () -> ()
    } else {
    }
    return
  }
}

module attributes {stable_mosaic.version = 14 : i64} {
  func.func @body(%arg0: i32, %arg1: memref<16xi32, #tpu.memory_space<smem>>, %arg2: memref<1x3136x256xf32, #tpu.memory_space<vmem>>, %arg3: memref<3136x256xf32, #tpu.memory_space<vmem>>, %arg4: memref<784x64x512xf32, #tpu.memory_space<hbm>>, %arg5: memref<784x512xf32, #tpu.memory_space<vmem>>, %arg6: memref<196x64x1024xf32, #tpu.memory_space<hbm>>, %arg7: memref<196x1024xf32, #tpu.memory_space<vmem>>, %arg8: memref<3136x1xf32, #tpu.memory_space<vmem>>, %arg9: memref<784x1xf32, #tpu.memory_space<vmem>>, %arg10: memref<196x1xf32, #tpu.memory_space<vmem>>, %arg11: memref<2x784x512xf32, #tpu.memory_space<vmem>>, %arg12: memref<2x196x1024xf32, #tpu.memory_space<vmem>>, %arg13: memref<2x!tpu.dma_semaphore, #tpu.memory_space<semaphore_mem>>, %arg14: memref<2x!tpu.dma_semaphore, #tpu.memory_space<semaphore_mem>>) attributes {dimension_semantics = [#tpu.dimension_semantics<arbitrary>], iteration_bounds = array<i64: 5>, scalar_prefetch = 1 : i64, scratch_operands = 4 : i64, tpu.core_type = #tpu.core_type<tc>, window_params = [{transform_indices = @transform_0, window_bounds = array<i64: 1, 3136, 256>}, {pipeline_mode = #tpu.pipeline_mode<synchronous>, transform_indices = @transform_1, window_bounds = array<i64: 3136, 256>}, {}, {pipeline_mode = #tpu.pipeline_mode<synchronous>, transform_indices = @transform_3, window_bounds = array<i64: 784, 512>}, {}, {pipeline_mode = #tpu.pipeline_mode<synchronous>, transform_indices = @transform_5, window_bounds = array<i64: 196, 1024>}, {pipeline_mode = #tpu.pipeline_mode<synchronous>, transform_indices = @transform_6, window_bounds = array<i64: 3136, 1>}, {pipeline_mode = #tpu.pipeline_mode<synchronous>, transform_indices = @transform_7, window_bounds = array<i64: 784, 1>}, {pipeline_mode = #tpu.pipeline_mode<synchronous>, transform_indices = @transform_8, window_bounds = array<i64: 196, 1>}]} {
    %eq3A = arith.constant 0 : i32
    %eq3A_0 = arith.cmpi eq, %arg0, %eq3A : i32
    %convert_element_type3A = arith.extui %eq3A_0 : i1 to i32
    %cond3A = arith.constant 0 : i32
    %cond3A_1 = arith.cmpi ne, %convert_element_type3A, %cond3A : i32
    scf.if %cond3A_1 {
      %get3A_94 = arith.constant 0 : index
      %get3A_95 = memref.load %arg1[%get3A_94] : memref<16xi32, #tpu.memory_space<smem>>
      %dma_start3A = arith.constant 0 : i32
      %dma_start3A_96 = arith.constant 0 : i32
      %dma_start3A_97 = tpu.memref_slice %arg13[%dma_start3A_96] : memref<2x!tpu.dma_semaphore, #tpu.memory_space<semaphore_mem>> -> memref<1x!tpu.dma_semaphore, #tpu.memory_space<semaphore_mem>>
      %dma_start3A_98 = tpu.memref_squeeze %dma_start3A_97 : memref<1x!tpu.dma_semaphore, #tpu.memory_space<semaphore_mem>> -> memref<!tpu.dma_semaphore, #tpu.memory_space<semaphore_mem>>
      %dma_start3A_99 = arith.constant 0 : i32
      %dma_start3A_100 = arith.constant 0 : i32
      %dma_start3A_101 = tpu.memref_slice %arg11[%dma_start3A, %dma_start3A_99, %dma_start3A_100] : memref<2x784x512xf32, #tpu.memory_space<vmem>> -> memref<1x784x512xf32, #tpu.memory_space<vmem>>
      %dma_start3A_102 = tpu.memref_squeeze %dma_start3A_101 : memref<1x784x512xf32, #tpu.memory_space<vmem>> -> memref<784x512xf32, #tpu.memory_space<vmem>>
      %dma_start3A_103 = arith.constant 0 : i32
      %dma_start3A_104 = arith.constant 0 : i32
      %dma_start3A_105 = tpu.memref_slice %arg4[%dma_start3A_103, %get3A_95, %dma_start3A_104] : memref<784x64x512xf32, #tpu.memory_space<hbm>> -> memref<784x1x512xf32, #tpu.memory_space<hbm>>
      %dma_start3A_106 = tpu.memref_squeeze %dma_start3A_105 : memref<784x1x512xf32, #tpu.memory_space<hbm>> -> memref<784x512xf32, #tpu.memory_space<hbm>>
      tpu.enqueue_dma source(%dma_start3A_106 : memref<784x512xf32, #tpu.memory_space<hbm>>) target(%dma_start3A_102 : memref<784x512xf32, #tpu.memory_space<vmem>>) target_semaphore(%dma_start3A_98 : memref<!tpu.dma_semaphore, #tpu.memory_space<semaphore_mem>>)
      %get3A_107 = arith.constant 0 : index
      %get3A_108 = memref.load %arg1[%get3A_107] : memref<16xi32, #tpu.memory_space<smem>>
      %dma_start3A_109 = arith.constant 0 : i32
      %dma_start3A_110 = arith.constant 0 : i32
      %dma_start3A_111 = tpu.memref_slice %arg14[%dma_start3A_110] : memref<2x!tpu.dma_semaphore, #tpu.memory_space<semaphore_mem>> -> memref<1x!tpu.dma_semaphore, #tpu.memory_space<semaphore_mem>>
      %dma_start3A_112 = tpu.memref_squeeze %dma_start3A_111 : memref<1x!tpu.dma_semaphore, #tpu.memory_space<semaphore_mem>> -> memref<!tpu.dma_semaphore, #tpu.memory_space<semaphore_mem>>
      %dma_start3A_113 = arith.constant 0 : i32
      %dma_start3A_114 = arith.constant 0 : i32
      %dma_start3A_115 = tpu.memref_slice %arg12[%dma_start3A_109, %dma_start3A_113, %dma_start3A_114] : memref<2x196x1024xf32, #tpu.memory_space<vmem>> -> memref<1x196x1024xf32, #tpu.memory_space<vmem>>
      %dma_start3A_116 = tpu.memref_squeeze %dma_start3A_115 : memref<1x196x1024xf32, #tpu.memory_space<vmem>> -> memref<196x1024xf32, #tpu.memory_space<vmem>>
      %dma_start3A_117 = arith.constant 0 : i32
      %dma_start3A_118 = arith.constant 0 : i32
      %dma_start3A_119 = tpu.memref_slice %arg6[%dma_start3A_117, %get3A_108, %dma_start3A_118] : memref<196x64x1024xf32, #tpu.memory_space<hbm>> -> memref<196x1x1024xf32, #tpu.memory_space<hbm>>
      %dma_start3A_120 = tpu.memref_squeeze %dma_start3A_119 : memref<196x1x1024xf32, #tpu.memory_space<hbm>> -> memref<196x1024xf32, #tpu.memory_space<hbm>>
      tpu.enqueue_dma source(%dma_start3A_120 : memref<196x1024xf32, #tpu.memory_space<hbm>>) target(%dma_start3A_116 : memref<196x1024xf32, #tpu.memory_space<vmem>>) target_semaphore(%dma_start3A_112 : memref<!tpu.dma_semaphore, #tpu.memory_space<semaphore_mem>>)
    } else {
    }
    %rem3A = arith.constant 2 : i32
    %rem3A_2 = arith.remsi %arg0, %rem3A : i32
    %get3A = arith.constant 0 : index
    %get3A_3 = arith.constant 0 : index
    %get3A_4 = arith.constant 0 : index
    %get3A_5 = vector.load %arg2[%get3A, %get3A_3, %get3A_4] : memref<1x3136x256xf32, #tpu.memory_space<vmem>>, vector<1x3136x256xf32>
    %get3A_6 = vector.shape_cast %get3A_5 : vector<1x3136x256xf32> to vector<3136x256xf32>
    %get3A_7 = arith.constant 0 : index
    %get3A_8 = arith.constant 0 : index
    %get3A_9 = vector.load %arg3[%get3A_7, %get3A_8] : memref<3136x256xf32, #tpu.memory_space<vmem>>, vector<3136x256xf32>
    %sub3A = arith.subf %get3A_6, %get3A_9 : vector<3136x256xf32>
    %mul3A = arith.mulf %sub3A, %sub3A : vector<3136x256xf32>
    %reduce_sum3A = arith.constant dense<0.000000e+00> : vector<3136xf32>
    %reduce_sum3A_10 = vector.multi_reduction <add>, %mul3A, %reduce_sum3A [1] : vector<3136x256xf32> to vector<3136xf32>
    %broadcast_in_dim3A = vector.shape_cast %reduce_sum3A_10 : vector<3136xf32> to vector<3136x1xf32>
    %eq3A_11 = arith.constant 0 : i32
    %eq3A_12 = arith.cmpi eq, %arg0, %eq3A_11 : i32
    %convert_element_type3A_13 = arith.extui %eq3A_12 : i1 to i32
    %cond3A_14 = arith.constant 0 : i32
    %cond3A_15 = arith.cmpi ne, %convert_element_type3A_13, %cond3A_14 : i32
    scf.if %cond3A_15 {
      %swap3A = arith.constant 0 : index
      %swap3A_94 = arith.constant 0 : index
      %swap3A_95 = vector.load %arg8[%swap3A, %swap3A_94] : memref<3136x1xf32, #tpu.memory_space<vmem>>, vector<3136x1xf32>
      tpu.vector_store %arg8[%swap3A, %swap3A_94], %broadcast_in_dim3A {strides = array<i32>} : memref<3136x1xf32, #tpu.memory_space<vmem>>, vector<3136x1xf32>,
    } else {
    }
    %gt3A = arith.constant 0 : i32
    %gt3A_16 = arith.cmpi sgt, %arg0, %gt3A : i32
    %convert_element_type3A_17 = arith.extui %gt3A_16 : i1 to i32
    %cond3A_18 = arith.constant 0 : i32
    %cond3A_19 = arith.cmpi ne, %convert_element_type3A_17, %cond3A_18 : i32
    scf.if %cond3A_19 {
      %get3A_94 = arith.constant 0 : index
      %get3A_95 = arith.constant 0 : index
      %get3A_96 = vector.load %arg8[%get3A_94, %get3A_95] : memref<3136x1xf32, #tpu.memory_space<vmem>>, vector<3136x1xf32>
      %min3A = arith.minimumf %get3A_96, %broadcast_in_dim3A : vector<3136x1xf32>
      %swap3A = arith.constant 0 : index
      %swap3A_97 = arith.constant 0 : index
      %swap3A_98 = vector.load %arg8[%swap3A, %swap3A_97] : memref<3136x1xf32, #tpu.memory_space<vmem>>, vector<3136x1xf32>
      tpu.vector_store %arg8[%swap3A, %swap3A_97], %min3A {strides = array<i32>} : memref<3136x1xf32, #tpu.memory_space<vmem>>, vector<3136x1xf32>,
    } else {
    }
    %get3A_20 = arith.index_cast %arg0 : i32 to index
    %get3A_21 = memref.load %arg1[%get3A_20] : memref<16xi32, #tpu.memory_space<smem>>
    %dma_wait3A = tpu.memref_slice %arg13[%rem3A_2] : memref<2x!tpu.dma_semaphore, #tpu.memory_space<semaphore_mem>> -> memref<1x!tpu.dma_semaphore, #tpu.memory_space<semaphore_mem>>
    %dma_wait3A_22 = tpu.memref_squeeze %dma_wait3A : memref<1x!tpu.dma_semaphore, #tpu.memory_space<semaphore_mem>> -> memref<!tpu.dma_semaphore, #tpu.memory_space<semaphore_mem>>
    %dma_wait3A_23 = arith.constant 0 : i32
    %dma_wait3A_24 = arith.constant 0 : i32
    %dma_wait3A_25 = tpu.memref_slice %arg11[%rem3A_2, %dma_wait3A_23, %dma_wait3A_24] : memref<2x784x512xf32, #tpu.memory_space<vmem>> -> memref<1x784x512xf32, #tpu.memory_space<vmem>>
    %dma_wait3A_26 = tpu.memref_squeeze %dma_wait3A_25 : memref<1x784x512xf32, #tpu.memory_space<vmem>> -> memref<784x512xf32, #tpu.memory_space<vmem>>
    %dma_wait3A_27 = arith.constant 0 : i32
    %dma_wait3A_28 = arith.constant 0 : i32
    %dma_wait3A_29 = tpu.memref_slice %arg4[%dma_wait3A_27, %get3A_21, %dma_wait3A_28] : memref<784x64x512xf32, #tpu.memory_space<hbm>> -> memref<784x1x512xf32, #tpu.memory_space<hbm>>
    %dma_wait3A_30 = tpu.memref_squeeze %dma_wait3A_29 : memref<784x1x512xf32, #tpu.memory_space<hbm>> -> memref<784x512xf32, #tpu.memory_space<hbm>>
    tpu.wait_dma2 semaphore(%dma_wait3A_22 : memref<!tpu.dma_semaphore, #tpu.memory_space<semaphore_mem>>) src(%dma_wait3A_30 : memref<784x512xf32, #tpu.memory_space<hbm>>) dst(%dma_wait3A_26 : memref<784x512xf32, #tpu.memory_space<vmem>>)
    %get3A_31 = arith.index_cast %arg0 : i32 to index
    %get3A_32 = memref.load %arg1[%get3A_31] : memref<16xi32, #tpu.memory_space<smem>>
    %dma_wait3A_33 = tpu.memref_slice %arg14[%rem3A_2] : memref<2x!tpu.dma_semaphore, #tpu.memory_space<semaphore_mem>> -> memref<1x!tpu.dma_semaphore, #tpu.memory_space<semaphore_mem>>
    %dma_wait3A_34 = tpu.memref_squeeze %dma_wait3A_33 : memref<1x!tpu.dma_semaphore, #tpu.memory_space<semaphore_mem>> -> memref<!tpu.dma_semaphore, #tpu.memory_space<semaphore_mem>>
    %dma_wait3A_35 = arith.constant 0 : i32
    %dma_wait3A_36 = arith.constant 0 : i32
    %dma_wait3A_37 = tpu.memref_slice %arg12[%rem3A_2, %dma_wait3A_35, %dma_wait3A_36] : memref<2x196x1024xf32, #tpu.memory_space<vmem>> -> memref<1x196x1024xf32, #tpu.memory_space<vmem>>
    %dma_wait3A_38 = tpu.memref_squeeze %dma_wait3A_37 : memref<1x196x1024xf32, #tpu.memory_space<vmem>> -> memref<196x1024xf32, #tpu.memory_space<vmem>>
    %dma_wait3A_39 = arith.constant 0 : i32
    %dma_wait3A_40 = arith.constant 0 : i32
    %dma_wait3A_41 = tpu.memref_slice %arg6[%dma_wait3A_39, %get3A_32, %dma_wait3A_40] : memref<196x64x1024xf32, #tpu.memory_space<hbm>> -> memref<196x1x1024xf32, #tpu.memory_space<hbm>>
    %dma_wait3A_42 = tpu.memref_squeeze %dma_wait3A_41 : memref<196x1x1024xf32, #tpu.memory_space<hbm>> -> memref<196x1024xf32, #tpu.memory_space<hbm>>
    tpu.wait_dma2 semaphore(%dma_wait3A_34 : memref<!tpu.dma_semaphore, #tpu.memory_space<semaphore_mem>>) src(%dma_wait3A_42 : memref<196x1024xf32, #tpu.memory_space<hbm>>) dst(%dma_wait3A_38 : memref<196x1024xf32, #tpu.memory_space<vmem>>)
    %add3A = arith.constant 1 : i32
    %add3A_43 = arith.addi %arg0, %add3A : i32
    %lt3A = arith.constant 5 : i32
    %lt3A_44 = arith.cmpi slt, %add3A_43, %lt3A : i32
    %convert_element_type3A_45 = arith.extui %lt3A_44 : i1 to i32
    %cond3A_46 = arith.constant 0 : i32
    %cond3A_47 = arith.cmpi ne, %convert_element_type3A_45, %cond3A_46 : i32
    scf.if %cond3A_47 {
      %add3A_94 = arith.constant 1 : i32
      %add3A_95 = arith.addi %arg0, %add3A_94 : i32
      %rem3A_96 = arith.constant 2 : i32
      %rem3A_97 = arith.remsi %add3A_95, %rem3A_96 : i32
      %add3A_98 = arith.constant 1 : i32
      %add3A_99 = arith.addi %arg0, %add3A_98 : i32
      %get3A_100 = arith.index_cast %add3A_99 : i32 to index
      %get3A_101 = memref.load %arg1[%get3A_100] : memref<16xi32, #tpu.memory_space<smem>>
      %dma_start3A = tpu.memref_slice %arg13[%rem3A_97] : memref<2x!tpu.dma_semaphore, #tpu.memory_space<semaphore_mem>> -> memref<1x!tpu.dma_semaphore, #tpu.memory_space<semaphore_mem>>
      %dma_start3A_102 = tpu.memref_squeeze %dma_start3A : memref<1x!tpu.dma_semaphore, #tpu.memory_space<semaphore_mem>> -> memref<!tpu.dma_semaphore, #tpu.memory_space<semaphore_mem>>
      %dma_start3A_103 = arith.constant 0 : i32
      %dma_start3A_104 = arith.constant 0 : i32
      %dma_start3A_105 = tpu.memref_slice %arg11[%rem3A_97, %dma_start3A_103, %dma_start3A_104] : memref<2x784x512xf32, #tpu.memory_space<vmem>> -> memref<1x784x512xf32, #tpu.memory_space<vmem>>
      %dma_start3A_106 = tpu.memref_squeeze %dma_start3A_105 : memref<1x784x512xf32, #tpu.memory_space<vmem>> -> memref<784x512xf32, #tpu.memory_space<vmem>>
      %dma_start3A_107 = arith.constant 0 : i32
      %dma_start3A_108 = arith.constant 0 : i32
      %dma_start3A_109 = tpu.memref_slice %arg4[%dma_start3A_107, %get3A_101, %dma_start3A_108] : memref<784x64x512xf32, #tpu.memory_space<hbm>> -> memref<784x1x512xf32, #tpu.memory_space<hbm>>
      %dma_start3A_110 = tpu.memref_squeeze %dma_start3A_109 : memref<784x1x512xf32, #tpu.memory_space<hbm>> -> memref<784x512xf32, #tpu.memory_space<hbm>>
      tpu.enqueue_dma source(%dma_start3A_110 : memref<784x512xf32, #tpu.memory_space<hbm>>) target(%dma_start3A_106 : memref<784x512xf32, #tpu.memory_space<vmem>>) target_semaphore(%dma_start3A_102 : memref<!tpu.dma_semaphore, #tpu.memory_space<semaphore_mem>>)
      %get3A_111 = arith.index_cast %add3A_99 : i32 to index
      %get3A_112 = memref.load %arg1[%get3A_111] : memref<16xi32, #tpu.memory_space<smem>>
      %dma_start3A_113 = tpu.memref_slice %arg14[%rem3A_97] : memref<2x!tpu.dma_semaphore, #tpu.memory_space<semaphore_mem>> -> memref<1x!tpu.dma_semaphore, #tpu.memory_space<semaphore_mem>>
      %dma_start3A_114 = tpu.memref_squeeze %dma_start3A_113 : memref<1x!tpu.dma_semaphore, #tpu.memory_space<semaphore_mem>> -> memref<!tpu.dma_semaphore, #tpu.memory_space<semaphore_mem>>
      %dma_start3A_115 = arith.constant 0 : i32
      %dma_start3A_116 = arith.constant 0 : i32
      %dma_start3A_117 = tpu.memref_slice %arg12[%rem3A_97, %dma_start3A_115, %dma_start3A_116] : memref<2x196x1024xf32, #tpu.memory_space<vmem>> -> memref<1x196x1024xf32, #tpu.memory_space<vmem>>
      %dma_start3A_118 = tpu.memref_squeeze %dma_start3A_117 : memref<1x196x1024xf32, #tpu.memory_space<vmem>> -> memref<196x1024xf32, #tpu.memory_space<vmem>>
      %dma_start3A_119 = arith.constant 0 : i32
      %dma_start3A_120 = arith.constant 0 : i32
      %dma_start3A_121 = tpu.memref_slice %arg6[%dma_start3A_119, %get3A_112, %dma_start3A_120] : memref<196x64x1024xf32, #tpu.memory_space<hbm>> -> memref<196x1x1024xf32, #tpu.memory_space<hbm>>
      %dma_start3A_122 = tpu.memref_squeeze %dma_start3A_121 : memref<196x1x1024xf32, #tpu.memory_space<hbm>> -> memref<196x1024xf32, #tpu.memory_space<hbm>>
      tpu.enqueue_dma source(%dma_start3A_122 : memref<196x1024xf32, #tpu.memory_space<hbm>>) target(%dma_start3A_118 : memref<196x1024xf32, #tpu.memory_space<vmem>>) target_semaphore(%dma_start3A_114 : memref<!tpu.dma_semaphore, #tpu.memory_space<semaphore_mem>>)
    } else {
    }
    %get3A_48 = arith.index_cast %rem3A_2 : i32 to index
    %get3A_49 = arith.constant 0 : index
    %get3A_50 = arith.constant 0 : index
    %get3A_51 = vector.load %arg11[%get3A_48, %get3A_49, %get3A_50] : memref<2x784x512xf32, #tpu.memory_space<vmem>>, vector<1x784x512xf32>
    %get3A_52 = vector.shape_cast %get3A_51 : vector<1x784x512xf32> to vector<784x512xf32>
    %get3A_53 = arith.constant 0 : index
    %get3A_54 = arith.constant 0 : index
    %get3A_55 = vector.load %arg5[%get3A_53, %get3A_54] : memref<784x512xf32, #tpu.memory_space<vmem>>, vector<784x512xf32>
    %sub3A_56 = arith.subf %get3A_52, %get3A_55 : vector<784x512xf32>
    %mul3A_57 = arith.mulf %sub3A_56, %sub3A_56 : vector<784x512xf32>
    %reduce_sum3A_58 = arith.constant dense<0.000000e+00> : vector<784xf32>
    %reduce_sum3A_59 = vector.multi_reduction <add>, %mul3A_57, %reduce_sum3A_58 [1] : vector<784x512xf32> to vector<784xf32>
    %broadcast_in_dim3A_60 = vector.shape_cast %reduce_sum3A_59 : vector<784xf32> to vector<784x1xf32>
    %eq3A_61 = arith.constant 0 : i32
    %eq3A_62 = arith.cmpi eq, %arg0, %eq3A_61 : i32
    %convert_element_type3A_63 = arith.extui %eq3A_62 : i1 to i32
    %cond3A_64 = arith.constant 0 : i32
    %cond3A_65 = arith.cmpi ne, %convert_element_type3A_63, %cond3A_64 : i32
    scf.if %cond3A_65 {
      %swap3A = arith.constant 0 : index
      %swap3A_94 = arith.constant 0 : index
      %swap3A_95 = vector.load %arg9[%swap3A, %swap3A_94] : memref<784x1xf32, #tpu.memory_space<vmem>>, vector<784x1xf32>
      tpu.vector_store %arg9[%swap3A, %swap3A_94], %broadcast_in_dim3A_60 {strides = array<i32>} : memref<784x1xf32, #tpu.memory_space<vmem>>, vector<784x1xf32>,
    } else {
    }
    %gt3A_66 = arith.constant 0 : i32
    %gt3A_67 = arith.cmpi sgt, %arg0, %gt3A_66 : i32
    %convert_element_type3A_68 = arith.extui %gt3A_67 : i1 to i32
    %cond3A_69 = arith.constant 0 : i32
    %cond3A_70 = arith.cmpi ne, %convert_element_type3A_68, %cond3A_69 : i32
    scf.if %cond3A_70 {
      %get3A_94 = arith.constant 0 : index
      %get3A_95 = arith.constant 0 : index
      %get3A_96 = vector.load %arg9[%get3A_94, %get3A_95] : memref<784x1xf32, #tpu.memory_space<vmem>>, vector<784x1xf32>
      %min3A = arith.minimumf %get3A_96, %broadcast_in_dim3A_60 : vector<784x1xf32>
      %swap3A = arith.constant 0 : index
      %swap3A_97 = arith.constant 0 : index
      %swap3A_98 = vector.load %arg9[%swap3A, %swap3A_97] : memref<784x1xf32, #tpu.memory_space<vmem>>, vector<784x1xf32>
      tpu.vector_store %arg9[%swap3A, %swap3A_97], %min3A {strides = array<i32>} : memref<784x1xf32, #tpu.memory_space<vmem>>, vector<784x1xf32>,
    } else {
    }
    %get3A_71 = arith.index_cast %rem3A_2 : i32 to index
    %get3A_72 = arith.constant 0 : index
    %get3A_73 = arith.constant 0 : index
    %get3A_74 = vector.load %arg12[%get3A_71, %get3A_72, %get3A_73] : memref<2x196x1024xf32, #tpu.memory_space<vmem>>, vector<1x196x1024xf32>
    %get3A_75 = vector.shape_cast %get3A_74 : vector<1x196x1024xf32> to vector<196x1024xf32>
    %get3A_76 = arith.constant 0 : index
    %get3A_77 = arith.constant 0 : index
    %get3A_78 = vector.load %arg7[%get3A_76, %get3A_77] : memref<196x1024xf32, #tpu.memory_space<vmem>>, vector<196x1024xf32>
    %sub3A_79 = arith.subf %get3A_75, %get3A_78 : vector<196x1024xf32>
    %mul3A_80 = arith.mulf %sub3A_79, %sub3A_79 : vector<196x1024xf32>
    %reduce_sum3A_81 = arith.constant dense<0.000000e+00> : vector<196xf32>
    %reduce_sum3A_82 = vector.multi_reduction <add>, %mul3A_80, %reduce_sum3A_81 [1] : vector<196x1024xf32> to vector<196xf32>
    %broadcast_in_dim3A_83 = vector.shape_cast %reduce_sum3A_82 : vector<196xf32> to vector<196x1xf32>
    %eq3A_84 = arith.constant 0 : i32
    %eq3A_85 = arith.cmpi eq, %arg0, %eq3A_84 : i32
    %convert_element_type3A_86 = arith.extui %eq3A_85 : i1 to i32
    %cond3A_87 = arith.constant 0 : i32
    %cond3A_88 = arith.cmpi ne, %convert_element_type3A_86, %cond3A_87 : i32
    scf.if %cond3A_88 {
      %swap3A = arith.constant 0 : index
      %swap3A_94 = arith.constant 0 : index
      %swap3A_95 = vector.load %arg10[%swap3A, %swap3A_94] : memref<196x1xf32, #tpu.memory_space<vmem>>, vector<196x1xf32>
      tpu.vector_store %arg10[%swap3A, %swap3A_94], %broadcast_in_dim3A_83 {strides = array<i32>} : memref<196x1xf32, #tpu.memory_space<vmem>>, vector<196x1xf32>,
    } else {
    }
    %gt3A_89 = arith.constant 0 : i32
    %gt3A_90 = arith.cmpi sgt, %arg0, %gt3A_89 : i32
    %convert_element_type3A_91 = arith.extui %gt3A_90 : i1 to i32
    %cond3A_92 = arith.constant 0 : i32
    %cond3A_93 = arith.cmpi ne, %convert_element_type3A_91, %cond3A_92 : i32
    scf.if %cond3A_93 {
      %get3A_94 = arith.constant 0 : index
      %get3A_95 = arith.constant 0 : index
      %get3A_96 = vector.load %arg10[%get3A_94, %get3A_95] : memref<196x1xf32, #tpu.memory_space<vmem>>, vector<196x1xf32>
      %min3A = arith.minimumf %get3A_96, %broadcast_in_dim3A_83 : vector<196x1xf32>
      %swap3A = arith.constant 0 : index
      %swap3A_97 = arith.constant 0 : index
      %swap3A_98 = vector.load %arg10[%swap3A, %swap3A_97] : memref<196x1xf32, #tpu.memory_space<vmem>>, vector<196x1xf32>
      tpu.vector_store %arg10[%swap3A, %swap3A_97], %min3A {strides = array<i32>} : memref<196x1xf32, #tpu.memory_space<vmem>>, vector<196x1xf32>,
    } else {
    }
    return
  }
  func.func @transform_0(%arg0: i32, %arg1: memref<16xi32, #tpu.memory_space<smem>>) -> (i32, i32, i32) {
    %get3A = arith.index_cast %arg0 : i32 to index
    %get3A_0 = memref.load %arg1[%get3A] : memref<16xi32, #tpu.memory_space<smem>>
    %c0_i32 = arith.constant 0 : i32
    %c0_i32_1 = arith.constant 0 : i32
    %c0_i32_2 = arith.constant 0 : i32
    return %get3A_0, %c0_i32, %c0_i32_1 : i32, i32, i32
  }
  func.func @transform_1(%arg0: i32, %arg1: memref<16xi32, #tpu.memory_space<smem>>) -> (i32, i32) {
    %c0_i32 = arith.constant 0 : i32
    %c0_i32_0 = arith.constant 0 : i32
    %c0_i32_1 = arith.constant 0 : i32
    return %c0_i32, %c0_i32_0 : i32, i32
  }
  func.func @transform_3(%arg0: i32, %arg1: memref<16xi32, #tpu.memory_space<smem>>) -> (i32, i32) {
    %c0_i32 = arith.constant 0 : i32
    %c0_i32_0 = arith.constant 0 : i32
    %c0_i32_1 = arith.constant 0 : i32
    return %c0_i32, %c0_i32_0 : i32, i32
  }
  func.func @transform_5(%arg0: i32, %arg1: memref<16xi32, #tpu.memory_space<smem>>) -> (i32, i32) {
    %c0_i32 = arith.constant 0 : i32
    %c0_i32_0 = arith.constant 0 : i32
    %c0_i32_1 = arith.constant 0 : i32
    return %c0_i32, %c0_i32_0 : i32, i32
  }
  func.func @transform_6(%arg0: i32, %arg1: memref<16xi32, #tpu.memory_space<smem>>) -> (i32, i32) {
    %c0_i32 = arith.constant 0 : i32
    %c0_i32_0 = arith.constant 0 : i32
    %c0_i32_1 = arith.constant 0 : i32
    return %c0_i32, %c0_i32_0 : i32, i32
  }
  func.func @transform_7(%arg0: i32, %arg1: memref<16xi32, #tpu.memory_space<smem>>) -> (i32, i32) {
    %c0_i32 = arith.constant 0 : i32
    %c0_i32_0 = arith.constant 0 : i32
    %c0_i32_1 = arith.constant 0 : i32
    return %c0_i32, %c0_i32_0 : i32, i32
  }
  func.func @transform_8(%arg0: i32, %arg1: memref<16xi32, #tpu.memory_space<smem>>) -> (i32, i32) {
    %c0_i32 = arith.constant 0 : i32
    %c0_i32_0 = arith.constant 0 : i32
    %c0_i32_1 = arith.constant 0 : i32
    return %c0_i32, %c0_i32_0 : i32, i32
  }
}

module attributes {stable_mosaic.version = 14 : i64} {
  func.func @body(%arg0: memref<56x56xf32, #tpu.memory_space<vmem>>, %arg1: memref<28x28xf32, #tpu.memory_space<vmem>>, %arg2: memref<14x14xf32, #tpu.memory_space<vmem>>, %arg3: memref<1x16xf32, #tpu.memory_space<vmem>>, %arg4: memref<224x56xf32, #tpu.memory_space<vmem>>, %arg5: memref<224x28xf32, #tpu.memory_space<vmem>>, %arg6: memref<224x14xf32, #tpu.memory_space<vmem>>, %arg7: memref<224x224xf32, #tpu.memory_space<vmem>>, %arg8: memref<1x1xf32, #tpu.memory_space<vmem>>) attributes {dimension_semantics = [], scalar_prefetch = 0 : i64, scratch_operands = 0 : i64, tpu.core_type = #tpu.core_type<tc>} {
    %get3A = arith.constant 0 : index
    %get3A_0 = arith.constant 0 : index
    %get3A_1 = vector.load %arg0[%get3A, %get3A_0] : memref<56x56xf32, #tpu.memory_space<vmem>>, vector<56x56xf32>
    %sqrt3A = math.sqrt %get3A_1 : vector<56x56xf32>
    %get3A_2 = arith.constant 0 : index
    %get3A_3 = arith.constant 0 : index
    %get3A_4 = vector.load %arg4[%get3A_2, %get3A_3] : memref<224x56xf32, #tpu.memory_space<vmem>>, vector<224x56xf32>
    %dot_general3A = arith.constant dense<0.000000e+00> : vector<224x56xf32>
    %dot_general3A_5 = tpu.matmul %get3A_4, %sqrt3A, %dot_general3A {dimension_numbers = #tpu.dot_dimension_numbers<[1], [0], [0], [1], [0, 0, 1, 1], [], []>, precision = #tpu.contract_precision<fp32>, transpose_lhs_hint = false} : vector<224x56xf32>, vector<56x56xf32>, vector<224x56xf32> -> vector<224x56xf32>
    %dot_general3A_6 = arith.constant dense<0.000000e+00> : vector<224x224xf32>
    %dot_general3A_7 = tpu.matmul %dot_general3A_5, %get3A_4, %dot_general3A_6 {dimension_numbers = #tpu.dot_dimension_numbers<[1], [1], [0], [0], [0, 0, 1, 0], [], []>, precision = #tpu.contract_precision<fp32>, transpose_lhs_hint = false} : vector<224x56xf32>, vector<224x56xf32>, vector<224x224xf32> -> vector<224x224xf32>
    %get3A_8 = arith.constant 0 : index
    %get3A_9 = arith.constant 0 : index
    %get3A_10 = vector.load %arg1[%get3A_8, %get3A_9] : memref<28x28xf32, #tpu.memory_space<vmem>>, vector<28x28xf32>
    %sqrt3A_11 = math.sqrt %get3A_10 : vector<28x28xf32>
    %get3A_12 = arith.constant 0 : index
    %get3A_13 = arith.constant 0 : index
    %get3A_14 = vector.load %arg5[%get3A_12, %get3A_13] : memref<224x28xf32, #tpu.memory_space<vmem>>, vector<224x28xf32>
    %dot_general3A_15 = arith.constant dense<0.000000e+00> : vector<224x28xf32>
    %dot_general3A_16 = tpu.matmul %get3A_14, %sqrt3A_11, %dot_general3A_15 {dimension_numbers = #tpu.dot_dimension_numbers<[1], [0], [0], [1], [0, 0, 1, 1], [], []>, precision = #tpu.contract_precision<fp32>, transpose_lhs_hint = false} : vector<224x28xf32>, vector<28x28xf32>, vector<224x28xf32> -> vector<224x28xf32>
    %dot_general3A_17 = arith.constant dense<0.000000e+00> : vector<224x224xf32>
    %dot_general3A_18 = tpu.matmul %dot_general3A_16, %get3A_14, %dot_general3A_17 {dimension_numbers = #tpu.dot_dimension_numbers<[1], [1], [0], [0], [0, 0, 1, 0], [], []>, precision = #tpu.contract_precision<fp32>, transpose_lhs_hint = false} : vector<224x28xf32>, vector<224x28xf32>, vector<224x224xf32> -> vector<224x224xf32>
    %add3A = arith.addf %dot_general3A_7, %dot_general3A_18 : vector<224x224xf32>
    %get3A_19 = arith.constant 0 : index
    %get3A_20 = arith.constant 0 : index
    %get3A_21 = vector.load %arg2[%get3A_19, %get3A_20] : memref<14x14xf32, #tpu.memory_space<vmem>>, vector<14x14xf32>
    %sqrt3A_22 = math.sqrt %get3A_21 : vector<14x14xf32>
    %get3A_23 = arith.constant 0 : index
    %get3A_24 = arith.constant 0 : index
    %get3A_25 = vector.load %arg6[%get3A_23, %get3A_24] : memref<224x14xf32, #tpu.memory_space<vmem>>, vector<224x14xf32>
    %dot_general3A_26 = arith.constant dense<0.000000e+00> : vector<224x14xf32>
    %dot_general3A_27 = tpu.matmul %get3A_25, %sqrt3A_22, %dot_general3A_26 {dimension_numbers = #tpu.dot_dimension_numbers<[1], [0], [0], [1], [0, 0, 1, 1], [], []>, precision = #tpu.contract_precision<fp32>, transpose_lhs_hint = false} : vector<224x14xf32>, vector<14x14xf32>, vector<224x14xf32> -> vector<224x14xf32>
    %dot_general3A_28 = arith.constant dense<0.000000e+00> : vector<224x224xf32>
    %dot_general3A_29 = tpu.matmul %dot_general3A_27, %get3A_25, %dot_general3A_28 {dimension_numbers = #tpu.dot_dimension_numbers<[1], [1], [0], [0], [0, 0, 1, 0], [], []>, precision = #tpu.contract_precision<fp32>, transpose_lhs_hint = false} : vector<224x14xf32>, vector<224x14xf32>, vector<224x224xf32> -> vector<224x224xf32>
    %add3A_30 = arith.addf %add3A, %dot_general3A_29 : vector<224x224xf32>
    %swap3A = arith.constant 0 : index
    %swap3A_31 = arith.constant 0 : index
    %swap3A_32 = vector.load %arg7[%swap3A, %swap3A_31] : memref<224x224xf32, #tpu.memory_space<vmem>>, vector<224x224xf32>
    tpu.vector_store %arg7[%swap3A, %swap3A_31], %add3A_30 {strides = array<i32>} : memref<224x224xf32, #tpu.memory_space<vmem>>, vector<224x224xf32>,
    %get3A_33 = arith.constant 0 : index
    %get3A_34 = arith.constant 0 : index
    %get3A_35 = vector.load %arg3[%get3A_33, %get3A_34] : memref<1x16xf32, #tpu.memory_space<vmem>>, vector<1x16xf32>
    %iota3A = tpu.iota {dimensions = array<i32: 1>} : vector<1x16xi32>
    %lt3A = arith.constant 5 : i32
    %lt3A_36 = vector.broadcast %lt3A : i32 to vector<1x16xi32>
    %lt3A_37 = arith.cmpi slt, %iota3A, %lt3A_36 : vector<1x16xi32>
    %sqrt3A_38 = math.sqrt %get3A_35 : vector<1x16xf32>
    %jit3A = arith.constant 0.000000e+00 : f32
    %broadcast_in_dim3A = vector.broadcast %jit3A : f32 to vector<1x16xf32>
    %select_n3A = arith.select %lt3A_37, %sqrt3A_38, %broadcast_in_dim3A : vector<1x16xi1>, vector<1x16xf32>
    %reduce_sum3A = vector.shape_cast %select_n3A : vector<1x16xf32> to vector<1x1x16xf32>
    %reduce_sum3A_39 = arith.constant dense<0.000000e+00> : vector<1xf32>
    %reduce_sum3A_40 = vector.multi_reduction <add>, %reduce_sum3A, %reduce_sum3A_39 [1, 2] : vector<1x1x16xf32> to vector<1xf32>
    %reduce_sum3A_41 = vector.shape_cast %reduce_sum3A_40 : vector<1xf32> to vector<1x1x1xf32>
    %reduce_sum3A_42 = vector.extract %reduce_sum3A_41[0, 0, 0] : f32 from vector<1x1x1xf32>
    %broadcast_in_dim3A_43 = vector.broadcast %reduce_sum3A_42 : f32 to vector<1x1xf32>
    %mul3A = arith.constant 2.000000e-01 : f32
    %mul3A_44 = vector.broadcast %mul3A : f32 to vector<1x1xf32>
    %mul3A_45 = arith.mulf %broadcast_in_dim3A_43, %mul3A_44 : vector<1x1xf32>
    %swap3A_46 = arith.constant 0 : index
    %swap3A_47 = arith.constant 0 : index
    %swap3A_48 = vector.load %arg8[%swap3A_46, %swap3A_47] : memref<1x1xf32, #tpu.memory_space<vmem>>, vector<1x1xf32>
    tpu.vector_store %arg8[%swap3A_46, %swap3A_47], %mul3A_45 {strides = array<i32>} : memref<1x1xf32, #tpu.memory_space<vmem>>, vector<1x1xf32>,
    return
  }
}

</mosaic_0001>

<sc_bundles>
// kernel: kernel.6.cloned.1.call-start
scs
__scs_entry_jumppad:
0x0: {  	(pc) =	sbr.rel $0x88, $3  }
0x1: {  	(tag) =	ssettag $0x0;
	lr =	simm.s32 $0x1  }
0x2: {  	[smem:$0x3F99] =	sst lr;
	_ =	strace $0xD0000000  }
0x3: {  	_ = 	snop  }
0x4: {  	_ = 	snop  }
0x5: {  	_ = 	snop  }
0x6: {  	_ = 	snop  }
0x7: {  	_ = 	snop  }
__scs_overlays_trampoline_lowered:
0x8: {  	[smem:$0x3FA8] =	sst s0  }
0x9: {  	[smem:$0x3FA9] =	sst s1  }
0xa: {  	[smem:$0x3FAA] =	sst s2  }
0xb: {  	[smem:$0x3FAB] =	sst s3  }
0xc: {  	[smem:$0x3FAC] =	sst s4  }
0xd: {  	[smem:$0x3FAD] =	sst s5  }
0xe: {  	[smem:$0x3FAE] =	sst s6  }
0xf: {  	[smem:$0x3FAF] =	sst s7  }
0x10: {  	[smem:$0x3FB0] =	sst s8  }
0x11: {  	[smem:$0x3FB1] =	sst s9;
	s0 =	simm.s32 @!p0 $0x0  }
0x12: {  	s1 =	sld [smem:$0x3F97];
	s0 =	simm.s32 @p0 $0x1  }
0x13: {  	[smem:$0x3FB2] =	sst s0;
	s0 =	simm.s32 @!p1 $0x0  }
0x14: {  	s2 =	sld [smem:$0x3F96];
	s0 =	simm.s32 @p1 $0x1  }
0x15: {  	[smem:$0x3FB3] =	sst s0;
	s0 =	simm.s32 @!p2 $0x0  }
0x16: {  	s3 =	sld [smem:$0x3FDB];
	s0 =	simm.s32 @p2 $0x1  }
0x17: {  	s4 =	simm.s32 $0x1BF5;
	[smem:$0x3FB5] =	sst s0  }
0x18: {  	s0 =	sld [smem:$0x3F98];
	_ =	swait.ge [sflag:s4], $0x0  }
0x19: {  	s7 =	sld [smem:$0x3F99]  }
0x1a: {  	s8 =	sadd.s32 $0xFFFFE003, lr  }
0x1b: {  	s9 =	sadd.s32 $0xFFFFFEF7, lr;
	s5 =	simm.s32 $0xFFFFFFFF;
	p2 =	slt.u32 s8, $0xFFFFF086  }
0x1c: {  	p1 =	slt.u32 s9, $0xF7A;
	s5 =	simm.s32 @!p2 $0x0  }
0x1d: {  	s5 =	simm.s32 @p1 $0x1;
	p0 =	seq.s32 s7, s2  }
0x1e: {  	s7 =	smul.u32 @!p0 $0xF7A, s2;
	p2 =	seq.s32 @!p0 s5, $0x0  }
0x1f: {  	s9 =	smul.u32 $0xF7A, s1;
	s8 =	simm.s32 @!p0 $0x1BF5;
	p2 =	por !p2, p0  }
0x20: {  	[sflag:s8] =	ssyncset.s32 @!p0 $0xFFFFF086;
	s6 =	sadd.s32 @!p0 s3, s7;
	s7 =	simm.s32 @!p0 $0x108  }
0x21: {  	s3 =	sadd.s32 s3, s9;
	s6 =	sadd.s32 @!p0 $0x88, s6;
	s7 =	simm.s32 @p2 $0x1082  }
0x22: {  	[simem:s7], [sflag:s8] =	dma.local @!p0 [hbm:s6], $0xF7A  }
0x23: {  	s9 =	sor.u32 $0xD0000000, s2;
	s6 =	simm.s32 $0x108;
	_ =	swait.ge @!p0 [sflag:s8], $0x0  }
0x24: {  	s3 =	sadd.s32 $0x88, s3;
	s6 =	simm.s32 @!p1 $0x1082;
	[sflag:s4] =	ssyncset.s32 $0xFFFFF086  }
0x25: {  	[simem:s6], [sflag:s4] =	dma.local [hbm:s3], $0xF7A  }
0x26: {  	[smem:$0x3F99] =	sst s1;
	(tag) =	ssettag s2;
	_ =	strace s9  }
0x27: {  	s1 =	sld [smem:$0x3FA9]  }
0x28: {  	s2 =	sld [smem:$0x3FAA]  }
0x29: {  	s4 =	sld [smem:$0x3FAC]  }
0x2a: {  	p0 =	seq.s32 s5, $0x0;
	s5 =	sld [smem:$0x3FAD]  }
0x2b: {  	s6 =	sld [smem:$0x3FAE]  }
0x2c: {  	s7 =	sld [smem:$0x3FAF]  }
0x2d: {  	s3 =	simm.s32 $0x108;
	s8 =	sld [smem:$0x3FB0]  }
0x2e: {  	s3 =	simm.s32 @!p0 $0x1082;
	s9 =	sld [smem:$0x3FB1]  }
0x2f: {  	lr =	sadd.s32 s0, s3;
	s0 =	sld [smem:$0x3FA8]  }
0x30: {  	s3 =	sld [smem:$0x3FAB]  }
0x31: {  	[smem:$0x3FB4] =	sst s10  }
0x32: {  	s10 =	sld [smem:$0x3FB2];
	_ =	sdelay $0x3  }
0x33: {  	p0 =	seq.s32 s10, $0x1;
	s10 =	sld [smem:$0x3FB4];
	_ =	sdelay $0x3  }
0x34: {  	[smem:$0x3FB4] =	sst s10  }
0x35: {  	s10 =	sld [smem:$0x3FB3];
	_ =	sdelay $0x3  }
0x36: {  	p1 =	seq.s32 s10, $0x1;
	s10 =	sld [smem:$0x3FB4];
	_ =	sdelay $0x3  }
0x37: {  	[smem:$0x3FB4] =	sst s10  }
0x38: {  	s10 =	sld [smem:$0x3FB5]  }
0x39: {  	_ = 	snop;
	(pc) =	sbr.ind lr, $3  }
0x3a: {  	_ = 	snop  }
0x3b: {  	_ = 	snop  }
0x3c: {  	p2 =	seq.s32 s10, $0x1;
	s10 =	sld [smem:$0x3FB4]  }
0x3d: {  	_ =	shalt  }
0x3e: {  	_ =	shalt  }
0x3f: {  	_ =	shalt  }
0x40: {  	_ =	shalt  }
0x41: {  	_ =	shalt  }
0x42: {  	_ =	shalt  }
0x43: {  	_ =	shalt  }
0x44: {  	_ =	shalt  }
0x45: {  	_ =	shalt  }
0x46: {  	_ =	shalt  }
0x47: {  	_ =	shalt  }
0x48: {  	_ =	shalt  }
0x49: {  	_ =	shalt  }
0x4a: {  	_ =	shalt  }
0x4b: {  	_ =	shalt  }
0x4c: {  	_ =	shalt  }
0x4d: {  	_ =	shalt  }
0x4e: {  	_ =	shalt  }
0x4f: {  	_ =	shalt  }
0x50: {  	_ =	shalt  }
0x51: {  	_ =	shalt  }
0x52: {  	_ =	shalt  }
0x53: {  	_ =	shalt  }
0x54: {  	_ =	shalt  }
0x55: {  	_ =	shalt  }
0x56: {  	_ =	shalt  }
0x57: {  	_ =	shalt  }
0x58: {  	_ =	shalt  }
0x59: {  	_ =	shalt  }
0x5a: {  	_ =	shalt  }
0x5b: {  	_ =	shalt  }
0x5c: {  	_ =	shalt  }
0x5d: {  	_ =	shalt  }
0x5e: {  	_ =	shalt  }
0x5f: {  	_ =	shalt  }
0x60: {  	_ =	shalt  }
0x61: {  	_ =	shalt  }
0x62: {  	_ =	shalt  }
0x63: {  	_ =	shalt  }
0x64: {  	_ =	shalt  }
0x65: {  	_ =	shalt  }
0x66: {  	_ =	shalt  }
0x67: {  	_ =	shalt  }
0x68: {  	_ =	shalt  }
0x69: {  	_ =	shalt  }
0x6a: {  	_ =	shalt  }
0x6b: {  	_ =	shalt  }
0x6c: {  	_ =	shalt  }
0x6d: {  	_ =	shalt  }
0x6e: {  	_ =	shalt  }
0x6f: {  	_ =	shalt  }
0x70: {  	_ =	shalt  }
0x71: {  	_ =	shalt  }
0x72: {  	_ =	shalt  }
0x73: {  	_ =	shalt  }
0x74: {  	_ =	shalt  }
0x75: {  	_ =	shalt  }
0x76: {  	_ =	shalt  }
0x77: {  	_ =	shalt  }
0x78: {  	_ =	shalt  }
0x79: {  	_ =	shalt  }
0x7a: {  	_ =	shalt  }
0x7b: {  	_ =	shalt  }
0x7c: {  	_ =	shalt  }
0x7d: {  	_ =	shalt  }
0x7e: {  	_ =	shalt  }
0x7f: {  	_ =	shalt  }
0x80: {  	_ =	shalt  }
0x81: {  	_ =	shalt  }
0x82: {  	_ =	shalt  }
0x83: {  	_ =	shalt  }
0x84: {  	_ =	shalt  }
0x85: {  	_ =	shalt  }
0x86: {  	_ =	shalt  }
0x87: {  	_ =	shalt  }
.Lfunc_end0:
.L_simem_size_0:
called_computation_lowered:
.L_overlay_start_0:
0x88: {  	s2 =	sld [smem:$0x3FD9]  }
0x89: {  	s3 =	sld [smem:$0x3FFE];
	_ =	sdelay $0x1  }
0x8a: {  	s1 =	srdreg.scid  }
0x8b: {  	s0 =	sand.u32 $0x1, s1  }
0x8c: {  	s15 =	sshll.u32 s0, $0xA;
	s2 =	sadd.s32 s3, s2  }
0x8d: {  	s2 =	sadd.s32 s2, s15  }
0x8e: {  	[smem:$0x3FC0] =	sst s2  }
0x8f: {  	_ = 	snop  }
0x90: {  	s2 =	sld [smem:$0x3FD0];
	_ =	sdelay $0x1  }
0x91: {  	s16 =	sld [smem:$0x3FC9]  }
0x92: {  	s5 =	simm.s32 $0xA;
	s6 =	simm.s32 $0x10;
	s4 =	sld [smem:$0x3FC8]  }
0x93: {  	[smem:s6], [sflag:s5] =	dma.local [hbm:s2], $0x1  }
0x94: {  	_ =	swait.eq [sflag:s5], $0x1  }
0x95: {  	[sflag:s5] =	ssyncset.done $0x0  }
0x96: {  	[sflag:s5] =	ssyncadd.s32 $0xFFFFFFFF  }
0x97: {  	s17 =	sld [smem:$0x11];
	(tm) =	ssettm $0x1  }
0x98: {  	s18 =	sld [smem:$0x3FFB];
	_ =	sdelay $0x3  }
0x99: {  	_ =	strace s18  }
0x9a: {  	s5 =	sld [smem:$0x3FFC];
	_ =	sdelay $0x3  }
0x9b: {  	_ =	strace s5  }
0x9c: {  	s5 =	sld [smem:$0x3FFD];
	_ =	sdelay $0x3  }
0x9d: {  	_ =	strace s5  }
0x9e: {  	_ =	strace $0x8FFFFFFF  }
0x9f: {  	s19 =	sld [smem:$0x3FDB];
	_ =	sdelay $0x1  }
0xa0: {  	s20 =	simm.s32 $_scs_section_size  }
0xa1: {  	s7 =	simm.s32 $_size__tile_overlayer_lowered;
	s8 =	simm.s32 $_tile_overlayer_lowered  }
0xa2: {  	s23 =	simm.s32 $0x1BFF;
	s22 =	sshll.u32 s8, $0x1;
	s5 =	sadd.s32 s20, s19  }
0xa3: {  	s9 =	simm.s32 $0x0;
	s21 =	sshll.u32 s7, $0x1;
	s7 =	sadd.s32 s22, s5  }
0xa4: {  	[timem:s9], [sflag:s23] =	dma.local [hbm:s7], s21  }
0xa5: {  	_ =	swait.ge [sflag:s23], s21  }
0xa6: {  	s6 =	ssub.s32 $0x0, s21;
	[sflag:s23] =	ssyncset.done $0x0  }
0xa7: {  	[sflag:s23] =	ssyncadd.s32 s6;
	_ =	sdelay $0x1  }
0xa8: {  	s24 =	simm.s32 $0x1B8B  }
0xa9: {  	_ =	swait.ge [sflag:s24], $0x1  }
0xaa: {  	[sflag:s24] =	ssyncset.done $0x0  }
0xab: {  	s25 =	simm.s32 $0x1B8E;
	[sflag:s24] =	ssyncadd.s32 $0xFFFFFFFF  }
0xac: {  	s26 =	simm.s32 $execute0_lowered;
	[smem:$0x3FD2] =	sst s25  }
0xad: {  	s6 =	sshll.u32 s26, $0x1;
	_ =	strace $0x80000046;
	[dreg:$0x1] =	wrdreg $0xFFFFFFFF  }
0xae: {  	s28 =	simm.s32 $_size_execute0_lowered;
	s5 =	sadd.s32 s5, s6;
	[dreg:$0x0] =	wrdreg $0x0  }
0xaf: {  	s6 =	sshll.u32 s28, $0x1;
	[dreg:$0x2] =	wrdreg s5  }
0xb0: {  	[dreg:$0x3] =	wrdreg s6  }
0xb1: {  	[dreg:$0x4] =	wrdreg $0xC0  }
0xb2: {  	_ =	task [dreg:s9], $0x5FFFF  }
0xb3: {  	[dreg:$0x1] =	wrdreg $0xFFFFFFFF  }
0xb4: {  	[dreg:$0x0] =	wrdreg $0x60  }
0xb5: {  	[dreg:$0x2] =	wrdreg s16  }
0xb6: {  	[dreg:$0x3] =	wrdreg s4  }
0xb7: {  	[dreg:$0x4] =	wrdreg s17  }
0xb8: {  	[dreg:$0x5] =	wrdreg $0x9  }
0xb9: {  	_ =	task.clear_ibuf [dreg:s9], $0x6FFFF;
	_ =	strace $0x90000046  }
0xba: {  	s29 =	simm.s32 $0x9;
	_ =	strace $0x80000048  }
0xbb: {  	_ =	swait.ge [sflag:s29], $0x1  }
0xbc: {  	[sflag:s29] =	ssyncadd.s32 $0xFFFFFFFF  }
0xbd: {  	_ =	strace $0x90000048  }
0xbe: {  	_ =	sfence  }
0xbf: {  	s30 =	sld [smem:$0x0];
	_ =	sdelay $0x2  }
0xc0: {  	s31 =	sshll.u32 s1, $0xD;
	s1 =	sshrl.u32 s1, $0x2  }
0xc1: {  	s3 =	sand.u32 $0x4000, s31;
	s1 =	sadd.s32 s1, s30  }
0xc2: {  	s0 =	sor.u32 s3, s0;
	s1 =	sshll.u32 s1, $0x11  }
0xc3: {  	s0 =	sor.u32 s1, s0  }
0xc4: {  	s0 =	sadd.s32 $0x8F2B, s0  }
0xc5: {  	[sflag:s0] =	ssyncadd.remote.s32 $0x1  }
0xc6: {  	_ =	sfence.sel $0xFFFF  }
0xc7: {  	[dreg:$0x0] =	wrdreg $0xFFFFFFFF;
	(pc) =	sbr.abs _section_cstart, $3  }
0xc8: {  	[dreg:$0x1] =	wrdreg $0xFFFFFFFF  }
0xc9: {  	_ =	task.clear_ibuf [dreg:s9], $0x2FFFF;
	_ =	strace $0x9FFFFFFF  }
0xca: {  	(tm) =	ssettm $0x7FFFFFFF  }
0xcb: {  	_ =	shalt  }
tec
execute0_lowered:
.L_overlay_start_1:
0x0: {  	(tag) =	ssettag $0x1  }
0x1: {  	v0 =	vimm.s32 $0xEFCDAB89;
	v1 =	vimm.s32 $0x67452301;
	s0 =	rddreg [dreg:$0x0];
	v2 =	vimm.s32 $0xDCFE98BA  }
0x2: {  	s4 =	rddreg [dreg:$0x1];
	v3 =	vimm.s32 $0x54761032;
	v4 =	vimm.s32 $0xBA98FEDC;
	v5 =	vimm.s32 $0xFEDCBA98  }
0x3: {  	s5 =	rddreg [dreg:$0x2];
	v6 =	vimm.s32 $0x32107654;
	v7 =	vimm.s32 $0x76543210;
	vm0 =	vmmov $0x1  }
0x4: {  	s1 =	rddreg [dreg:$0x3];
	s2 =	simm.s32 $0x0;
	s6 =	srdreg.scid;
	vm1 =	vcmask $0x310;
	vm2 =	vcmask $0x710;
	v0 =	vunpack.c.l.s4.s8 v0  }
0x5: {  	s3 =	stileid.u32;
	v1 =	vunpack.c.l.s4.s8 v1;
	v2 =	vunpack.c.l.s4.s8 v2;
	v3 =	vunpack.c.l.s4.s8 v3;
	[smem:$0x7FF] =	sst s2;
	s10 =	sand.u32 $0x1, s6  }
0x6: {  	v5 =	vunpack.c.l.s4.s8 v5;
	s7 =	sshll.u32 s3, $0x6;
	v4 =	vunpack.c.l.s4.s8 v4;
	v6 =	vunpack.c.l.s4.s8 v6;
	s9 =	sshll.u32 s3, $0x9;
	s31 =	sshll.u32 s3, $0x4  }
0x7: {  	v7 =	vunpack.c.l.s4.s8 v7;
	_ =	strace $0x80000047;
	s6 =	ssub.s32 $0x2, s10;
	s7 =	sand.u32 $0x40, s7;
	v0 =	vunpack.c.0.s8.s32 v0;
	v1 =	vunpack.c.0.s8.s32 v1  }
0x8: {  	s9 =	sand.u32 $0x1C00, s9;
	s5 =	sadd.s32 s5, s31;
	p0 =	sne.s32 s10, $0x0;
	v2 =	vunpack.c.0.s8.s32 v2;
	v3 =	vunpack.c.0.s8.s32 v3;
	v5 =	vunpack.c.0.s8.s32 v5  }
0x9: {  	s10 =	simm.s32 $0x0;
	s8 =	sshrl.u32 s6, $0x1;
	s4 =	sadd.s32 s4, s7;
	v4 =	vunpack.c.0.s8.s32 v4;
	v6 =	vunpack.c.0.s8.s32 v6;
	v7 =	vunpack.c.0.s8.s32 v7  }
0xa: {  	s7 =	simm.s32 $0x1;
	s6 =	ssub.s32 s6, s8;
	s4 =	sadd.s32 s9, s4;
	v0 =	vcombine.low v1, v0;
	v1 =	vcombine.low v3, v2;
	v3 =	vand.u32 $0xF, v5  }
0xb: {  	vm3 =	vcmask $0xB10;
	s8 =	simm.s32 $0x200;
	s9 =	simm.s32 $0x400;
	v2 =	vcombine.low v6, v4;
	s6 =	smax.u32 s6, $0x1;
	v3 =	vcombine.low v3, v7  }
.LBB2_1:
0xc: {  	[tilespmem:s2], [sflag:$0x1] =	stream.linear.gather [hbm4b:s0+s2], $0x400, $0x38;
	[tilespmem:$0x1480] =	vst v63  }
0xd: {  	_ =	swait.ge [sflag:s7], $0x400  }
0xe: {  	[sflag:s7] =	ssyncset.done $0x0  }
0xf: {  	[sflag:s7] =	ssyncadd.s32 $0xFFFFFC00  }
0x10: {  	[tilespmem:s9], [sflag:$0x1] =	stream.strided.gather [hbm4b:s4+s8], $0x1000, s9, s8, $0x38;
	[tilespmem:$0x1480] =	vst v63  }
0x11: {  	_ =	swait.ge [sflag:s7], $0x1000  }
0x12: {  	s11 =	sand.u32 $0x3800, s2;
	[sflag:s7] =	ssyncset.done $0x0  }
0x13: {  	s12 =	sand.u32 $0x70, s2;
	s11 =	sshrl.u32 s11, $0x2;
	[sflag:s7] =	ssyncadd.s32 $0xFFFFF000  }
0x14: {  	s11 =	sor.u32 s12, s11;
	v4 =	vld [tilespmem:s2+$0x0]  }
0x15: {  	v5 =	vld [tilespmem:s11+$0x400]  }
0x16: {  	s31 =	simm.s32 $0x100  }
0x17: {  	s12 =	sand.u32 $0x3800, s31;
	s11 =	simm.s32 $0x10  }
0x18: {  	s12 =	sshrl.u32 s12, $0x2;
	s13 =	sand.u32 $0x70, s11  }
0x19: {  	s13 =	sor.u32 s13, s12  }
0x1a: {  	v6 =	vld [tilespmem:s13+$0x400];
	v7 =	vsub.f32 v5, v4  }
0x1b: {  	v5 =	vld [tilespmem:s11+$0x0]  }
0x1c: {  	s12 =	simm.s32 $0x20;
	s13 =	simm.s32 $0x200;
	v4 =	vimm.f32 $0.0e+00;
	v7 =	vmul.f32 v7, v7  }
.LBB2_2:
0x1d: {  	s14 =	sand.u32 $0x3800, s13;
	p1 =	sne.s32 s12, $0x3F0  }
0x1e: {  	v4 =	vadd.f32 v7, v4;
	s15 =	smov.u32 s12;
	s12 =	sadd.s32 $0x10, s12;
	s11 =	sadd.s32 $0x10, s11  }
.Ltmp0:
0x1f: {  	s15 =	sand.u32 $0x70, s15;
	s14 =	sshrl.u32 s14, $0x2;
	(pc) =	sbr.rel @p1 .LBB2_2-.Ltmp0, $4  }
0x20: {  	s14 =	sor.u32 s15, s14;
	v7 =	vsub.f32 v6, v5;
	v5 =	vld [tilespmem:s11+$0x0]  }
0x21: {  	v6 =	vld [tilespmem:s14+$0x400]  }
0x22: {  	v7 =	vmul.f32 v7, v7  }
0x23: {  	s13 =	sadd.s32 $0x100, s13  }
0x24: {  	_ =	sdelay $0x1  }
0x25: {  	v5 =	vsub.f32 v6, v5;
	_ =	sdelay $0x1  }
0x26: {  	v4 =	vadd.f32 v7, v4;
	v5 =	vmul.f32 v5, v5;
	_ =	sdelay $0x1  }
0x27: {  	v4 =	vadd.f32 v5, v4;
	_ =	sdelay $0x1  }
0x28: {  	v5 =	vperm.xlane v4, v0  }
0x29: {  	s11 =	simm.s32 $0x0  }
0x2a: {  	s12 =	sand.u32 $0x3800, s11;
	v4 =	vadd.f32 v5, v4  }
0x2b: {  	s13 =	sand.u32 $0x70, s11;
	s12 =	sshrl.u32 s12, $0x2  }
0x2c: {  	v6 =	vld [tilespmem:s11+$0x0];
	s12 =	sor.u32 s13, s12;
	v5 =	vperm.xlane v4, v1  }
0x2d: {  	v7 =	vld [tilespmem:s12+$0x480]  }
0x2e: {  	s30 =	simm.s32 $0x100;
	v4 =	vadd.f32 v5, v4  }
0x2f: {  	s11 =	simm.s32 $0x10;
	s12 =	sand.u32 $0x3800, s30  }
0x30: {  	s31 =	sand.u32 $0x70, s11;
	s12 =	sshrl.u32 s12, $0x2;
	v5 =	vperm.xlane v4, v2  }
0x31: {  	s13 =	sor.u32 s31, s12  }
0x32: {  	v8 =	vld [tilespmem:s13+$0x480];
	v9 =	vsub.f32 v7, v6;
	v4 =	vadd.f32 v5, v4  }
0x33: {  	v7 =	vld [tilespmem:s11+$0x0]  }
0x34: {  	s12 =	simm.s32 $0x20;
	s13 =	simm.s32 $0x200;
	v6 =	vimm.f32 $0.0e+00;
	v9 =	vmul.f32 v9, v9;
	v5 =	vperm.xlane v4, v3  }
.LBB2_4:
0x35: {  	s14 =	sand.u32 $0x3800, s13;
	p1 =	sne.s32 s12, $0x3F0  }
0x36: {  	v6 =	vadd.f32 v9, v6;
	s15 =	smov.u32 s12;
	s12 =	sadd.s32 $0x10, s12;
	s11 =	sadd.s32 $0x10, s11  }
.Ltmp1:
0x37: {  	s15 =	sand.u32 $0x70, s15;
	s14 =	sshrl.u32 s14, $0x2;
	(pc) =	sbr.rel @p1 .LBB2_4-.Ltmp1, $4  }
0x38: {  	s14 =	sor.u32 s15, s14;
	v9 =	vsub.f32 v8, v7;
	v7 =	vld [tilespmem:s11+$0x0]  }
0x39: {  	v8 =	vld [tilespmem:s14+$0x480]  }
0x3a: {  	v9 =	vmul.f32 v9, v9  }
0x3b: {  	s13 =	sadd.s32 $0x100, s13  }
0x3c: {  	_ =	sdelay $0x1  }
0x3d: {  	v7 =	vsub.f32 v8, v7;
	_ =	sdelay $0x1  }
0x3e: {  	v6 =	vadd.f32 v9, v6;
	v7 =	vmul.f32 v7, v7;
	_ =	sdelay $0x1  }
0x3f: {  	v6 =	vadd.f32 v7, v6;
	_ =	sdelay $0x1  }
0x40: {  	v7 =	vperm.xlane v6, v0  }
0x41: {  	s11 =	simm.s32 $0x0  }
0x42: {  	s12 =	sand.u32 $0x3800, s11;
	v6 =	vadd.f32 v7, v6  }
0x43: {  	s13 =	sand.u32 $0x70, s11;
	s12 =	sshrl.u32 s12, $0x2  }
0x44: {  	v8 =	vld [tilespmem:s11+$0x0];
	s12 =	sor.u32 s13, s12;
	v7 =	vperm.xlane v6, v1  }
0x45: {  	v9 =	vld [tilespmem:s12+$0x500]  }
0x46: {  	s30 =	simm.s32 $0x100;
	v6 =	vadd.f32 v7, v6  }
0x47: {  	s11 =	simm.s32 $0x10;
	s12 =	sand.u32 $0x3800, s30  }
0x48: {  	s31 =	sand.u32 $0x70, s11;
	s12 =	sshrl.u32 s12, $0x2;
	v7 =	vperm.xlane v6, v2  }
0x49: {  	s13 =	sor.u32 s31, s12  }
0x4a: {  	v10 =	vld [tilespmem:s13+$0x500];
	v11 =	vsub.f32 v9, v8;
	v6 =	vadd.f32 v7, v6  }
0x4b: {  	v9 =	vld [tilespmem:s11+$0x0]  }
0x4c: {  	s12 =	simm.s32 $0x20;
	s13 =	simm.s32 $0x200;
	v8 =	vimm.f32 $0.0e+00;
	v11 =	vmul.f32 v11, v11;
	v7 =	vperm.xlane v6, v3  }
.LBB2_6:
0x4d: {  	s14 =	sand.u32 $0x3800, s13;
	p1 =	sne.s32 s12, $0x3F0  }
0x4e: {  	v8 =	vadd.f32 v11, v8;
	s15 =	smov.u32 s12;
	s12 =	sadd.s32 $0x10, s12;
	s11 =	sadd.s32 $0x10, s11  }
.Ltmp2:
0x4f: {  	s15 =	sand.u32 $0x70, s15;
	s14 =	sshrl.u32 s14, $0x2;
	(pc) =	sbr.rel @p1 .LBB2_6-.Ltmp2, $4  }
0x50: {  	s14 =	sor.u32 s15, s14;
	v11 =	vsub.f32 v10, v9;
	v9 =	vld [tilespmem:s11+$0x0]  }
0x51: {  	v10 =	vld [tilespmem:s14+$0x500]  }
0x52: {  	v11 =	vmul.f32 v11, v11  }
0x53: {  	s13 =	sadd.s32 $0x100, s13  }
0x54: {  	_ =	sdelay $0x1  }
0x55: {  	v9 =	vsub.f32 v10, v9;
	_ =	sdelay $0x1  }
0x56: {  	v8 =	vadd.f32 v11, v8;
	v9 =	vmul.f32 v9, v9;
	_ =	sdelay $0x1  }
0x57: {  	v8 =	vadd.f32 v9, v8;
	_ =	sdelay $0x1  }
0x58: {  	v9 =	vperm.xlane v8, v0  }
0x59: {  	s11 =	simm.s32 $0x0  }
0x5a: {  	s12 =	sand.u32 $0x3800, s11;
	v8 =	vadd.f32 v9, v8  }
0x5b: {  	s13 =	sand.u32 $0x70, s11;
	s12 =	sshrl.u32 s12, $0x2  }
0x5c: {  	v10 =	vld [tilespmem:s11+$0x0];
	s12 =	sor.u32 s13, s12;
	v9 =	vperm.xlane v8, v1  }
0x5d: {  	v11 =	vld [tilespmem:s12+$0x580]  }
0x5e: {  	s30 =	simm.s32 $0x100;
	v8 =	vadd.f32 v9, v8  }
0x5f: {  	s11 =	simm.s32 $0x10;
	s12 =	sand.u32 $0x3800, s30  }
0x60: {  	s31 =	sand.u32 $0x70, s11;
	s12 =	sshrl.u32 s12, $0x2;
	v9 =	vperm.xlane v8, v2  }
0x61: {  	s13 =	sor.u32 s31, s12  }
0x62: {  	v12 =	vld [tilespmem:s13+$0x580];
	v13 =	vsub.f32 v11, v10;
	v8 =	vadd.f32 v9, v8  }
0x63: {  	v11 =	vld [tilespmem:s11+$0x0]  }
0x64: {  	s12 =	simm.s32 $0x20;
	s13 =	simm.s32 $0x200;
	v10 =	vimm.f32 $0.0e+00;
	v13 =	vmul.f32 v13, v13;
	v9 =	vperm.xlane v8, v3  }
.LBB2_8:
0x65: {  	s14 =	sand.u32 $0x3800, s13;
	p1 =	sne.s32 s12, $0x3F0  }
0x66: {  	v10 =	vadd.f32 v13, v10;
	s15 =	smov.u32 s12;
	s12 =	sadd.s32 $0x10, s12;
	s11 =	sadd.s32 $0x10, s11  }
.Ltmp3:
0x67: {  	s15 =	sand.u32 $0x70, s15;
	s14 =	sshrl.u32 s14, $0x2;
	(pc) =	sbr.rel @p1 .LBB2_8-.Ltmp3, $4  }
0x68: {  	s14 =	sor.u32 s15, s14;
	v13 =	vsub.f32 v12, v11;
	v11 =	vld [tilespmem:s11+$0x0]  }
0x69: {  	v12 =	vld [tilespmem:s14+$0x580]  }
0x6a: {  	v13 =	vmul.f32 v13, v13  }
0x6b: {  	s13 =	sadd.s32 $0x100, s13  }
0x6c: {  	_ =	sdelay $0x1  }
0x6d: {  	v11 =	vsub.f32 v12, v11;
	_ =	sdelay $0x1  }
0x6e: {  	v10 =	vadd.f32 v13, v10;
	v11 =	vmul.f32 v11, v11;
	_ =	sdelay $0x1  }
0x6f: {  	v10 =	vadd.f32 v11, v10;
	_ =	sdelay $0x1  }
0x70: {  	v11 =	vperm.xlane v10, v0;
	_ =	sdelay $0x1  }
0x71: {  	v10 =	vadd.f32 v11, v10;
	_ =	sdelay $0x1  }
0x72: {  	v11 =	vperm.xlane v10, v1;
	_ =	sdelay $0x1  }
0x73: {  	v10 =	vadd.f32 v11, v10;
	_ =	sdelay $0x1  }
0x74: {  	v11 =	vperm.xlane v10, v2;
	_ =	sdelay $0x1  }
0x75: {  	v10 =	vadd.f32 v11, v10  }
0x76: {  	v4 =	vadd.f32 v5, v4  }
0x77: {  	v5 =	vadd.f32 v7, v6;
	v62 =	vperm.xlane v10, v3  }
0x78: {  	v63 =	vadd.f32 v9, v8;
	v4 =	vnsel vm0, $0x7F800000, v4  }
0x79: {  	v4 =	vsel vm1, v4, v5;
	v5 =	vadd.f32 v62, v10  }
0x7a: {  	v4 =	vsel vm2, v4, v63  }
0x7b: {  	s10 =	sadd.s32 $0x1, s10;
	v4 =	vsel vm3, v4, v5  }
0x7c: {  	s11 =	simm.s32 @!p0 $0x0;
	s12 =	simm.s32 @!p0 $0x1400;
	p1 =	sne.s32 s10, s6;
	[tilespmem:$0x1400] =	vst v4  }
0x7d: {  	[hbm4b:s5+s11] =	stream.linear.scatter @!p0 [tilespmem:s12], [sflag:$0x1], $0x80, $0x38;
	[tilespmem:$0x1480] =	vst v63  }
.Ltmp4:
0x7e: {  	_ = 	snop;
	(pc) =	sbr.rel @p1 .LBB2_1-.Ltmp4, $4  }
0x7f: {  	s11 =	simm.s32 @!p0 $0x1  }
0x80: {  	_ =	swait.ge @!p0 [sflag:s11], $0x80  }
0x81: {  	[sflag:s11] =	ssyncset.done @!p0 $0x0  }
0x82: {  	[sflag:s11] =	ssyncadd.s32 @!p0 $0xFFFFFF80  }
0x83: {  	_ =	sfence.sel $0x180000  }
0x84: {  	[bflag:$0x0] =	sbarrier.arrive $0xFFFF  }
0x85: {  	p0 =	sne.s32 s3, $0x0;
	_ =	strace $0x90000047  }
0x86: {  	s0 =	sadd.s32 @!p0 $0x100000, s1;
	[bflag:$0x2] =	sbarrier.arrive $0xFFFF  }
0x87: {  	[sflag:s0] =	ssyncadd.tile.s32 @!p0 $0x1;
	_ =	shalt  }
.Lfunc_end2:
_tile_overlayer_lowered:
.L_overlay_start_2:
0x88: {  	(tag) =	ssettag $0x2  }
0x89: {  	s0 =	rddreg [dreg:$0x0];
	s2 =	stileid.u32  }
0x8a: {  	s1 =	rddreg [dreg:$0x1];
	p0 =	sne.s32 s2, $0x0  }
0x8b: {  	s3 =	rddreg [dreg:$0x2];
	[bflag:$0x3] =	sbarrier.arrive $0xFFFF;
	s2 =	simm.s32 @!p0 $0x1C01  }
0x8c: {  	[timem:s3], [sflag:s2] =	dma.local @!p0 [hbm:s0], s1  }
0x8d: {  	s0 =	simm.s32 @!p0 $0x1  }
0x8e: {  	_ =	swait.ge @!p0 [sflag:s0], s1  }
0x8f: {  	s1 =	ssub.s32 @!p0 $0x0, s1;
	[sflag:s0] =	ssyncset.done @!p0 $0x0  }
0x90: {  	[sflag:s0] =	ssyncadd.s32 @!p0 s1  }
0x91: {  	[bflag:$0x3] =	sbarrier.arrive $0xFFFF  }
0x92: {  	_ =	shalt  }

// kernel: kernel.9.cloned.1.call-start
scs
__scs_entry_jumppad:
0x0: {  	(pc) =	sbr.rel $0x88, $3  }
0x1: {  	(tag) =	ssettag $0x0;
	lr =	simm.s32 $0x1  }
0x2: {  	[smem:$0x3F99] =	sst lr;
	_ =	strace $0xD0000000  }
0x3: {  	_ = 	snop  }
0x4: {  	_ = 	snop  }
0x5: {  	_ = 	snop  }
0x6: {  	_ = 	snop  }
0x7: {  	_ = 	snop  }
__scs_overlays_trampoline_lowered:
0x8: {  	[smem:$0x3FA8] =	sst s0  }
0x9: {  	[smem:$0x3FA9] =	sst s1  }
0xa: {  	[smem:$0x3FAA] =	sst s2  }
0xb: {  	[smem:$0x3FAB] =	sst s3  }
0xc: {  	[smem:$0x3FAC] =	sst s4  }
0xd: {  	[smem:$0x3FAD] =	sst s5  }
0xe: {  	[smem:$0x3FAE] =	sst s6  }
0xf: {  	[smem:$0x3FAF] =	sst s7  }
0x10: {  	[smem:$0x3FB0] =	sst s8  }
0x11: {  	[smem:$0x3FB1] =	sst s9;
	s0 =	simm.s32 @!p0 $0x0  }
0x12: {  	s1 =	sld [smem:$0x3F97];
	s0 =	simm.s32 @p0 $0x1  }
0x13: {  	[smem:$0x3FB2] =	sst s0;
	s0 =	simm.s32 @!p1 $0x0  }
0x14: {  	s2 =	sld [smem:$0x3F96];
	s0 =	simm.s32 @p1 $0x1  }
0x15: {  	[smem:$0x3FB3] =	sst s0;
	s0 =	simm.s32 @!p2 $0x0  }
0x16: {  	s3 =	sld [smem:$0x3FDB];
	s0 =	simm.s32 @p2 $0x1  }
0x17: {  	s4 =	simm.s32 $0x1BF5;
	[smem:$0x3FB5] =	sst s0  }
0x18: {  	s0 =	sld [smem:$0x3F98];
	_ =	swait.ge [sflag:s4], $0x0  }
0x19: {  	s7 =	sld [smem:$0x3F99]  }
0x1a: {  	s8 =	sadd.s32 $0xFFFFE003, lr  }
0x1b: {  	s9 =	sadd.s32 $0xFFFFFEF7, lr;
	s5 =	simm.s32 $0xFFFFFFFF;
	p2 =	slt.u32 s8, $0xFFFFF086  }
0x1c: {  	p1 =	slt.u32 s9, $0xF7A;
	s5 =	simm.s32 @!p2 $0x0  }
0x1d: {  	s5 =	simm.s32 @p1 $0x1;
	p0 =	seq.s32 s7, s2  }
0x1e: {  	s7 =	smul.u32 @!p0 $0xF7A, s2;
	p2 =	seq.s32 @!p0 s5, $0x0  }
0x1f: {  	s9 =	smul.u32 $0xF7A, s1;
	s8 =	simm.s32 @!p0 $0x1BF5;
	p2 =	por !p2, p0  }
0x20: {  	[sflag:s8] =	ssyncset.s32 @!p0 $0xFFFFF086;
	s6 =	sadd.s32 @!p0 s3, s7;
	s7 =	simm.s32 @!p0 $0x108  }
0x21: {  	s3 =	sadd.s32 s3, s9;
	s6 =	sadd.s32 @!p0 $0x88, s6;
	s7 =	simm.s32 @p2 $0x1082  }
0x22: {  	[simem:s7], [sflag:s8] =	dma.local @!p0 [hbm:s6], $0xF7A  }
0x23: {  	s9 =	sor.u32 $0xD0000000, s2;
	s6 =	simm.s32 $0x108;
	_ =	swait.ge @!p0 [sflag:s8], $0x0  }
0x24: {  	s3 =	sadd.s32 $0x88, s3;
	s6 =	simm.s32 @!p1 $0x1082;
	[sflag:s4] =	ssyncset.s32 $0xFFFFF086  }
0x25: {  	[simem:s6], [sflag:s4] =	dma.local [hbm:s3], $0xF7A  }
0x26: {  	[smem:$0x3F99] =	sst s1;
	(tag) =	ssettag s2;
	_ =	strace s9  }
0x27: {  	s1 =	sld [smem:$0x3FA9]  }
0x28: {  	s2 =	sld [smem:$0x3FAA]  }
0x29: {  	s4 =	sld [smem:$0x3FAC]  }
0x2a: {  	p0 =	seq.s32 s5, $0x0;
	s5 =	sld [smem:$0x3FAD]  }
0x2b: {  	s6 =	sld [smem:$0x3FAE]  }
0x2c: {  	s7 =	sld [smem:$0x3FAF]  }
0x2d: {  	s3 =	simm.s32 $0x108;
	s8 =	sld [smem:$0x3FB0]  }
0x2e: {  	s3 =	simm.s32 @!p0 $0x1082;
	s9 =	sld [smem:$0x3FB1]  }
0x2f: {  	lr =	sadd.s32 s0, s3;
	s0 =	sld [smem:$0x3FA8]  }
0x30: {  	s3 =	sld [smem:$0x3FAB]  }
0x31: {  	[smem:$0x3FB4] =	sst s10  }
0x32: {  	s10 =	sld [smem:$0x3FB2];
	_ =	sdelay $0x3  }
0x33: {  	p0 =	seq.s32 s10, $0x1;
	s10 =	sld [smem:$0x3FB4];
	_ =	sdelay $0x3  }
0x34: {  	[smem:$0x3FB4] =	sst s10  }
0x35: {  	s10 =	sld [smem:$0x3FB3];
	_ =	sdelay $0x3  }
0x36: {  	p1 =	seq.s32 s10, $0x1;
	s10 =	sld [smem:$0x3FB4];
	_ =	sdelay $0x3  }
0x37: {  	[smem:$0x3FB4] =	sst s10  }
0x38: {  	s10 =	sld [smem:$0x3FB5]  }
0x39: {  	_ = 	snop;
	(pc) =	sbr.ind lr, $3  }
0x3a: {  	_ = 	snop  }
0x3b: {  	_ = 	snop  }
0x3c: {  	p2 =	seq.s32 s10, $0x1;
	s10 =	sld [smem:$0x3FB4]  }
0x3d: {  	_ =	shalt  }
0x3e: {  	_ =	shalt  }
0x3f: {  	_ =	shalt  }
0x40: {  	_ =	shalt  }
0x41: {  	_ =	shalt  }
0x42: {  	_ =	shalt  }
0x43: {  	_ =	shalt  }
0x44: {  	_ =	shalt  }
0x45: {  	_ =	shalt  }
0x46: {  	_ =	shalt  }
0x47: {  	_ =	shalt  }
0x48: {  	_ =	shalt  }
0x49: {  	_ =	shalt  }
0x4a: {  	_ =	shalt  }
0x4b: {  	_ =	shalt  }
0x4c: {  	_ =	shalt  }
0x4d: {  	_ =	shalt  }
0x4e: {  	_ =	shalt  }
0x4f: {  	_ =	shalt  }
0x50: {  	_ =	shalt  }
0x51: {  	_ =	shalt  }
0x52: {  	_ =	shalt  }
0x53: {  	_ =	shalt  }
0x54: {  	_ =	shalt  }
0x55: {  	_ =	shalt  }
0x56: {  	_ =	shalt  }
0x57: {  	_ =	shalt  }
0x58: {  	_ =	shalt  }
0x59: {  	_ =	shalt  }
0x5a: {  	_ =	shalt  }
0x5b: {  	_ =	shalt  }
0x5c: {  	_ =	shalt  }
0x5d: {  	_ =	shalt  }
0x5e: {  	_ =	shalt  }
0x5f: {  	_ =	shalt  }
0x60: {  	_ =	shalt  }
0x61: {  	_ =	shalt  }
0x62: {  	_ =	shalt  }
0x63: {  	_ =	shalt  }
0x64: {  	_ =	shalt  }
0x65: {  	_ =	shalt  }
0x66: {  	_ =	shalt  }
0x67: {  	_ =	shalt  }
0x68: {  	_ =	shalt  }
0x69: {  	_ =	shalt  }
0x6a: {  	_ =	shalt  }
0x6b: {  	_ =	shalt  }
0x6c: {  	_ =	shalt  }
0x6d: {  	_ =	shalt  }
0x6e: {  	_ =	shalt  }
0x6f: {  	_ =	shalt  }
0x70: {  	_ =	shalt  }
0x71: {  	_ =	shalt  }
0x72: {  	_ =	shalt  }
0x73: {  	_ =	shalt  }
0x74: {  	_ =	shalt  }
0x75: {  	_ =	shalt  }
0x76: {  	_ =	shalt  }
0x77: {  	_ =	shalt  }
0x78: {  	_ =	shalt  }
0x79: {  	_ =	shalt  }
0x7a: {  	_ =	shalt  }
0x7b: {  	_ =	shalt  }
0x7c: {  	_ =	shalt  }
0x7d: {  	_ =	shalt  }
0x7e: {  	_ =	shalt  }
0x7f: {  	_ =	shalt  }
0x80: {  	_ =	shalt  }
0x81: {  	_ =	shalt  }
0x82: {  	_ =	shalt  }
0x83: {  	_ =	shalt  }
0x84: {  	_ =	shalt  }
0x85: {  	_ =	shalt  }
0x86: {  	_ =	shalt  }
0x87: {  	_ =	shalt  }
.Lfunc_end0:
.L_simem_size_0:
called_computation.1_lowered:
.L_overlay_start_0:
0x88: {  	s2 =	sld [smem:$0x3FD9]  }
0x89: {  	s3 =	sld [smem:$0x3FFE];
	_ =	sdelay $0x1  }
0x8a: {  	s1 =	srdreg.scid  }
0x8b: {  	s0 =	sand.u32 $0x1, s1  }
0x8c: {  	s14 =	sshll.u32 s0, $0xA;
	s2 =	sadd.s32 s3, s2  }
0x8d: {  	s2 =	sadd.s32 s2, s14  }
0x8e: {  	[smem:$0x3FC0] =	sst s2  }
0x8f: {  	_ = 	snop  }
0x90: {  	s2 =	sld [smem:$0x3FD0];
	_ =	sdelay $0x2  }
0x91: {  	s15 =	simm.s32 $0xA;
	s4 =	simm.s32 $0x10  }
0x92: {  	[smem:s4], [sflag:s15] =	dma.local [hbm:s2], $0x1  }
0x93: {  	_ =	swait.eq [sflag:s15], $0x1  }
0x94: {  	[sflag:s15] =	ssyncset.done $0x0  }
0x95: {  	s16 =	sld [smem:$0x10];
	[sflag:s15] =	ssyncadd.s32 $0xFFFFFFFF  }
0x96: {  	s17 =	sld [smem:$0x11];
	(tm) =	ssettm $0x1  }
0x97: {  	s18 =	sld [smem:$0x3FFB];
	_ =	sdelay $0x3  }
0x98: {  	_ =	strace s18  }
0x99: {  	s4 =	sld [smem:$0x3FFC];
	_ =	sdelay $0x3  }
0x9a: {  	_ =	strace s4  }
0x9b: {  	s4 =	sld [smem:$0x3FFD];
	_ =	sdelay $0x3  }
0x9c: {  	_ =	strace s4  }
0x9d: {  	_ =	strace $0x8FFFFFFF  }
0x9e: {  	s19 =	sld [smem:$0x3FDB];
	_ =	sdelay $0x1  }
0x9f: {  	s5 =	simm.s32 $_scs_section_size  }
0xa0: {  	s6 =	simm.s32 $_size__tile_overlayer_lowered;
	s7 =	simm.s32 $_tile_overlayer_lowered  }
0xa1: {  	s22 =	simm.s32 $0x1BFF;
	s21 =	sshll.u32 s7, $0x1;
	s4 =	sadd.s32 s5, s19  }
0xa2: {  	s8 =	simm.s32 $0x0;
	s20 =	sshll.u32 s6, $0x1;
	s6 =	sadd.s32 s21, s4  }
0xa3: {  	[timem:s8], [sflag:s22] =	dma.local [hbm:s6], s20  }
0xa4: {  	_ =	swait.ge [sflag:s22], s20  }
0xa5: {  	s5 =	ssub.s32 $0x0, s20;
	[sflag:s22] =	ssyncset.done $0x0  }
0xa6: {  	[sflag:s22] =	ssyncadd.s32 s5;
	_ =	sdelay $0x1  }
0xa7: {  	s23 =	simm.s32 $0x1B8B  }
0xa8: {  	_ =	swait.ge [sflag:s23], $0x1  }
0xa9: {  	[sflag:s23] =	ssyncset.done $0x0  }
0xaa: {  	s25 =	simm.s32 $0x1B8E;
	s24 =	sld [smem:$0x3FFE];
	[sflag:s23] =	ssyncadd.s32 $0xFFFFFFFF  }
0xab: {  	s26 =	simm.s32 $execute0_lowered;
	[smem:$0x3FD2] =	sst s25  }
0xac: {  	s6 =	sshll.u32 s26, $0x1;
	_ =	strace $0x80000049;
	[dreg:$0x1] =	wrdreg $0xFFFFFFFF  }
0xad: {  	s28 =	simm.s32 $_size_execute0_lowered;
	s4 =	sadd.s32 s4, s6;
	[dreg:$0x0] =	wrdreg $0x0  }
0xae: {  	s6 =	sshll.u32 s28, $0x1;
	[dreg:$0x2] =	wrdreg s4  }
0xaf: {  	[dreg:$0x3] =	wrdreg s6  }
0xb0: {  	[dreg:$0x4] =	wrdreg $0xC0  }
0xb1: {  	_ =	task [dreg:s8], $0x5FFFF  }
0xb2: {  	[dreg:$0x1] =	wrdreg $0xFFFFFFFF  }
0xb3: {  	[dreg:$0x0] =	wrdreg $0x60  }
0xb4: {  	[dreg:$0x2] =	wrdreg s17  }
0xb5: {  	[dreg:$0x3] =	wrdreg s16  }
0xb6: {  	[dreg:$0x4] =	wrdreg s24  }
0xb7: {  	[dreg:$0x5] =	wrdreg $0x9  }
0xb8: {  	_ =	task.clear_ibuf [dreg:s8], $0x6FFFF;
	_ =	strace $0x90000049  }
0xb9: {  	s29 =	simm.s32 $0x9;
	_ =	strace $0x8000004B  }
0xba: {  	_ =	swait.ge [sflag:s29], $0x1  }
0xbb: {  	[sflag:s29] =	ssyncadd.s32 $0xFFFFFFFF  }
0xbc: {  	_ =	strace $0x9000004B  }
0xbd: {  	_ =	sfence  }
0xbe: {  	s30 =	sld [smem:$0x0];
	_ =	sdelay $0x2  }
0xbf: {  	s31 =	sshll.u32 s1, $0xD;
	s1 =	sshrl.u32 s1, $0x2  }
0xc0: {  	s3 =	sand.u32 $0x4000, s31;
	s1 =	sadd.s32 s1, s30  }
0xc1: {  	s0 =	sor.u32 s3, s0;
	s1 =	sshll.u32 s1, $0x11  }
0xc2: {  	s0 =	sor.u32 s1, s0  }
0xc3: {  	s0 =	sadd.s32 $0x8F2B, s0  }
0xc4: {  	[sflag:s0] =	ssyncadd.remote.s32 $0x1  }
0xc5: {  	_ =	sfence.sel $0xFFFF  }
0xc6: {  	[dreg:$0x0] =	wrdreg $0xFFFFFFFF;
	(pc) =	sbr.abs _section_cstart, $3  }
0xc7: {  	[dreg:$0x1] =	wrdreg $0xFFFFFFFF  }
0xc8: {  	_ =	task.clear_ibuf [dreg:s8], $0x2FFFF;
	_ =	strace $0x9FFFFFFF  }
0xc9: {  	(tm) =	ssettm $0x7FFFFFFF  }
tec
execute0_lowered:
.L_overlay_start_1:
0x0: {  	(tag) =	ssettag $0x1  }
0x1: {  	s0 =	srdreg.scid  }
0x2: {  	s8 =	sand.u32 $0x1, s0;
	s0 =	stileid.u32  }
0x3: {  	s4 =	sor.u32 s0, s8  }
0x4: {  	p0 =	sne.s32 s4, $0x0  }
.Ltmp0:
0x5: {  	_ = 	snop;
	(pc) =	sbr.rel @p0 .LBB2_4-.Ltmp0, $4  }
0x6: {  	s2 =	rddreg [dreg:$0x0]  }
0x7: {  	s3 =	rddreg [dreg:$0x1]  }
0x8: {  	s7 =	rddreg [dreg:$0x2]  }
0x9: {  	s1 =	rddreg [dreg:$0x3];
	_ =	strace $0x8000004A  }
0xa: {  	s5 =	simm.s32 $0x0;
	s4 =	simm.s32 $0x1  }
0xb: {  	[tilespmem:s5], [sflag:$0x1] =	stream.linear.gather [hbm4b:s2+s5], $0x800, $0x38;
	[tilespmem:$0x900] =	vst v63  }
0xc: {  	_ =	swait.ge [sflag:s4], $0x800  }
0xd: {  	[sflag:s4] =	ssyncset.done $0x0  }
0xe: {  	[sflag:s4] =	ssyncadd.s32 $0xFFFFF800  }
0xf: {  	v36 =	vld [tilespmem:$0x0]  }
0x10: {  	v37 =	vld [tilespmem:$0x80]  }
0x11: {  	v35 =	vld [tilespmem:$0x100]  }
0x12: {  	v34 =	vld [tilespmem:$0x180]  }
0x13: {  	v33 =	vld [tilespmem:$0x200]  }
0x14: {  	v30 =	vld [tilespmem:$0x280]  }
0x15: {  	v26 =	vld [tilespmem:$0x300];
	v0 =	vmin.f32 v36, v37  }
0x16: {  	v23 =	vld [tilespmem:$0x380];
	v0 =	vmin.f32 v0, v35  }
0x17: {  	v22 =	vld [tilespmem:$0x400];
	v0 =	vmin.f32 v0, v34  }
0x18: {  	v24 =	vld [tilespmem:$0x480];
	v0 =	vmin.f32 v0, v33  }
0x19: {  	v1 =	vimm.s32 $0xEFCDAB89;
	v2 =	vimm.s32 $0x67452301;
	v27 =	vld [tilespmem:$0x500];
	v0 =	vmin.f32 v0, v30  }
0x1a: {  	v1 =	vunpack.c.l.s4.s8 v1;
	v2 =	vunpack.c.l.s4.s8 v2;
	v25 =	vld [tilespmem:$0x580];
	v0 =	vmin.f32 v0, v26  }
0x1b: {  	v3 =	vimm.s32 $0xDCFE98BA;
	v4 =	vimm.s32 $0x54761032;
	v28 =	vld [tilespmem:$0x600];
	v0 =	vmin.f32 v0, v23  }
0x1c: {  	v1 =	vunpack.c.0.s8.s32 v1;
	v2 =	vunpack.c.0.s8.s32 v2;
	v29 =	vld [tilespmem:$0x680];
	v0 =	vmin.f32 v0, v22  }
0x1d: {  	v3 =	vunpack.c.l.s4.s8 v3;
	v4 =	vunpack.c.l.s4.s8 v4;
	v31 =	vld [tilespmem:$0x700];
	v0 =	vmin.f32 v0, v24  }
0x1e: {  	v1 =	vcombine.low v2, v1;
	v32 =	vld [tilespmem:$0x780];
	v0 =	vmin.f32 v0, v27  }
0x1f: {  	v2 =	vunpack.c.0.s8.s32 v3;
	v3 =	vunpack.c.0.s8.s32 v4;
	v0 =	vmin.f32 v0, v25  }
0x20: {  	v4 =	vmin.f32 v0, v28  }
0x21: {  	v0 =	vand.u32 $0xF, v1;
	v1 =	vcombine.low v3, v2;
	v2 =	vmin.f32 v4, v29  }
0x22: {  	v3 =	vimm.s32 $0xBA98FEDC;
	v4 =	vimm.s32 $0x32107654;
	v2 =	vmin.f32 v2, v31  }
0x23: {  	v3 =	vunpack.c.l.s4.s8 v3;
	v4 =	vunpack.c.l.s4.s8 v4;
	v2 =	vmin.f32 v2, v32  }
0x24: {  	v6 =	vimm.s32 $0xFEDCBA98;
	v5 =	vperm.xlane v2, v0  }
0x25: {  	v7 =	vimm.s32 $0x76543210;
	v3 =	vunpack.c.0.s8.s32 v3;
	v4 =	vunpack.c.0.s8.s32 v4  }
0x26: {  	v6 =	vunpack.c.l.s4.s8 v6;
	v1 =	vand.u32 $0xF, v1;
	v5 =	vmin.f32 v2, v5  }
0x27: {  	v2 =	vcombine.low v4, v3;
	v3 =	vunpack.c.l.s4.s8 v7;
	v4 =	vperm.xlane v5, v1  }
0x28: {  	v6 =	vunpack.c.0.s8.s32 v6  }
0x29: {  	v2 =	vand.u32 $0xF, v2;
	v3 =	vunpack.c.0.s8.s32 v3;
	v4 =	vmin.f32 v5, v4  }
0x2a: {  	v5 =	vand.u32 $0xF, v6;
	v6 =	vperm.xlane v4, v2  }
0x2b: {  	v3 =	vcombine.low v5, v3  }
0x2c: {  	v5 =	vmin.f32 v4, v6  }
0x2d: {  	v6 =	vperm.xlane v5, v3;
	_ =	sdelay $0x1  }
0x2e: {  	v4 =	vlaneseq.u32;
	v20 =	vmin.f32 v5, v6  }
0x2f: {  	v5 =	vadd.s32 $0x3C, v4;
	vm0 =	veq.f32 v32, v20  }
0x30: {  	v6 =	vadd.s32 $0x38, v4;
	vm1 =	veq.f32 v31, v20;
	v8 =	vnsel vm0, $0x7F, v5  }
0x31: {  	v7 =	vadd.s32 $0x34, v4;
	vm0 =	veq.f32 v29, v20;
	v9 =	vsel vm1, v6, v8  }
0x32: {  	v8 =	vor.u32 $0x30, v4;
	vm1 =	veq.f32 v28, v20;
	v10 =	vsel vm0, v7, v9  }
0x33: {  	v9 =	vadd.s32 $0x2C, v4;
	vm0 =	veq.f32 v25, v20;
	v11 =	vsel vm1, v8, v10  }
0x34: {  	v10 =	vadd.s32 $0x28, v4;
	vm1 =	veq.f32 v27, v20;
	v12 =	vsel vm0, v9, v11  }
0x35: {  	v11 =	vadd.s32 $0x24, v4;
	vm0 =	veq.f32 v24, v20;
	v13 =	vsel vm1, v10, v12  }
0x36: {  	v12 =	vor.u32 $0x20, v4;
	vm1 =	veq.f32 v22, v20;
	v14 =	vsel vm0, v11, v13  }
0x37: {  	v13 =	vadd.s32 $0x1C, v4;
	vm0 =	veq.f32 v23, v20;
	v15 =	vsel vm1, v12, v14  }
0x38: {  	v14 =	vadd.s32 $0x18, v4;
	vm1 =	veq.f32 v26, v20;
	v16 =	vsel vm0, v13, v15  }
0x39: {  	v15 =	vadd.s32 $0x14, v4;
	vm0 =	veq.f32 v30, v20;
	v17 =	vsel vm1, v14, v16  }
0x3a: {  	v16 =	vor.u32 $0x10, v4;
	vm1 =	veq.f32 v33, v20;
	v18 =	vsel vm0, v15, v17  }
0x3b: {  	v17 =	vadd.s32 $0xC, v4;
	vm0 =	veq.f32 v34, v20;
	v19 =	vsel vm1, v16, v18  }
0x3c: {  	v18 =	vadd.s32 $0x8, v4;
	vm1 =	veq.f32 v35, v20;
	v21 =	vsel vm0, v17, v19  }
0x3d: {  	v19 =	vadd.s32 $0x4, v4;
	vm0 =	veq.f32 v37, v20;
	v21 =	vsel vm1, v18, v21  }
0x3e: {  	vm1 =	veq.f32 v36, v20;
	v21 =	vsel vm0, v19, v21  }
0x3f: {  	v21 =	vsel vm1, v4, v21  }
0x40: {  	v38 =	vperm.xlane v21, v0;
	_ =	sdelay $0x1  }
0x41: {  	vm0 =	vlt.s32 v21, v38  }
0x42: {  	v21 =	vsel vm0, v21, v38  }
0x43: {  	v38 =	vperm.xlane v21, v1;
	_ =	sdelay $0x1  }
0x44: {  	vm0 =	vlt.s32 v21, v38  }
0x45: {  	v21 =	vsel vm0, v21, v38  }
0x46: {  	v38 =	vperm.xlane v21, v2;
	_ =	sdelay $0x1  }
0x47: {  	vm0 =	vlt.s32 v21, v38  }
0x48: {  	v21 =	vsel vm0, v21, v38  }
0x49: {  	v38 =	vperm.xlane v21, v3;
	_ =	sdelay $0x1  }
0x4a: {  	vm0 =	vlt.s32 v21, v38  }
0x4b: {  	v21 =	vsel vm0, v21, v38  }
0x4c: {  	vm0 =	veq.s32 v21, v4;
	vm1 =	veq.s32 v21, v19  }
0x4d: {  	v36 =	vsel vm0, $0x7F800000, v36;
	v37 =	vsel vm1, $0x7F800000, v37;
	vm0 =	veq.s32 v21, v18  }
0x4e: {  	v35 =	vsel vm0, $0x7F800000, v35;
	vm0 =	veq.s32 v21, v17;
	v42 =	vmin.f32 v36, v37  }
0x4f: {  	vm1 =	veq.s32 v21, v16;
	v34 =	vsel vm0, $0x7F800000, v34;
	v38 =	vmin.f32 v42, v35  }
0x50: {  	v33 =	vsel vm1, $0x7F800000, v33;
	vm0 =	veq.s32 v21, v15;
	v38 =	vmin.f32 v38, v34  }
0x51: {  	vm1 =	veq.s32 v21, v14;
	v30 =	vsel vm0, $0x7F800000, v30;
	v38 =	vmin.f32 v38, v33  }
0x52: {  	v26 =	vsel vm1, $0x7F800000, v26;
	vm0 =	veq.s32 v21, v13;
	v38 =	vmin.f32 v38, v30  }
0x53: {  	vm1 =	veq.s32 v21, v12;
	v39 =	vsel vm0, $0x7F800000, v23;
	v43 =	vmin.f32 v38, v26  }
0x54: {  	v44 =	vsel vm1, $0x7F800000, v22;
	vm0 =	veq.s32 v21, v11;
	v45 =	vmin.f32 v43, v39  }
0x55: {  	vm1 =	veq.s32 v21, v10;
	v24 =	vsel vm0, $0x7F800000, v24;
	v22 =	vmin.f32 v45, v44  }
0x56: {  	v27 =	vsel vm1, $0x7F800000, v27;
	vm0 =	veq.s32 v21, v9;
	v22 =	vmin.f32 v22, v24  }
0x57: {  	vm1 =	veq.s32 v21, v8;
	v25 =	vsel vm0, $0x7F800000, v25;
	v22 =	vmin.f32 v22, v27  }
0x58: {  	v28 =	vsel vm1, $0x7F800000, v28;
	vm0 =	veq.s32 v21, v7;
	v22 =	vmin.f32 v22, v25  }
0x59: {  	vm1 =	veq.s32 v21, v6;
	v29 =	vsel vm0, $0x7F800000, v29;
	v22 =	vmin.f32 v22, v28  }
0x5a: {  	v31 =	vsel vm1, $0x7F800000, v31;
	vm0 =	veq.s32 v21, v5;
	v22 =	vmin.f32 v22, v29  }
0x5b: {  	v32 =	vsel vm0, $0x7F800000, v32;
	v22 =	vmin.f32 v22, v31  }
0x5c: {  	v22 =	vmin.f32 v22, v32  }
0x5d: {  	v46 =	vperm.xlane v22, v0;
	_ =	sdelay $0x1  }
0x5e: {  	v22 =	vmin.f32 v22, v46  }
0x5f: {  	v23 =	vperm.xlane v22, v1;
	_ =	sdelay $0x1  }
0x60: {  	v22 =	vmin.f32 v22, v23  }
0x61: {  	v23 =	vperm.xlane v22, v2;
	_ =	sdelay $0x1  }
0x62: {  	v22 =	vmin.f32 v22, v23  }
0x63: {  	v23 =	vperm.xlane v22, v3;
	_ =	sdelay $0x1  }
0x64: {  	v22 =	vmin.f32 v22, v23  }
0x65: {  	vm0 =	veq.f32 v32, v22  }
0x66: {  	vm1 =	veq.f32 v31, v22;
	v47 =	vnsel vm0, $0x7F, v5  }
0x67: {  	vm0 =	veq.f32 v29, v22;
	v23 =	vsel vm1, v6, v47  }
0x68: {  	vm1 =	veq.f32 v28, v22;
	v23 =	vsel vm0, v7, v23  }
0x69: {  	vm0 =	veq.f32 v25, v22;
	v23 =	vsel vm1, v8, v23  }
0x6a: {  	vm1 =	veq.f32 v27, v22;
	v23 =	vsel vm0, v9, v23  }
0x6b: {  	vm0 =	veq.f32 v24, v22;
	v23 =	vsel vm1, v10, v23  }
0x6c: {  	vm1 =	veq.f32 v44, v22;
	v23 =	vsel vm0, v11, v23  }
0x6d: {  	vm0 =	veq.f32 v39, v22;
	v23 =	vsel vm1, v12, v23  }
0x6e: {  	vm1 =	veq.f32 v26, v22;
	v23 =	vsel vm0, v13, v23  }
0x6f: {  	vm0 =	veq.f32 v30, v22;
	v23 =	vsel vm1, v14, v23  }
0x70: {  	vm1 =	veq.f32 v33, v22;
	v23 =	vsel vm0, v15, v23  }
0x71: {  	vm0 =	veq.f32 v34, v22;
	v23 =	vsel vm1, v16, v23  }
0x72: {  	vm1 =	veq.f32 v35, v22;
	v23 =	vsel vm0, v17, v23  }
0x73: {  	vm0 =	veq.f32 v37, v22;
	v23 =	vsel vm1, v18, v23  }
0x74: {  	vm1 =	veq.f32 v36, v22;
	v23 =	vsel vm0, v19, v23  }
0x75: {  	v23 =	vsel vm1, v4, v23  }
0x76: {  	v40 =	vperm.xlane v23, v0;
	_ =	sdelay $0x1  }
0x77: {  	vm0 =	vlt.s32 v23, v40  }
0x78: {  	v23 =	vsel vm0, v23, v40  }
0x79: {  	v40 =	vperm.xlane v23, v1;
	_ =	sdelay $0x1  }
0x7a: {  	vm0 =	vlt.s32 v23, v40  }
0x7b: {  	v23 =	vsel vm0, v23, v40  }
0x7c: {  	v40 =	vperm.xlane v23, v2;
	_ =	sdelay $0x1  }
0x7d: {  	vm0 =	vlt.s32 v23, v40  }
0x7e: {  	v23 =	vsel vm0, v23, v40  }
0x7f: {  	v40 =	vperm.xlane v23, v3;
	_ =	sdelay $0x1  }
0x80: {  	vm0 =	vlt.s32 v23, v40  }
0x81: {  	v23 =	vsel vm0, v23, v40  }
0x82: {  	vm0 =	veq.s32 v23, v4;
	vm1 =	veq.s32 v23, v19  }
0x83: {  	vm2 =	veq.s32 v23, v18;
	v36 =	vsel vm0, $0x7F800000, v36;
	v37 =	vsel vm1, $0x7F800000, v37  }
0x84: {  	v35 =	vsel vm2, $0x7F800000, v35;
	vm0 =	veq.s32 v23, v17;
	v48 =	vmin.f32 v36, v37  }
0x85: {  	vm1 =	veq.s32 v23, v16;
	v34 =	vsel vm0, $0x7F800000, v34;
	v40 =	vmin.f32 v48, v35  }
0x86: {  	v33 =	vsel vm1, $0x7F800000, v33;
	vm0 =	veq.s32 v23, v15;
	v40 =	vmin.f32 v40, v34  }
0x87: {  	vm1 =	veq.s32 v23, v14;
	v30 =	vsel vm0, $0x7F800000, v30;
	v40 =	vmin.f32 v40, v33  }
0x88: {  	v26 =	vsel vm1, $0x7F800000, v26;
	vm0 =	veq.s32 v23, v13;
	v40 =	vmin.f32 v40, v30  }
0x89: {  	vm1 =	veq.s32 v23, v12;
	v39 =	vsel vm0, $0x7F800000, v39;
	v40 =	vmin.f32 v40, v26  }
0x8a: {  	v38 =	vsel vm1, $0x7F800000, v44;
	vm0 =	veq.s32 v23, v11;
	v40 =	vmin.f32 v40, v39  }
0x8b: {  	vm1 =	veq.s32 v23, v10;
	v41 =	vsel vm0, $0x7F800000, v24;
	v49 =	vmin.f32 v40, v38  }
0x8c: {  	vm0 =	veq.s32 v23, v9;
	v27 =	vsel vm1, $0x7F800000, v27;
	v24 =	vmin.f32 v49, v41  }
0x8d: {  	vm1 =	veq.s32 v23, v8;
	v50 =	vsel vm0, $0x7F800000, v25;
	v24 =	vmin.f32 v24, v27  }
0x8e: {  	vm0 =	veq.s32 v23, v7;
	v28 =	vsel vm1, $0x7F800000, v28;
	v24 =	vmin.f32 v24, v50  }
0x8f: {  	vm1 =	veq.s32 v23, v6;
	v29 =	vsel vm0, $0x7F800000, v29;
	v24 =	vmin.f32 v24, v28  }
0x90: {  	vm0 =	veq.s32 v23, v5;
	v31 =	vsel vm1, $0x7F800000, v31;
	v24 =	vmin.f32 v24, v29  }
0x91: {  	v32 =	vsel vm0, $0x7F800000, v32;
	v24 =	vmin.f32 v24, v31  }
0x92: {  	v24 =	vmin.f32 v24, v32  }
0x93: {  	v51 =	vperm.xlane v24, v0;
	_ =	sdelay $0x1  }
0x94: {  	v24 =	vmin.f32 v24, v51  }
0x95: {  	v25 =	vperm.xlane v24, v1;
	_ =	sdelay $0x1  }
0x96: {  	v24 =	vmin.f32 v24, v25  }
0x97: {  	v25 =	vperm.xlane v24, v2;
	_ =	sdelay $0x1  }
0x98: {  	v24 =	vmin.f32 v24, v25  }
0x99: {  	v25 =	vperm.xlane v24, v3;
	_ =	sdelay $0x1  }
0x9a: {  	v24 =	vmin.f32 v24, v25  }
0x9b: {  	vm0 =	veq.f32 v32, v24  }
0x9c: {  	vm1 =	veq.f32 v31, v24;
	v52 =	vnsel vm0, $0x7F, v5  }
0x9d: {  	vm0 =	veq.f32 v29, v24;
	v25 =	vsel vm1, v6, v52  }
0x9e: {  	vm1 =	veq.f32 v28, v24;
	v25 =	vsel vm0, v7, v25  }
0x9f: {  	vm0 =	veq.f32 v50, v24;
	v25 =	vsel vm1, v8, v25  }
0xa0: {  	vm1 =	veq.f32 v27, v24;
	v25 =	vsel vm0, v9, v25  }
0xa1: {  	vm0 =	veq.f32 v41, v24;
	v25 =	vsel vm1, v10, v25  }
0xa2: {  	vm1 =	veq.f32 v38, v24;
	v25 =	vsel vm0, v11, v25  }
0xa3: {  	vm0 =	veq.f32 v39, v24;
	v25 =	vsel vm1, v12, v25  }
0xa4: {  	vm1 =	veq.f32 v26, v24;
	v25 =	vsel vm0, v13, v25  }
0xa5: {  	vm0 =	veq.f32 v30, v24;
	v25 =	vsel vm1, v14, v25  }
0xa6: {  	vm1 =	veq.f32 v33, v24;
	v25 =	vsel vm0, v15, v25  }
0xa7: {  	vm0 =	veq.f32 v34, v24;
	v25 =	vsel vm1, v16, v25  }
0xa8: {  	vm1 =	veq.f32 v35, v24;
	v25 =	vsel vm0, v17, v25  }
0xa9: {  	vm0 =	veq.f32 v37, v24;
	v25 =	vsel vm1, v18, v25  }
0xaa: {  	vm1 =	veq.f32 v36, v24;
	v25 =	vsel vm0, v19, v25  }
0xab: {  	v25 =	vsel vm1, v4, v25  }
0xac: {  	v42 =	vperm.xlane v25, v0;
	_ =	sdelay $0x1  }
0xad: {  	vm0 =	vlt.s32 v25, v42  }
0xae: {  	v25 =	vsel vm0, v25, v42  }
0xaf: {  	v42 =	vperm.xlane v25, v1;
	_ =	sdelay $0x1  }
0xb0: {  	vm0 =	vlt.s32 v25, v42  }
0xb1: {  	v25 =	vsel vm0, v25, v42  }
0xb2: {  	v42 =	vperm.xlane v25, v2;
	_ =	sdelay $0x1  }
0xb3: {  	vm0 =	vlt.s32 v25, v42  }
0xb4: {  	v25 =	vsel vm0, v25, v42  }
0xb5: {  	v42 =	vperm.xlane v25, v3;
	_ =	sdelay $0x1  }
0xb6: {  	vm0 =	vlt.s32 v25, v42  }
0xb7: {  	v25 =	vsel vm0, v25, v42  }
0xb8: {  	vm0 =	veq.s32 v25, v4;
	vm1 =	veq.s32 v25, v19  }
0xb9: {  	vm2 =	veq.s32 v25, v18;
	v36 =	vsel vm0, $0x7F800000, v36;
	v37 =	vsel vm1, $0x7F800000, v37  }
0xba: {  	v35 =	vsel vm2, $0x7F800000, v35;
	vm0 =	veq.s32 v25, v17;
	v53 =	vmin.f32 v36, v37  }
0xbb: {  	vm1 =	veq.s32 v25, v16;
	v34 =	vsel vm0, $0x7F800000, v34;
	v42 =	vmin.f32 v53, v35  }
0xbc: {  	v33 =	vsel vm1, $0x7F800000, v33;
	vm0 =	veq.s32 v25, v15;
	v42 =	vmin.f32 v42, v34  }
0xbd: {  	vm1 =	veq.s32 v25, v14;
	v30 =	vsel vm0, $0x7F800000, v30;
	v42 =	vmin.f32 v42, v33  }
0xbe: {  	v43 =	vsel vm1, $0x7F800000, v26;
	vm0 =	veq.s32 v25, v13;
	v54 =	vmin.f32 v42, v30  }
0xbf: {  	vm1 =	veq.s32 v25, v12;
	v39 =	vsel vm0, $0x7F800000, v39;
	v26 =	vmin.f32 v54, v43  }
0xc0: {  	v38 =	vsel vm1, $0x7F800000, v38;
	vm0 =	veq.s32 v25, v11;
	v26 =	vmin.f32 v26, v39  }
0xc1: {  	vm1 =	veq.s32 v25, v10;
	v41 =	vsel vm0, $0x7F800000, v41;
	v26 =	vmin.f32 v26, v38  }
0xc2: {  	vm0 =	veq.s32 v25, v9;
	v27 =	vsel vm1, $0x7F800000, v27;
	v26 =	vmin.f32 v26, v41  }
0xc3: {  	vm1 =	veq.s32 v25, v8;
	v40 =	vsel vm0, $0x7F800000, v50;
	v26 =	vmin.f32 v26, v27  }
0xc4: {  	vm0 =	veq.s32 v25, v7;
	v28 =	vsel vm1, $0x7F800000, v28;
	v26 =	vmin.f32 v26, v40  }
0xc5: {  	vm1 =	veq.s32 v25, v6;
	v29 =	vsel vm0, $0x7F800000, v29;
	v26 =	vmin.f32 v26, v28  }
0xc6: {  	vm0 =	veq.s32 v25, v5;
	v31 =	vsel vm1, $0x7F800000, v31;
	v26 =	vmin.f32 v26, v29  }
0xc7: {  	v32 =	vsel vm0, $0x7F800000, v32;
	v26 =	vmin.f32 v26, v31  }
0xc8: {  	v26 =	vmin.f32 v26, v32  }
0xc9: {  	v55 =	vperm.xlane v26, v0;
	_ =	sdelay $0x1  }
0xca: {  	v26 =	vmin.f32 v26, v55  }
0xcb: {  	v42 =	vperm.xlane v26, v1;
	_ =	sdelay $0x1  }
0xcc: {  	v26 =	vmin.f32 v26, v42  }
0xcd: {  	v42 =	vperm.xlane v26, v2;
	_ =	sdelay $0x1  }
0xce: {  	v26 =	vmin.f32 v26, v42  }
0xcf: {  	v42 =	vperm.xlane v26, v3;
	_ =	sdelay $0x1  }
0xd0: {  	v26 =	vmin.f32 v26, v42  }
0xd1: {  	vm0 =	veq.f32 v32, v26  }
0xd2: {  	vm1 =	veq.f32 v31, v26;
	v56 =	vnsel vm0, $0x7F, v5  }
0xd3: {  	vm0 =	veq.f32 v29, v26;
	v42 =	vsel vm1, v6, v56  }
0xd4: {  	vm1 =	veq.f32 v28, v26;
	v42 =	vsel vm0, v7, v42  }
0xd5: {  	vm0 =	veq.f32 v40, v26;
	v42 =	vsel vm1, v8, v42  }
0xd6: {  	vm1 =	veq.f32 v27, v26;
	v42 =	vsel vm0, v9, v42  }
0xd7: {  	vm0 =	veq.f32 v41, v26;
	v42 =	vsel vm1, v10, v42  }
0xd8: {  	vm1 =	veq.f32 v38, v26;
	v42 =	vsel vm0, v11, v42  }
0xd9: {  	vm0 =	veq.f32 v39, v26;
	v42 =	vsel vm1, v12, v42  }
0xda: {  	vm1 =	veq.f32 v43, v26;
	v42 =	vsel vm0, v13, v42  }
0xdb: {  	vm0 =	veq.f32 v30, v26;
	v42 =	vsel vm1, v14, v42  }
0xdc: {  	vm1 =	veq.f32 v33, v26;
	v42 =	vsel vm0, v15, v42  }
0xdd: {  	vm0 =	veq.f32 v34, v26;
	v42 =	vsel vm1, v16, v42  }
0xde: {  	vm1 =	veq.f32 v35, v26;
	v42 =	vsel vm0, v17, v42  }
0xdf: {  	vm0 =	veq.f32 v37, v26;
	v42 =	vsel vm1, v18, v42  }
0xe0: {  	vm1 =	veq.f32 v36, v26;
	v42 =	vsel vm0, v19, v42  }
0xe1: {  	v42 =	vsel vm1, v4, v42  }
0xe2: {  	v44 =	vperm.xlane v42, v0;
	_ =	sdelay $0x1  }
0xe3: {  	vm0 =	vlt.s32 v42, v44  }
0xe4: {  	v42 =	vsel vm0, v42, v44  }
0xe5: {  	v44 =	vperm.xlane v42, v1;
	_ =	sdelay $0x1  }
0xe6: {  	vm0 =	vlt.s32 v42, v44  }
0xe7: {  	v42 =	vsel vm0, v42, v44  }
0xe8: {  	v44 =	vperm.xlane v42, v2;
	_ =	sdelay $0x1  }
0xe9: {  	vm0 =	vlt.s32 v42, v44  }
0xea: {  	v42 =	vsel vm0, v42, v44  }
0xeb: {  	v44 =	vperm.xlane v42, v3;
	_ =	sdelay $0x1  }
0xec: {  	vm0 =	vlt.s32 v42, v44  }
0xed: {  	v42 =	vsel vm0, v42, v44  }
0xee: {  	vm0 =	veq.s32 v42, v4;
	vm1 =	veq.s32 v42, v19  }
0xef: {  	vm2 =	veq.s32 v42, v18;
	v36 =	vsel vm0, $0x7F800000, v36;
	v37 =	vsel vm1, $0x7F800000, v37  }
0xf0: {  	v35 =	vsel vm2, $0x7F800000, v35;
	vm0 =	veq.s32 v42, v17;
	v57 =	vmin.f32 v36, v37  }
0xf1: {  	vm1 =	veq.s32 v42, v16;
	v34 =	vsel vm0, $0x7F800000, v34;
	v44 =	vmin.f32 v57, v35  }
0xf2: {  	v33 =	vsel vm1, $0x7F800000, v33;
	vm0 =	veq.s32 v42, v15;
	v44 =	vmin.f32 v44, v34  }
0xf3: {  	vm1 =	veq.s32 v42, v14;
	v30 =	vsel vm0, $0x7F800000, v30;
	v44 =	vmin.f32 v44, v33  }
0xf4: {  	v43 =	vsel vm1, $0x7F800000, v43;
	vm0 =	veq.s32 v42, v13;
	v44 =	vmin.f32 v44, v30  }
0xf5: {  	vm1 =	veq.s32 v42, v12;
	v39 =	vsel vm0, $0x7F800000, v39;
	v44 =	vmin.f32 v44, v43  }
0xf6: {  	v38 =	vsel vm1, $0x7F800000, v38;
	vm0 =	veq.s32 v42, v11;
	v44 =	vmin.f32 v44, v39  }
0xf7: {  	vm1 =	veq.s32 v42, v10;
	v41 =	vsel vm0, $0x7F800000, v41;
	v44 =	vmin.f32 v44, v38  }
0xf8: {  	vm0 =	veq.s32 v42, v9;
	v27 =	vsel vm1, $0x7F800000, v27;
	v44 =	vmin.f32 v44, v41  }
0xf9: {  	vm1 =	veq.s32 v42, v8;
	v40 =	vsel vm0, $0x7F800000, v40;
	v44 =	vmin.f32 v44, v27  }
0xfa: {  	vm0 =	veq.s32 v42, v7;
	v28 =	vsel vm1, $0x7F800000, v28;
	v44 =	vmin.f32 v44, v40  }
0xfb: {  	vm1 =	veq.s32 v42, v6;
	v29 =	vsel vm0, $0x7F800000, v29;
	v44 =	vmin.f32 v44, v28  }
0xfc: {  	vm0 =	veq.s32 v42, v5;
	v31 =	vsel vm1, $0x7F800000, v31;
	v44 =	vmin.f32 v44, v29  }
0xfd: {  	v32 =	vsel vm0, $0x7F800000, v32;
	v44 =	vmin.f32 v44, v31  }
0xfe: {  	v44 =	vmin.f32 v44, v32  }
0xff: {  	v45 =	vperm.xlane v44, v0;
	_ =	sdelay $0x1  }
0x100: {  	v44 =	vmin.f32 v44, v45  }
0x101: {  	v45 =	vperm.xlane v44, v1;
	_ =	sdelay $0x1  }
0x102: {  	v44 =	vmin.f32 v44, v45  }
0x103: {  	v45 =	vperm.xlane v44, v2;
	_ =	sdelay $0x1  }
0x104: {  	v44 =	vmin.f32 v44, v45  }
0x105: {  	v45 =	vperm.xlane v44, v3;
	_ =	sdelay $0x1  }
0x106: {  	v44 =	vmin.f32 v44, v45  }
0x107: {  	vm0 =	veq.f32 v32, v44  }
0x108: {  	vm1 =	veq.f32 v31, v44;
	v58 =	vnsel vm0, $0x7F, v5  }
0x109: {  	vm0 =	veq.f32 v29, v44;
	v59 =	vsel vm1, v6, v58  }
0x10a: {  	vm1 =	veq.f32 v28, v44;
	v60 =	vsel vm0, v7, v59  }
0x10b: {  	vm0 =	veq.f32 v40, v44;
	v28 =	vsel vm1, v8, v60  }
0x10c: {  	vm1 =	veq.f32 v27, v44;
	v61 =	vsel vm0, v9, v28  }
0x10d: {  	vm0 =	veq.f32 v41, v44;
	v27 =	vsel vm1, v10, v61  }
0x10e: {  	vm1 =	veq.f32 v38, v44;
	v27 =	vsel vm0, v11, v27  }
0x10f: {  	vm0 =	veq.f32 v39, v44;
	v27 =	vsel vm1, v12, v27  }
0x110: {  	vm1 =	veq.f32 v43, v44;
	v27 =	vsel vm0, v13, v27  }
0x111: {  	vm0 =	veq.f32 v30, v44;
	v27 =	vsel vm1, v14, v27  }
0x112: {  	vm1 =	veq.f32 v33, v44;
	v27 =	vsel vm0, v15, v27  }
0x113: {  	vm0 =	veq.f32 v34, v44;
	v27 =	vsel vm1, v16, v27  }
0x114: {  	vm1 =	veq.f32 v35, v44;
	v27 =	vsel vm0, v17, v27  }
0x115: {  	vm0 =	veq.f32 v37, v44;
	v27 =	vsel vm1, v18, v27  }
0x116: {  	vm1 =	veq.f32 v36, v44;
	v27 =	vsel vm0, v19, v27  }
0x117: {  	v27 =	vsel vm1, v4, v27  }
0x118: {  	v62 =	vperm.xlane v27, v0;
	_ =	sdelay $0x1  }
0x119: {  	vm0 =	vlt.s32 v27, v62  }
0x11a: {  	v27 =	vsel vm0, v27, v62  }
0x11b: {  	v28 =	vperm.xlane v27, v1;
	_ =	sdelay $0x1  }
0x11c: {  	vm0 =	vlt.s32 v27, v28  }
0x11d: {  	v27 =	vsel vm0, v27, v28  }
0x11e: {  	v28 =	vperm.xlane v27, v2  }
0x11f: {  	vm2 =	vcmask $0x714  }
0x120: {  	vm1 =	vcmask $0x314;
	vm0 =	vmmov $0x1;
	vm4 =	vlt.s32 v27, v28  }
0x121: {  	v20 =	vnsel vm0, $0x0, v20;
	v21 =	vnsel vm0, $0x0, v21;
	v27 =	vsel vm4, v27, v28  }
0x122: {  	v20 =	vsel vm1, v20, v22;
	v21 =	vsel vm1, v21, v23;
	v63 =	vperm.xlane v27, v3  }
0x123: {  	vm3 =	vcmask $0xB14;
	v20 =	vsel vm2, v20, v24;
	v21 =	vsel vm2, v21, v25  }
0x124: {  	s8 =	ssub.s32 $0x2, s8;
	vm4 =	vcmask $0xF14;
	v20 =	vsel vm3, v20, v26;
	vm5 =	vlt.s32 v27, v63  }
0x125: {  	s9 =	sshrl.u32 s8, $0x1;
	v21 =	vsel vm3, v21, v42;
	v20 =	vsel vm4, v20, v44;
	v22 =	vsel vm5, v27, v63  }
0x126: {  	s9 =	ssub.s32 s8, s9;
	[tilespmem:$0x880] =	vst v20;
	v20 =	vsel vm4, v21, v22  }
0x127: {  	s6 =	simm.s32 $0x800;
	p0 =	sne.s32 s9, $0x1;
	[tilespmem:$0x800] =	vst v20  }
0x128: {  	[hbm4b:s3+s5] =	stream.linear.scatter [tilespmem:s6], [sflag:$0x1], $0x80, $0x38;
	[tilespmem:$0x900] =	vst v63  }
.Ltmp1:
0x129: {  	_ = 	snop;
	(pc) =	sbr.rel @!p0 .LBB2_3-.Ltmp1, $4  }
0x12a: {  	_ =	swait.ge [sflag:s4], $0x80  }
0x12b: {  	s7 =	sadd.s32 $0x200, s7;
	[sflag:s4] =	ssyncset.done $0x0  }
0x12c: {  	s8 =	simm.s32 $0x880;
	s9 =	sadd.s32 $0xFFFFFFFF, s9;
	[sflag:s4] =	ssyncadd.s32 $0xFFFFFF80  }
0x12d: {  	[hbm4b:s7+s5] =	stream.linear.scatter [tilespmem:s8], [sflag:$0x1], $0x80, $0x38;
	[tilespmem:$0x900] =	vst v63  }
.LBB2_2:
0x12e: {  	p0 =	sne.s32 s9, $0x1;
	s9 =	sadd.s32 $0xFFFFFFFF, s9;
	_ =	swait.ge [sflag:s4], $0x80  }
0x12f: {  	[sflag:s4] =	ssyncset.done $0x0  }
0x130: {  	[sflag:s4] =	ssyncadd.s32 $0xFFFFFF80  }
0x131: {  	[tilespmem:s5], [sflag:$0x1] =	stream.linear.gather [hbm4b:s2+s5], $0x800, $0x38;
	[tilespmem:$0x900] =	vst v63  }
0x132: {  	_ =	swait.ge [sflag:s4], $0x800  }
0x133: {  	[sflag:s4] =	ssyncset.done $0x0  }
0x134: {  	[sflag:s4] =	ssyncadd.s32 $0xFFFFF800  }
0x135: {  	v34 =	vld [tilespmem:$0x100]  }
0x136: {  	v32 =	vld [tilespmem:$0x0]  }
0x137: {  	v33 =	vld [tilespmem:$0x80];
	_ =	sdelay $0x1  }
0x138: {  	v38 =	vld [tilespmem:$0x180]  }
0x139: {  	v37 =	vld [tilespmem:$0x200]  }
0x13a: {  	v35 =	vld [tilespmem:$0x280]  }
0x13b: {  	v31 =	vld [tilespmem:$0x300];
	v20 =	vmin.f32 v32, v33  }
0x13c: {  	v30 =	vld [tilespmem:$0x380];
	v20 =	vmin.f32 v20, v34  }
0x13d: {  	v29 =	vld [tilespmem:$0x400];
	v20 =	vmin.f32 v20, v38  }
0x13e: {  	v28 =	vld [tilespmem:$0x480];
	v20 =	vmin.f32 v20, v37  }
0x13f: {  	v27 =	vld [tilespmem:$0x500];
	v20 =	vmin.f32 v20, v35  }
0x140: {  	v26 =	vld [tilespmem:$0x580];
	v20 =	vmin.f32 v20, v31  }
0x141: {  	v25 =	vld [tilespmem:$0x600];
	v20 =	vmin.f32 v20, v30  }
0x142: {  	v24 =	vld [tilespmem:$0x680];
	v20 =	vmin.f32 v20, v29  }
0x143: {  	v22 =	vld [tilespmem:$0x700];
	v20 =	vmin.f32 v20, v28  }
0x144: {  	v23 =	vld [tilespmem:$0x780];
	v20 =	vmin.f32 v20, v27  }
0x145: {  	v20 =	vmin.f32 v20, v26  }
0x146: {  	v20 =	vmin.f32 v20, v25  }
0x147: {  	v20 =	vmin.f32 v20, v24  }
0x148: {  	v20 =	vmin.f32 v20, v22  }
0x149: {  	v20 =	vmin.f32 v20, v23  }
0x14a: {  	v21 =	vperm.xlane v20, v0;
	_ =	sdelay $0x1  }
0x14b: {  	v20 =	vmin.f32 v20, v21  }
0x14c: {  	v21 =	vperm.xlane v20, v1;
	_ =	sdelay $0x1  }
0x14d: {  	v20 =	vmin.f32 v20, v21  }
0x14e: {  	v21 =	vperm.xlane v20, v2;
	_ =	sdelay $0x1  }
0x14f: {  	v20 =	vmin.f32 v20, v21  }
0x150: {  	v21 =	vperm.xlane v20, v3;
	_ =	sdelay $0x1  }
0x151: {  	v21 =	vmin.f32 v20, v21  }
0x152: {  	vm5 =	veq.f32 v31, v21;
	vm7 =	veq.f32 v22, v21;
	vm8 =	veq.f32 v23, v21  }
0x153: {  	vm6 =	veq.f32 v35, v21;
	vm9 =	veq.f32 v24, v21;
	v20 =	vnsel vm8, $0x7F, v5  }
0x154: {  	vm10 =	veq.f32 v25, v21;
	vm8 =	veq.f32 v37, v21;
	v20 =	vsel vm7, v6, v20  }
0x155: {  	vm11 =	veq.f32 v26, v21;
	vm7 =	veq.f32 v38, v21;
	v20 =	vsel vm9, v7, v20  }
0x156: {  	vm12 =	veq.f32 v27, v21;
	vm9 =	veq.f32 v34, v21;
	v20 =	vsel vm10, v8, v20  }
0x157: {  	vm13 =	veq.f32 v28, v21;
	vm10 =	veq.f32 v33, v21;
	v20 =	vsel vm11, v9, v20  }
0x158: {  	vm14 =	veq.f32 v29, v21;
	vm11 =	veq.f32 v32, v21;
	v20 =	vsel vm12, v10, v20  }
0x159: {  	vm12 =	veq.f32 v30, v21;
	v20 =	vsel vm13, v11, v20  }
0x15a: {  	v20 =	vsel vm14, v12, v20  }
0x15b: {  	v20 =	vsel vm12, v13, v20  }
0x15c: {  	v20 =	vsel vm5, v14, v20  }
0x15d: {  	v20 =	vsel vm6, v15, v20  }
0x15e: {  	v20 =	vsel vm8, v16, v20  }
0x15f: {  	v20 =	vsel vm7, v17, v20  }
0x160: {  	v20 =	vsel vm9, v18, v20  }
0x161: {  	v20 =	vsel vm10, v19, v20  }
0x162: {  	v20 =	vsel vm11, v4, v20  }
0x163: {  	v36 =	vperm.xlane v20, v0;
	_ =	sdelay $0x1  }
0x164: {  	vm5 =	vlt.s32 v20, v36  }
0x165: {  	v20 =	vsel vm5, v20, v36  }
0x166: {  	v36 =	vperm.xlane v20, v1;
	_ =	sdelay $0x1  }
0x167: {  	vm5 =	vlt.s32 v20, v36  }
0x168: {  	v20 =	vsel vm5, v20, v36  }
0x169: {  	v36 =	vperm.xlane v20, v2;
	_ =	sdelay $0x1  }
0x16a: {  	vm5 =	vlt.s32 v20, v36  }
0x16b: {  	v20 =	vsel vm5, v20, v36  }
0x16c: {  	v36 =	vperm.xlane v20, v3;
	_ =	sdelay $0x1  }
0x16d: {  	vm5 =	vlt.s32 v20, v36  }
0x16e: {  	v20 =	vsel vm5, v20, v36  }
0x16f: {  	vm5 =	veq.s32 v20, v4;
	vm6 =	veq.s32 v20, v19;
	vm7 =	veq.s32 v20, v16  }
0x170: {  	v32 =	vsel vm5, $0x7F800000, v32;
	v33 =	vsel vm6, $0x7F800000, v33;
	vm5 =	veq.s32 v20, v18  }
0x171: {  	v36 =	vsel vm5, $0x7F800000, v34;
	vm5 =	veq.s32 v20, v17;
	v39 =	vmin.f32 v32, v33  }
0x172: {  	v34 =	vsel vm5, $0x7F800000, v38;
	vm5 =	veq.s32 v20, v15;
	v38 =	vmin.f32 v39, v36  }
0x173: {  	v37 =	vsel vm7, $0x7F800000, v37;
	vm6 =	veq.s32 v20, v14;
	v38 =	vmin.f32 v38, v34  }
0x174: {  	v35 =	vsel vm5, $0x7F800000, v35;
	vm5 =	veq.s32 v20, v13;
	v39 =	vmin.f32 v38, v37  }
0x175: {  	v38 =	vsel vm6, $0x7F800000, v31;
	vm6 =	veq.s32 v20, v12;
	v31 =	vmin.f32 v39, v35  }
0x176: {  	v30 =	vsel vm5, $0x7F800000, v30;
	vm5 =	veq.s32 v20, v11;
	v31 =	vmin.f32 v31, v38  }
0x177: {  	v39 =	vsel vm6, $0x7F800000, v29;
	vm6 =	veq.s32 v20, v10;
	v29 =	vmin.f32 v31, v30  }
0x178: {  	v28 =	vsel vm5, $0x7F800000, v28;
	vm5 =	veq.s32 v20, v9;
	v29 =	vmin.f32 v29, v39  }
0x179: {  	v27 =	vsel vm6, $0x7F800000, v27;
	vm6 =	veq.s32 v20, v8;
	v29 =	vmin.f32 v29, v28  }
0x17a: {  	v26 =	vsel vm5, $0x7F800000, v26;
	vm5 =	veq.s32 v20, v7;
	v29 =	vmin.f32 v29, v27  }
0x17b: {  	v25 =	vsel vm6, $0x7F800000, v25;
	vm6 =	veq.s32 v20, v6;
	v29 =	vmin.f32 v29, v26  }
0x17c: {  	v24 =	vsel vm5, $0x7F800000, v24;
	vm5 =	veq.s32 v20, v5;
	v31 =	vmin.f32 v29, v25  }
0x17d: {  	v29 =	vsel vm6, $0x7F800000, v22;
	v22 =	vmin.f32 v31, v24  }
0x17e: {  	v31 =	vsel vm5, $0x7F800000, v23;
	v22 =	vmin.f32 v22, v29  }
0x17f: {  	v22 =	vmin.f32 v22, v31  }
0x180: {  	v23 =	vperm.xlane v22, v0;
	_ =	sdelay $0x1  }
0x181: {  	v22 =	vmin.f32 v22, v23  }
0x182: {  	v23 =	vperm.xlane v22, v1;
	_ =	sdelay $0x1  }
0x183: {  	v22 =	vmin.f32 v22, v23  }
0x184: {  	v23 =	vperm.xlane v22, v2;
	_ =	sdelay $0x1  }
0x185: {  	v22 =	vmin.f32 v22, v23  }
0x186: {  	v23 =	vperm.xlane v22, v3;
	_ =	sdelay $0x1  }
0x187: {  	v23 =	vmin.f32 v22, v23  }
0x188: {  	vm5 =	veq.f32 v30, v23;
	vm6 =	veq.f32 v39, v23;
	vm7 =	veq.f32 v31, v23  }
0x189: {  	vm8 =	veq.f32 v38, v23;
	vm9 =	veq.f32 v29, v23;
	v22 =	vnsel vm7, $0x7F, v5  }
0x18a: {  	vm10 =	veq.f32 v24, v23;
	vm7 =	veq.f32 v35, v23;
	v22 =	vsel vm9, v6, v22  }
0x18b: {  	vm11 =	veq.f32 v25, v23;
	vm9 =	veq.f32 v37, v23;
	v22 =	vsel vm10, v7, v22  }
0x18c: {  	vm12 =	veq.f32 v26, v23;
	vm10 =	veq.f32 v34, v23;
	v22 =	vsel vm11, v8, v22  }
0x18d: {  	vm13 =	veq.f32 v27, v23;
	vm11 =	veq.f32 v36, v23;
	v22 =	vsel vm12, v9, v22  }
0x18e: {  	vm14 =	veq.f32 v28, v23;
	vm12 =	veq.f32 v33, v23;
	v22 =	vsel vm13, v10, v22  }
0x18f: {  	vm13 =	veq.f32 v32, v23;
	v22 =	vsel vm14, v11, v22  }
0x190: {  	v22 =	vsel vm6, v12, v22  }
0x191: {  	v22 =	vsel vm5, v13, v22  }
0x192: {  	v22 =	vsel vm8, v14, v22  }
0x193: {  	v22 =	vsel vm7, v15, v22  }
0x194: {  	v22 =	vsel vm9, v16, v22  }
0x195: {  	v22 =	vsel vm10, v17, v22  }
0x196: {  	v22 =	vsel vm11, v18, v22  }
0x197: {  	v22 =	vsel vm12, v19, v22  }
0x198: {  	v22 =	vsel vm13, v4, v22  }
0x199: {  	v40 =	vperm.xlane v22, v0;
	_ =	sdelay $0x1  }
0x19a: {  	vm5 =	vlt.s32 v22, v40  }
0x19b: {  	v22 =	vsel vm5, v22, v40  }
0x19c: {  	v40 =	vperm.xlane v22, v1;
	_ =	sdelay $0x1  }
0x19d: {  	vm5 =	vlt.s32 v22, v40  }
0x19e: {  	v22 =	vsel vm5, v22, v40  }
0x19f: {  	v40 =	vperm.xlane v22, v2;
	_ =	sdelay $0x1  }
0x1a0: {  	vm5 =	vlt.s32 v22, v40  }
0x1a1: {  	v22 =	vsel vm5, v22, v40  }
0x1a2: {  	v40 =	vperm.xlane v22, v3;
	_ =	sdelay $0x1  }
0x1a3: {  	vm5 =	vlt.s32 v22, v40  }
0x1a4: {  	v22 =	vsel vm5, v22, v40  }
0x1a5: {  	vm5 =	veq.s32 v22, v4;
	vm6 =	veq.s32 v22, v19;
	vm7 =	veq.s32 v22, v18  }
0x1a6: {  	v32 =	vsel vm5, $0x7F800000, v32;
	v33 =	vsel vm6, $0x7F800000, v33;
	v36 =	vsel vm7, $0x7F800000, v36  }
0x1a7: {  	vm5 =	veq.s32 v22, v17;
	vm6 =	veq.s32 v22, v16;
	v40 =	vmin.f32 v32, v33  }
0x1a8: {  	v34 =	vsel vm5, $0x7F800000, v34;
	v37 =	vsel vm6, $0x7F800000, v37;
	v40 =	vmin.f32 v40, v36  }
0x1a9: {  	vm5 =	veq.s32 v22, v15;
	vm6 =	veq.s32 v22, v14;
	v40 =	vmin.f32 v40, v34  }
0x1aa: {  	v35 =	vsel vm5, $0x7F800000, v35;
	v38 =	vsel vm6, $0x7F800000, v38;
	v40 =	vmin.f32 v40, v37  }
0x1ab: {  	vm5 =	veq.s32 v22, v13;
	vm6 =	veq.s32 v22, v12;
	v40 =	vmin.f32 v40, v35  }
0x1ac: {  	v30 =	vsel vm5, $0x7F800000, v30;
	v39 =	vsel vm6, $0x7F800000, v39;
	v40 =	vmin.f32 v40, v38  }
0x1ad: {  	vm5 =	veq.s32 v22, v11;
	vm6 =	veq.s32 v22, v10;
	v40 =	vmin.f32 v40, v30  }
0x1ae: {  	v28 =	vsel vm5, $0x7F800000, v28;
	vm5 =	veq.s32 v22, v9;
	v40 =	vmin.f32 v40, v39  }
0x1af: {  	v27 =	vsel vm6, $0x7F800000, v27;
	vm6 =	veq.s32 v22, v8;
	v40 =	vmin.f32 v40, v28  }
0x1b0: {  	v26 =	vsel vm5, $0x7F800000, v26;
	vm5 =	veq.s32 v22, v7;
	v41 =	vmin.f32 v40, v27  }
0x1b1: {  	v40 =	vsel vm6, $0x7F800000, v25;
	vm6 =	veq.s32 v22, v6;
	v25 =	vmin.f32 v41, v26  }
0x1b2: {  	v41 =	vsel vm5, $0x7F800000, v24;
	vm5 =	veq.s32 v22, v5;
	v24 =	vmin.f32 v25, v40  }
0x1b3: {  	v29 =	vsel vm6, $0x7F800000, v29;
	v24 =	vmin.f32 v24, v41  }
0x1b4: {  	v31 =	vsel vm5, $0x7F800000, v31;
	v24 =	vmin.f32 v24, v29  }
0x1b5: {  	v24 =	vmin.f32 v24, v31  }
0x1b6: {  	v25 =	vperm.xlane v24, v0;
	_ =	sdelay $0x1  }
0x1b7: {  	v24 =	vmin.f32 v24, v25  }
0x1b8: {  	v25 =	vperm.xlane v24, v1;
	_ =	sdelay $0x1  }
0x1b9: {  	v24 =	vmin.f32 v24, v25  }
0x1ba: {  	v25 =	vperm.xlane v24, v2;
	_ =	sdelay $0x1  }
0x1bb: {  	v24 =	vmin.f32 v24, v25  }
0x1bc: {  	v25 =	vperm.xlane v24, v3;
	_ =	sdelay $0x1  }
0x1bd: {  	v25 =	vmin.f32 v24, v25  }
0x1be: {  	vm5 =	veq.f32 v30, v25;
	vm6 =	veq.f32 v39, v25;
	vm7 =	veq.f32 v31, v25  }
0x1bf: {  	vm8 =	veq.f32 v38, v25;
	vm9 =	veq.f32 v29, v25;
	v24 =	vnsel vm7, $0x7F, v5  }
0x1c0: {  	vm10 =	veq.f32 v41, v25;
	vm7 =	veq.f32 v35, v25;
	v24 =	vsel vm9, v6, v24  }
0x1c1: {  	vm11 =	veq.f32 v40, v25;
	vm9 =	veq.f32 v37, v25;
	v24 =	vsel vm10, v7, v24  }
0x1c2: {  	vm12 =	veq.f32 v26, v25;
	vm10 =	veq.f32 v34, v25;
	v24 =	vsel vm11, v8, v24  }
0x1c3: {  	vm13 =	veq.f32 v27, v25;
	vm11 =	veq.f32 v36, v25;
	v24 =	vsel vm12, v9, v24  }
0x1c4: {  	vm14 =	veq.f32 v28, v25;
	vm12 =	veq.f32 v33, v25;
	v24 =	vsel vm13, v10, v24  }
0x1c5: {  	vm13 =	veq.f32 v32, v25;
	v24 =	vsel vm14, v11, v24  }
0x1c6: {  	v24 =	vsel vm6, v12, v24  }
0x1c7: {  	v24 =	vsel vm5, v13, v24  }
0x1c8: {  	v24 =	vsel vm8, v14, v24  }
0x1c9: {  	v24 =	vsel vm7, v15, v24  }
0x1ca: {  	v24 =	vsel vm9, v16, v24  }
0x1cb: {  	v24 =	vsel vm10, v17, v24  }
0x1cc: {  	v24 =	vsel vm11, v18, v24  }
0x1cd: {  	v24 =	vsel vm12, v19, v24  }
0x1ce: {  	v24 =	vsel vm13, v4, v24  }
0x1cf: {  	v42 =	vperm.xlane v24, v0;
	_ =	sdelay $0x1  }
0x1d0: {  	vm5 =	vlt.s32 v24, v42  }
0x1d1: {  	v24 =	vsel vm5, v24, v42  }
0x1d2: {  	v42 =	vperm.xlane v24, v1;
	_ =	sdelay $0x1  }
0x1d3: {  	vm5 =	vlt.s32 v24, v42  }
0x1d4: {  	v24 =	vsel vm5, v24, v42  }
0x1d5: {  	v42 =	vperm.xlane v24, v2;
	_ =	sdelay $0x1  }
0x1d6: {  	vm5 =	vlt.s32 v24, v42  }
0x1d7: {  	v24 =	vsel vm5, v24, v42  }
0x1d8: {  	v42 =	vperm.xlane v24, v3;
	_ =	sdelay $0x1  }
0x1d9: {  	vm5 =	vlt.s32 v24, v42  }
0x1da: {  	v24 =	vsel vm5, v24, v42  }
0x1db: {  	vm5 =	veq.s32 v24, v4;
	vm6 =	veq.s32 v24, v19;
	vm7 =	veq.s32 v24, v18  }
0x1dc: {  	v32 =	vsel vm5, $0x7F800000, v32;
	v33 =	vsel vm6, $0x7F800000, v33;
	v36 =	vsel vm7, $0x7F800000, v36  }
0x1dd: {  	vm5 =	veq.s32 v24, v17;
	vm6 =	veq.s32 v24, v16;
	v42 =	vmin.f32 v32, v33  }
0x1de: {  	v34 =	vsel vm5, $0x7F800000, v34;
	v37 =	vsel vm6, $0x7F800000, v37;
	v42 =	vmin.f32 v42, v36  }
0x1df: {  	vm5 =	veq.s32 v24, v15;
	vm6 =	veq.s32 v24, v14;
	v42 =	vmin.f32 v42, v34  }
0x1e0: {  	v35 =	vsel vm5, $0x7F800000, v35;
	v38 =	vsel vm6, $0x7F800000, v38;
	v42 =	vmin.f32 v42, v37  }
0x1e1: {  	vm5 =	veq.s32 v24, v13;
	vm6 =	veq.s32 v24, v12;
	v42 =	vmin.f32 v42, v35  }
0x1e2: {  	v30 =	vsel vm5, $0x7F800000, v30;
	v39 =	vsel vm6, $0x7F800000, v39;
	v42 =	vmin.f32 v42, v38  }
0x1e3: {  	vm5 =	veq.s32 v24, v11;
	vm6 =	veq.s32 v24, v10;
	v42 =	vmin.f32 v42, v30  }
0x1e4: {  	v28 =	vsel vm5, $0x7F800000, v28;
	vm5 =	veq.s32 v24, v9;
	v43 =	vmin.f32 v42, v39  }
0x1e5: {  	v42 =	vsel vm6, $0x7F800000, v27;
	vm6 =	veq.s32 v24, v8;
	v27 =	vmin.f32 v43, v28  }
0x1e6: {  	v43 =	vsel vm5, $0x7F800000, v26;
	vm5 =	veq.s32 v24, v7;
	v26 =	vmin.f32 v27, v42  }
0x1e7: {  	v40 =	vsel vm6, $0x7F800000, v40;
	vm6 =	veq.s32 v24, v6;
	v26 =	vmin.f32 v26, v43  }
0x1e8: {  	v41 =	vsel vm5, $0x7F800000, v41;
	vm5 =	veq.s32 v24, v5;
	v26 =	vmin.f32 v26, v40  }
0x1e9: {  	v29 =	vsel vm6, $0x7F800000, v29;
	v26 =	vmin.f32 v26, v41  }
0x1ea: {  	v31 =	vsel vm5, $0x7F800000, v31;
	v26 =	vmin.f32 v26, v29  }
0x1eb: {  	v26 =	vmin.f32 v26, v31  }
0x1ec: {  	v27 =	vperm.xlane v26, v0;
	_ =	sdelay $0x1  }
0x1ed: {  	v26 =	vmin.f32 v26, v27  }
0x1ee: {  	v27 =	vperm.xlane v26, v1;
	_ =	sdelay $0x1  }
0x1ef: {  	v26 =	vmin.f32 v26, v27  }
0x1f0: {  	v27 =	vperm.xlane v26, v2;
	_ =	sdelay $0x1  }
0x1f1: {  	v26 =	vmin.f32 v26, v27  }
0x1f2: {  	v27 =	vperm.xlane v26, v3;
	_ =	sdelay $0x1  }
0x1f3: {  	v27 =	vmin.f32 v26, v27  }
0x1f4: {  	vm5 =	veq.f32 v30, v27;
	vm6 =	veq.f32 v39, v27;
	vm7 =	veq.f32 v31, v27  }
0x1f5: {  	vm8 =	veq.f32 v38, v27;
	vm9 =	veq.f32 v29, v27;
	v26 =	vnsel vm7, $0x7F, v5  }
0x1f6: {  	vm10 =	veq.f32 v41, v27;
	vm7 =	veq.f32 v35, v27;
	v26 =	vsel vm9, v6, v26  }
0x1f7: {  	vm11 =	veq.f32 v40, v27;
	vm9 =	veq.f32 v37, v27;
	v26 =	vsel vm10, v7, v26  }
0x1f8: {  	vm12 =	veq.f32 v43, v27;
	vm10 =	veq.f32 v34, v27;
	v26 =	vsel vm11, v8, v26  }
0x1f9: {  	vm13 =	veq.f32 v42, v27;
	vm11 =	veq.f32 v36, v27;
	v26 =	vsel vm12, v9, v26  }
0x1fa: {  	vm14 =	veq.f32 v28, v27;
	vm12 =	veq.f32 v33, v27;
	v26 =	vsel vm13, v10, v26  }
0x1fb: {  	vm13 =	veq.f32 v32, v27;
	v26 =	vsel vm14, v11, v26  }
0x1fc: {  	v26 =	vsel vm6, v12, v26  }
0x1fd: {  	v26 =	vsel vm5, v13, v26  }
0x1fe: {  	v26 =	vsel vm8, v14, v26  }
0x1ff: {  	v26 =	vsel vm7, v15, v26  }
0x200: {  	v26 =	vsel vm9, v16, v26  }
0x201: {  	v26 =	vsel vm10, v17, v26  }
0x202: {  	v26 =	vsel vm11, v18, v26  }
0x203: {  	v26 =	vsel vm12, v19, v26  }
0x204: {  	v26 =	vsel vm13, v4, v26  }
0x205: {  	v44 =	vperm.xlane v26, v0;
	_ =	sdelay $0x1  }
0x206: {  	vm5 =	vlt.s32 v26, v44  }
0x207: {  	v26 =	vsel vm5, v26, v44  }
0x208: {  	v44 =	vperm.xlane v26, v1;
	_ =	sdelay $0x1  }
0x209: {  	vm5 =	vlt.s32 v26, v44  }
0x20a: {  	v26 =	vsel vm5, v26, v44  }
0x20b: {  	v44 =	vperm.xlane v26, v2;
	_ =	sdelay $0x1  }
0x20c: {  	vm5 =	vlt.s32 v26, v44  }
0x20d: {  	v26 =	vsel vm5, v26, v44  }
0x20e: {  	v44 =	vperm.xlane v26, v3;
	_ =	sdelay $0x1  }
0x20f: {  	vm5 =	vlt.s32 v26, v44  }
0x210: {  	v26 =	vsel vm5, v26, v44  }
0x211: {  	vm5 =	veq.s32 v26, v4;
	vm6 =	veq.s32 v26, v19;
	vm7 =	veq.s32 v26, v18  }
0x212: {  	v32 =	vsel vm5, $0x7F800000, v32;
	v33 =	vsel vm6, $0x7F800000, v33;
	v36 =	vsel vm7, $0x7F800000, v36  }
0x213: {  	vm5 =	veq.s32 v26, v17;
	vm6 =	veq.s32 v26, v16;
	v44 =	vmin.f32 v32, v33  }
0x214: {  	v34 =	vsel vm5, $0x7F800000, v34;
	v37 =	vsel vm6, $0x7F800000, v37;
	v44 =	vmin.f32 v44, v36  }
0x215: {  	vm5 =	veq.s32 v26, v15;
	vm6 =	veq.s32 v26, v14;
	v44 =	vmin.f32 v44, v34  }
0x216: {  	v35 =	vsel vm5, $0x7F800000, v35;
	v38 =	vsel vm6, $0x7F800000, v38;
	v44 =	vmin.f32 v44, v37  }
0x217: {  	vm5 =	veq.s32 v26, v13;
	vm6 =	veq.s32 v26, v12;
	v44 =	vmin.f32 v44, v35  }
0x218: {  	v30 =	vsel vm5, $0x7F800000, v30;
	v39 =	vsel vm6, $0x7F800000, v39;
	v44 =	vmin.f32 v44, v38  }
0x219: {  	vm5 =	veq.s32 v26, v11;
	vm6 =	veq.s32 v26, v10;
	v44 =	vmin.f32 v44, v30  }
0x21a: {  	v28 =	vsel vm5, $0x7F800000, v28;
	vm5 =	veq.s32 v26, v9;
	v44 =	vmin.f32 v44, v39  }
0x21b: {  	v42 =	vsel vm6, $0x7F800000, v42;
	vm6 =	veq.s32 v26, v8;
	v44 =	vmin.f32 v44, v28  }
0x21c: {  	v43 =	vsel vm5, $0x7F800000, v43;
	vm5 =	veq.s32 v26, v7;
	v44 =	vmin.f32 v44, v42  }
0x21d: {  	v40 =	vsel vm6, $0x7F800000, v40;
	vm6 =	veq.s32 v26, v6;
	v44 =	vmin.f32 v44, v43  }
0x21e: {  	v41 =	vsel vm5, $0x7F800000, v41;
	vm5 =	veq.s32 v26, v5;
	v44 =	vmin.f32 v44, v40  }
0x21f: {  	v29 =	vsel vm6, $0x7F800000, v29;
	v44 =	vmin.f32 v44, v41  }
0x220: {  	v31 =	vsel vm5, $0x7F800000, v31;
	v44 =	vmin.f32 v44, v29  }
0x221: {  	v44 =	vmin.f32 v44, v31  }
0x222: {  	v45 =	vperm.xlane v44, v0;
	_ =	sdelay $0x1  }
0x223: {  	v44 =	vmin.f32 v44, v45  }
0x224: {  	v45 =	vperm.xlane v44, v1;
	_ =	sdelay $0x1  }
0x225: {  	v44 =	vmin.f32 v44, v45  }
0x226: {  	v45 =	vperm.xlane v44, v2;
	_ =	sdelay $0x1  }
0x227: {  	v21 =	vnsel vm0, $0x0, v21;
	v44 =	vmin.f32 v44, v45  }
0x228: {  	v21 =	vsel vm1, v21, v23;
	v23 =	vperm.xlane v44, v3  }
0x229: {  	v21 =	vsel vm2, v21, v25  }
0x22a: {  	v21 =	vsel vm3, v21, v27;
	v23 =	vmin.f32 v44, v23  }
0x22b: {  	vm5 =	veq.f32 v30, v23;
	vm7 =	veq.f32 v39, v23;
	vm8 =	veq.f32 v31, v23  }
0x22c: {  	vm6 =	veq.f32 v38, v23;
	vm9 =	veq.f32 v29, v23;
	v25 =	vnsel vm8, $0x7F, v5  }
0x22d: {  	vm10 =	veq.f32 v41, v23;
	vm8 =	veq.f32 v35, v23;
	v25 =	vsel vm9, v6, v25  }
0x22e: {  	vm11 =	veq.f32 v40, v23;
	vm9 =	veq.f32 v37, v23;
	v25 =	vsel vm10, v7, v25  }
0x22f: {  	vm12 =	veq.f32 v43, v23;
	vm10 =	veq.f32 v34, v23;
	v25 =	vsel vm11, v8, v25  }
0x230: {  	vm13 =	veq.f32 v42, v23;
	vm11 =	veq.f32 v36, v23;
	v25 =	vsel vm12, v9, v25  }
0x231: {  	vm14 =	veq.f32 v28, v23;
	vm12 =	veq.f32 v33, v23;
	v25 =	vsel vm13, v10, v25  }
0x232: {  	v21 =	vsel vm4, v21, v23;
	vm13 =	veq.f32 v32, v23;
	v25 =	vsel vm14, v11, v25  }
0x233: {  	v23 =	vsel vm7, v12, v25;
	[tilespmem:$0x880] =	vst v21  }
0x234: {  	v21 =	vsel vm5, v13, v23  }
0x235: {  	v21 =	vsel vm6, v14, v21  }
0x236: {  	v21 =	vsel vm8, v15, v21  }
0x237: {  	v21 =	vsel vm9, v16, v21  }
0x238: {  	v21 =	vsel vm10, v17, v21  }
0x239: {  	v21 =	vsel vm11, v18, v21  }
0x23a: {  	v21 =	vsel vm12, v19, v21  }
0x23b: {  	v21 =	vsel vm13, v4, v21  }
0x23c: {  	v23 =	vperm.xlane v21, v0;
	_ =	sdelay $0x1  }
0x23d: {  	vm5 =	vlt.s32 v21, v23  }
0x23e: {  	v21 =	vsel vm5, v21, v23  }
0x23f: {  	v23 =	vperm.xlane v21, v1;
	_ =	sdelay $0x1  }
0x240: {  	vm5 =	vlt.s32 v21, v23  }
0x241: {  	v21 =	vsel vm5, v21, v23  }
0x242: {  	v23 =	vperm.xlane v21, v2;
	_ =	sdelay $0x1  }
0x243: {  	vm5 =	vlt.s32 v21, v23  }
0x244: {  	v21 =	vsel vm5, v21, v23  }
0x245: {  	v20 =	vnsel vm0, $0x0, v20;
	v23 =	vperm.xlane v21, v3  }
0x246: {  	v20 =	vsel vm1, v20, v22  }
0x247: {  	v20 =	vsel vm2, v20, v24;
	vm5 =	vlt.s32 v21, v23  }
0x248: {  	v20 =	vsel vm3, v20, v26;
	v21 =	vsel vm5, v21, v23  }
0x249: {  	v20 =	vsel vm4, v20, v21  }
0x24a: {  	[tilespmem:$0x800] =	vst v20  }
0x24b: {  	[hbm4b:s3+s5] =	stream.linear.scatter [tilespmem:s6], [sflag:$0x1], $0x80, $0x38;
	[tilespmem:$0x900] =	vst v63  }
.Ltmp2:
0x24c: {  	_ = 	snop;
	(pc) =	sbr.rel @p0 .LBB2_2-.Ltmp2, $4  }
0x24d: {  	_ =	swait.ge [sflag:s4], $0x80  }
0x24e: {  	[sflag:s4] =	ssyncset.done $0x0  }
0x24f: {  	[sflag:s4] =	ssyncadd.s32 $0xFFFFFF80  }
0x250: {  	[hbm4b:s7+s5] =	stream.linear.scatter [tilespmem:s8], [sflag:$0x1], $0x80, $0x38;
	[tilespmem:$0x900] =	vst v63  }
.LBB2_3:
0x251: {  	_ =	swait.ge [sflag:s4], $0x80  }
0x252: {  	[sflag:s4] =	ssyncset.done $0x0  }
0x253: {  	[sflag:s4] =	ssyncadd.s32 $0xFFFFFF80  }
.LBB2_4:
0x254: {  	_ =	sfence.sel $0x180000  }
0x255: {  	[bflag:$0x0] =	sbarrier.arrive $0xFFFF  }
0x256: {  	p0 =	sne.s32 s0, $0x0;
	_ =	strace $0x9000004A  }
0x257: {  	s0 =	sadd.s32 @!p0 $0x100000, s1;
	[bflag:$0x2] =	sbarrier.arrive $0xFFFF  }
0x258: {  	[sflag:s0] =	ssyncadd.tile.s32 @!p0 $0x1;
	_ =	shalt  }
.Lfunc_end2:
_tile_overlayer_lowered:
.L_overlay_start_2:
0x259: {  	(tag) =	ssettag $0x2  }
0x25a: {  	s0 =	rddreg [dreg:$0x0];
	s2 =	stileid.u32  }
0x25b: {  	s1 =	rddreg [dreg:$0x1];
	p0 =	sne.s32 s2, $0x0  }
0x25c: {  	s3 =	rddreg [dreg:$0x2];
	[bflag:$0x3] =	sbarrier.arrive $0xFFFF;
	s2 =	simm.s32 @!p0 $0x1C01  }
0x25d: {  	[timem:s3], [sflag:s2] =	dma.local @!p0 [hbm:s0], s1  }
0x25e: {  	s0 =	simm.s32 @!p0 $0x1  }
0x25f: {  	_ =	swait.ge @!p0 [sflag:s0], s1  }
0x260: {  	s1 =	ssub.s32 @!p0 $0x0, s1;
	[sflag:s0] =	ssyncset.done @!p0 $0x0  }
0x261: {  	[sflag:s0] =	ssyncadd.s32 @!p0 s1  }
0x262: {  	[bflag:$0x3] =	sbarrier.arrive $0xFFFF  }
0x263: {  	_ =	shalt  }

</sc_bundles>
